<compile_context>
chip_gen: v7x
topology: tpu7x:2x2x1
jax: 0.10.2.dev20260603
libtpu: 0.0.44.dev20260713+nightly
codegen_flags: <defaults>
</compile_context>

<pallas_src>
import functools

import jax
import jax.numpy as jnp
from jax import lax
from jax.experimental import pallas as pl
from jax.experimental.pallas import tpu as pltpu
from jax.experimental.pallas import tpu_sc as plsc

VOCAB = 100000
HIDDEN = 768
EPS = 1e-5
LANES = 16
NJ = HIDDEN // LANES

CHUNK = 32


def _row_body(buf, gam_v, bet_v, r):
    s = jnp.zeros((LANES,), jnp.float32)
    s2 = jnp.zeros((LANES,), jnp.float32)
    for j in range(NJ):
        v = buf[r, pl.ds(j * LANES, LANES)]
        s = s + v
        s2 = s2 + v * v
    tot = jnp.sum(s)
    tot2 = jnp.sum(s2)
    mean = tot * (1.0 / HIDDEN)
    var = tot2 * (1.0 / HIDDEN) - mean * mean
    x = var + EPS
    i = lax.bitcast_convert_type(x, jnp.int32)
    i = jnp.int32(0x5F3759DF) - lax.shift_right_logical(i, 1)
    y = lax.bitcast_convert_type(i, jnp.float32)
    for _ in range(3):
        y = y * (1.5 - 0.5 * x * y * y)
    rstd = y
    for j in range(NJ):
        sl = pl.ds(j * LANES, LANES)
        v = buf[r, sl]
        g = gam_v[sl]
        b = bet_v[sl]
        buf[r, sl] = (v - mean) * (rstd * g) + b
    return r


def _make_kernel(n_rows):
    info = plsc.get_sparse_core_info()
    nw = info.num_cores * info.num_subcores
    bpw = n_rows // nw
    nchunk = bpw // CHUNK
    mesh = plsc.VectorSubcoreMesh(core_axis_name="c", subcore_axis_name="s")

    @functools.partial(
        pl.kernel,
        out_type=jax.ShapeDtypeStruct((n_rows, HIDDEN), jnp.float32),
        mesh=mesh,
        compiler_params=pltpu.CompilerParams(needs_layout_passes=False),
        scratch_types=[
            pltpu.VMEM((bpw,), jnp.int32),
            pltpu.VMEM((CHUNK, HIDDEN), jnp.float32),
            pltpu.VMEM((CHUNK, HIDDEN), jnp.float32),
            pltpu.VMEM((HIDDEN,), jnp.float32),
            pltpu.VMEM((HIDDEN,), jnp.float32),
            pltpu.SemaphoreType.DMA,
            pltpu.SemaphoreType.DMA,
            pltpu.SemaphoreType.DMA,
            pltpu.SemaphoreType.DMA,
        ],
    )
    def kern(ids_hbm, table_hbm, gamma_hbm, beta_hbm, out_hbm,
             idx_v, buf0, buf1, gam_v, bet_v, g0, g1, o0, o1):
        wid = lax.axis_index("s") * info.num_cores + lax.axis_index("c")
        base = wid * bpw
        bufs = (buf0, buf1)
        gsems = (g0, g1)
        osems = (o0, o1)

        pltpu.sync_copy(ids_hbm.at[pl.ds(base, bpw)], idx_v)
        pltpu.sync_copy(gamma_hbm, gam_v)
        pltpu.sync_copy(beta_hbm, bet_v)
        pltpu.async_copy(table_hbm.at[idx_v.at[pl.ds(0, CHUNK)]], buf0, g0)

        def outer(g, carry):
            for b in (0, 1):
                c = 2 * g + b
                nb = 1 - b
                cond_wait = (g >= 1) if b == 0 else None
                cond_pref = None if b == 0 else (g < nchunk // 2 - 1)

                def wait_prev_store():
                    pltpu.make_async_copy(
                        bufs[nb],
                        out_hbm.at[pl.ds(base + (c - 1) * CHUNK, CHUNK)],
                        osems[nb]).wait()

                def prefetch_next():
                    pltpu.async_copy(
                        table_hbm.at[idx_v.at[pl.ds((c + 1) * CHUNK, CHUNK)]],
                        bufs[nb], gsems[nb])

                if cond_wait is None:
                    wait_prev_store()
                else:
                    pl.when(cond_wait)(wait_prev_store)
                if cond_pref is None:
                    prefetch_next()
                else:
                    pl.when(cond_pref)(prefetch_next)

                pltpu.make_async_copy(
                    table_hbm.at[idx_v.at[pl.ds(c * CHUNK, CHUNK)]],
                    bufs[b], gsems[b]).wait()
                lax.fori_loop(
                    0, CHUNK,
                    lambda r, _, _b=b: _row_body(bufs[_b], gam_v, bet_v, r),
                    0)
                pltpu.async_copy(
                    bufs[b], out_hbm.at[pl.ds(base + c * CHUNK, CHUNK)],
                    osems[b])
            return carry

        lax.fori_loop(0, nchunk // 2, outer, 0)
        pltpu.make_async_copy(
            buf1, out_hbm.at[pl.ds(base + (nchunk - 1) * CHUNK, CHUNK)],
            o1).wait()

    return kern


def kernel(input_ids, table, gamma, beta):
    bsz, seq = input_ids.shape
    n_rows = bsz * seq
    ids_flat = input_ids.reshape(n_rows)
    out = _make_kernel(n_rows)(ids_flat, table, gamma, beta)
    return out.reshape(bsz, seq, HIDDEN)

# --- scband reference (transcript-rebuilt; emitter-appended) ---
"""Pipeline reference for scband-bi-cebert-embeddings-49495203119443 (READ-ONLY COPY).

The authoritative reference and input builder live on the scoring server;
editing this copy changes nothing except your own understanding.
"""

import jax, jax.numpy as jnp
import numpy as np

VOCAB = 100000
HIDDEN = 768
EPS = 1e-5


def setup_inputs(seed: int = 0) -> dict:
    key = jax.random.key(seed)
    k1, k2 = jax.random.split(key)
    input_ids = jax.random.randint(k1, (4, 8192), 0, VOCAB, dtype=jnp.int64 if jax.config.jax_enable_x64 else jnp.int32).astype(jnp.int32)
    table = jax.random.normal(k2, (VOCAB, HIDDEN), dtype=jnp.float32) * 0.02
    gamma = jnp.ones((HIDDEN,), dtype=jnp.float32)
    beta = jnp.zeros((HIDDEN,), dtype=jnp.float32)
    return {"input_ids": input_ids, "table": table, "gamma": gamma, "beta": beta}


def reference(input_ids, table, gamma, beta):
    # embedding lookup (gather)
    x = jnp.take(table, input_ids, axis=0)  # [B, S, H]
    # LayerNorm over last dim (eval mode; dropout p=0.0 is identity)
    mean = jnp.mean(x, axis=-1, keepdims=True)
    var = jnp.mean(jnp.square(x - mean), axis=-1, keepdims=True)
    xhat = (x - mean) / jnp.sqrt(var + EPS)
    out = xhat * gamma + beta
    return out

if __name__ == "__main__":
    import jax
    _d = setup_inputs()
    print(jax.jit(kernel)(*tuple(_d.values())))

</pallas_src>

<mosaic_0001>
#map = affine_map<(d0, d1) -> (0)>
#map1 = affine_map<(d0, d1) -> (0, 0)>
module attributes {stable_mosaic.version = 14 : i64} {
  func.func @kern(%arg0: i32, %arg1: i32, %arg2: memref<32768xi32, #tpu.memory_space<hbm>>, %arg3: memref<100000x768xf32, #tpu.memory_space<hbm>>, %arg4: memref<768xf32, #tpu.memory_space<hbm>>, %arg5: memref<768xf32, #tpu.memory_space<hbm>>, %arg6: memref<32768x768xf32, #tpu.memory_space<hbm>>, %arg7: memref<1024xi32, #tpu.memory_space<vmem>>, %arg8: memref<32x768xf32, #tpu.memory_space<vmem>>, %arg9: memref<32x768xf32, #tpu.memory_space<vmem>>, %arg10: memref<768xf32, #tpu.memory_space<vmem>>, %arg11: memref<768xf32, #tpu.memory_space<vmem>>, %arg12: memref<!tpu.dma_semaphore, #tpu.memory_space<semaphore_mem>>, %arg13: memref<!tpu.dma_semaphore, #tpu.memory_space<semaphore_mem>>, %arg14: memref<!tpu.dma_semaphore, #tpu.memory_space<semaphore_mem>>, %arg15: memref<!tpu.dma_semaphore, #tpu.memory_space<semaphore_mem>>) attributes {dimension_semantics = [#tpu.dimension_semantics<core_parallel>, #tpu.dimension_semantics<subcore_parallel>], iteration_bounds = array<i64: 2, 16>, scalar_prefetch = 0 : i64, scratch_operands = 9 : i64, tpu.core_type = #tpu.core_type<sc_vector_subcore>, window_params = [{transform_indices = #map}, {transform_indices = #map1}, {transform_indices = #map}, {transform_indices = #map}, {transform_indices = #map1}]} {
    %mul3A = arith.constant 2 : i32
    %mul3A_0 = arith.muli %arg1, %mul3A : i32
    %add3A = arith.addi %mul3A_0, %arg0 : i32
    %mul3A_1 = arith.constant 1024 : i32
    %mul3A_2 = arith.muli %add3A, %mul3A_1 : i32
    "tpu.region"() ({
      %run_scoped3A = tpu.sem_alloc : memref<!tpu.dma_semaphore, #tpu.memory_space<semaphore_mem>>
      %dma_start3A_17 = tpu.memref_slice %arg2[%mul3A_2] : memref<32768xi32, #tpu.memory_space<hbm>> -> memref<1024xi32, #tpu.memory_space<hbm>>
      %dma_start3A_18 = tpu.memref_slice %arg2[%mul3A_2] : memref<32768xi32, #tpu.memory_space<hbm>> -> memref<1024xi32, #tpu.memory_space<hbm>>
      tpu.enqueue_dma source(%dma_start3A_18 : memref<1024xi32, #tpu.memory_space<hbm>>) target(%arg7 : memref<1024xi32, #tpu.memory_space<vmem>>) target_semaphore(%run_scoped3A : memref<!tpu.dma_semaphore, #tpu.memory_space<semaphore_mem>>)
      %dma_wait3A_19 = tpu.memref_slice %arg2[%mul3A_2] : memref<32768xi32, #tpu.memory_space<hbm>> -> memref<1024xi32, #tpu.memory_space<hbm>>
      %dma_wait3A_20 = tpu.memref_slice %arg2[%mul3A_2] : memref<32768xi32, #tpu.memory_space<hbm>> -> memref<1024xi32, #tpu.memory_space<hbm>>
      tpu.wait_dma2 semaphore(%run_scoped3A : memref<!tpu.dma_semaphore, #tpu.memory_space<semaphore_mem>>) src(%dma_wait3A_20 : memref<1024xi32, #tpu.memory_space<hbm>>) dst(%arg7 : memref<1024xi32, #tpu.memory_space<vmem>>)
      tpu.yield
    }) : () -> ()
    "tpu.region"() ({
      %run_scoped3A = tpu.sem_alloc : memref<!tpu.dma_semaphore, #tpu.memory_space<semaphore_mem>>
      tpu.enqueue_dma source(%arg4 : memref<768xf32, #tpu.memory_space<hbm>>) target(%arg10 : memref<768xf32, #tpu.memory_space<vmem>>) target_semaphore(%run_scoped3A : memref<!tpu.dma_semaphore, #tpu.memory_space<semaphore_mem>>)
      tpu.wait_dma2 semaphore(%run_scoped3A : memref<!tpu.dma_semaphore, #tpu.memory_space<semaphore_mem>>) src(%arg4 : memref<768xf32, #tpu.memory_space<hbm>>) dst(%arg10 : memref<768xf32, #tpu.memory_space<vmem>>)
      tpu.yield
    }) : () -> ()
    "tpu.region"() ({
      %run_scoped3A = tpu.sem_alloc : memref<!tpu.dma_semaphore, #tpu.memory_space<semaphore_mem>>
      tpu.enqueue_dma source(%arg5 : memref<768xf32, #tpu.memory_space<hbm>>) target(%arg11 : memref<768xf32, #tpu.memory_space<vmem>>) target_semaphore(%run_scoped3A : memref<!tpu.dma_semaphore, #tpu.memory_space<semaphore_mem>>)
      tpu.wait_dma2 semaphore(%run_scoped3A : memref<!tpu.dma_semaphore, #tpu.memory_space<semaphore_mem>>) src(%arg5 : memref<768xf32, #tpu.memory_space<hbm>>) dst(%arg11 : memref<768xf32, #tpu.memory_space<vmem>>)
      tpu.yield
    }) : () -> ()
    %dma_start3A = arith.constant 0 : i32
    %dma_start3A_3 = tpu.memref_slice %arg7[%dma_start3A] : memref<1024xi32, #tpu.memory_space<vmem>> -> memref<32xi32, #tpu.memory_space<vmem>>
    %dma_start3A_4 = arith.constant 0 : i32
    %dma_start3A_5 = arith.constant 0 : i32
    %dma_start3A_6 = tpu.memref_slice %arg3[%dma_start3A_4, %dma_start3A_5] : memref<100000x768xf32, #tpu.memory_space<hbm>> -> memref<100000x768xf32, #tpu.memory_space<hbm>>
    tpu.enqueue_indirect_dma source(%dma_start3A_6 : memref<100000x768xf32, #tpu.memory_space<hbm>>) target(%arg8 : memref<32x768xf32, #tpu.memory_space<vmem>>) offsets(%dma_start3A_3 : memref<32xi32, #tpu.memory_space<vmem>>) semaphore(%arg12 : memref<!tpu.dma_semaphore, #tpu.memory_space<semaphore_mem>>)
    %scan3A = arith.constant 0 : i32
    %scan3A_7 = arith.constant 0 : i32
    %scan3A_8 = arith.constant 16 : i32
    %scan3A_9 = arith.addi %scan3A_7, %scan3A_8 : i32
    %scan3A_10 = arith.constant 1 : i32
    scf.for %scan3A_17 = %scan3A_7 to %scan3A_9 step %scan3A_10  : i32 {
      %mul3A_18 = arith.constant 2 : i32
      %mul3A_19 = arith.muli %mul3A_18, %scan3A_17 : i32
      %add3A_20 = arith.constant 0 : i32
      %add3A_21 = arith.addi %mul3A_19, %add3A_20 : i32
      %ge3A = arith.constant 1 : i32
      %ge3A_22 = arith.cmpi sge, %scan3A_17, %ge3A : i32
      %convert_element_type3A = arith.extui %ge3A_22 : i1 to i32
      %cond3A = arith.constant 0 : i32
      %cond3A_23 = arith.cmpi ne, %convert_element_type3A, %cond3A : i32
      scf.if %cond3A_23 {
        %sub3A_88 = arith.constant 1 : i32
        %sub3A_89 = arith.subi %add3A_21, %sub3A_88 : i32
        %mul3A_90 = arith.constant 32 : i32
        %mul3A_91 = arith.muli %sub3A_89, %mul3A_90 : i32
        %add3A_92 = arith.addi %mul3A_2, %mul3A_91 : i32
        %dma_wait3A_93 = arith.constant 0 : i32
        %dma_wait3A_94 = tpu.memref_slice %arg6[%add3A_92, %dma_wait3A_93] : memref<32768x768xf32, #tpu.memory_space<hbm>> -> memref<32x768xf32, #tpu.memory_space<hbm>>
        %dma_wait3A_95 = arith.constant 0 : i32
        %dma_wait3A_96 = tpu.memref_slice %arg6[%add3A_92, %dma_wait3A_95] : memref<32768x768xf32, #tpu.memory_space<hbm>> -> memref<32x768xf32, #tpu.memory_space<hbm>>
        tpu.wait_dma2 semaphore(%arg15 : memref<!tpu.dma_semaphore, #tpu.memory_space<semaphore_mem>>) src(%arg9 : memref<32x768xf32, #tpu.memory_space<vmem>>) dst(%dma_wait3A_96 : memref<32x768xf32, #tpu.memory_space<hbm>>)
      } else {
      }
      %add3A_24 = arith.constant 1 : i32
      %add3A_25 = arith.addi %add3A_21, %add3A_24 : i32
      %mul3A_26 = arith.constant 32 : i32
      %mul3A_27 = arith.muli %add3A_25, %mul3A_26 : i32
      %dma_start3A_28 = tpu.memref_slice %arg7[%mul3A_27] : memref<1024xi32, #tpu.memory_space<vmem>> -> memref<32xi32, #tpu.memory_space<vmem>>
      %dma_start3A_29 = arith.constant 0 : i32
      %dma_start3A_30 = arith.constant 0 : i32
      %dma_start3A_31 = tpu.memref_slice %arg3[%dma_start3A_29, %dma_start3A_30] : memref<100000x768xf32, #tpu.memory_space<hbm>> -> memref<100000x768xf32, #tpu.memory_space<hbm>>
      tpu.enqueue_indirect_dma source(%dma_start3A_31 : memref<100000x768xf32, #tpu.memory_space<hbm>>) target(%arg9 : memref<32x768xf32, #tpu.memory_space<vmem>>) offsets(%dma_start3A_28 : memref<32xi32, #tpu.memory_space<vmem>>) semaphore(%arg13 : memref<!tpu.dma_semaphore, #tpu.memory_space<semaphore_mem>>)
      %mul3A_32 = arith.constant 32 : i32
      %mul3A_33 = arith.muli %add3A_21, %mul3A_32 : i32
      %dma_wait3A_34 = tpu.memref_slice %arg7[%mul3A_33] : memref<1024xi32, #tpu.memory_space<vmem>> -> memref<32xi32, #tpu.memory_space<vmem>>
      %dma_wait3A_35 = arith.constant 0 : i32
      %dma_wait3A_36 = arith.constant 0 : i32
      %dma_wait3A_37 = tpu.memref_slice %arg3[%dma_wait3A_35, %dma_wait3A_36] : memref<100000x768xf32, #tpu.memory_space<hbm>> -> memref<100000x768xf32, #tpu.memory_space<hbm>>
      tpu.wait_indirect_dma semaphore(%arg12 : memref<!tpu.dma_semaphore, #tpu.memory_space<semaphore_mem>>) src(%dma_wait3A_37 : memref<100000x768xf32, #tpu.memory_space<hbm>>) dst(%arg8 : memref<32x768xf32, #tpu.memory_space<vmem>>)
      %scan3A_38 = arith.constant 0 : i32
      %scan3A_39 = arith.constant 0 : i32
      %scan3A_40 = arith.constant 32 : i32
      %scan3A_41 = arith.addi %scan3A_39, %scan3A_40 : i32
      %scan3A_42 = arith.constant 1 : i32
      %scan3A_43 = scf.for %scan3A_88 = %scan3A_39 to %scan3A_41 step %scan3A_42 iter_args(%scan3A_89 = %scan3A_38) -> (i32)  : i32 {
        %broadcast_in_dim3A = arith.constant 0.000000e+00 : f32
        %broadcast_in_dim3A_90 = vector.broadcast %broadcast_in_dim3A : f32 to vector<16xf32>
        %broadcast_in_dim3A_91 = arith.constant 0.000000e+00 : f32
        %broadcast_in_dim3A_92 = vector.broadcast %broadcast_in_dim3A_91 : f32 to vector<16xf32>
        %get3A = arith.index_cast %scan3A_88 : i32 to index
        %get3A_93 = arith.constant 0 : index
        %get3A_94 = tpu.vector_load %arg8[%get3A, %get3A_93] {strides = array<i32>} : memref<32x768xf32, #tpu.memory_space<vmem>>, vector<16xf32>,
        %add3A_95 = arith.addf %broadcast_in_dim3A_90, %get3A_94 : vector<16xf32>
        %mul3A_96 = arith.mulf %get3A_94, %get3A_94 : vector<16xf32>
        %add3A_97 = arith.addf %broadcast_in_dim3A_92, %mul3A_96 : vector<16xf32>
        %get3A_98 = arith.index_cast %scan3A_88 : i32 to index
        %get3A_99 = arith.constant 16 : index
        %get3A_100 = tpu.vector_load %arg8[%get3A_98, %get3A_99] {strides = array<i32>} : memref<32x768xf32, #tpu.memory_space<vmem>>, vector<16xf32>,
        %add3A_101 = arith.addf %add3A_95, %get3A_100 : vector<16xf32>
        %mul3A_102 = arith.mulf %get3A_100, %get3A_100 : vector<16xf32>
        %add3A_103 = arith.addf %add3A_97, %mul3A_102 : vector<16xf32>
        %get3A_104 = arith.index_cast %scan3A_88 : i32 to index
        %get3A_105 = arith.constant 32 : index
        %get3A_106 = tpu.vector_load %arg8[%get3A_104, %get3A_105] {strides = array<i32>} : memref<32x768xf32, #tpu.memory_space<vmem>>, vector<16xf32>,
        %add3A_107 = arith.addf %add3A_101, %get3A_106 : vector<16xf32>
        %mul3A_108 = arith.mulf %get3A_106, %get3A_106 : vector<16xf32>
        %add3A_109 = arith.addf %add3A_103, %mul3A_108 : vector<16xf32>
        %get3A_110 = arith.index_cast %scan3A_88 : i32 to index
        %get3A_111 = arith.constant 48 : index
        %get3A_112 = tpu.vector_load %arg8[%get3A_110, %get3A_111] {strides = array<i32>} : memref<32x768xf32, #tpu.memory_space<vmem>>, vector<16xf32>,
        %add3A_113 = arith.addf %add3A_107, %get3A_112 : vector<16xf32>
        %mul3A_114 = arith.mulf %get3A_112, %get3A_112 : vector<16xf32>
        %add3A_115 = arith.addf %add3A_109, %mul3A_114 : vector<16xf32>
        %get3A_116 = arith.index_cast %scan3A_88 : i32 to index
        %get3A_117 = arith.constant 64 : index
        %get3A_118 = tpu.vector_load %arg8[%get3A_116, %get3A_117] {strides = array<i32>} : memref<32x768xf32, #tpu.memory_space<vmem>>, vector<16xf32>,
        %add3A_119 = arith.addf %add3A_113, %get3A_118 : vector<16xf32>
        %mul3A_120 = arith.mulf %get3A_118, %get3A_118 : vector<16xf32>
        %add3A_121 = arith.addf %add3A_115, %mul3A_120 : vector<16xf32>
        %get3A_122 = arith.index_cast %scan3A_88 : i32 to index
        %get3A_123 = arith.constant 80 : index
        %get3A_124 = tpu.vector_load %arg8[%get3A_122, %get3A_123] {strides = array<i32>} : memref<32x768xf32, #tpu.memory_space<vmem>>, vector<16xf32>,
        %add3A_125 = arith.addf %add3A_119, %get3A_124 : vector<16xf32>
        %mul3A_126 = arith.mulf %get3A_124, %get3A_124 : vector<16xf32>
        %add3A_127 = arith.addf %add3A_121, %mul3A_126 : vector<16xf32>
        %get3A_128 = arith.index_cast %scan3A_88 : i32 to index
        %get3A_129 = arith.constant 96 : index
        %get3A_130 = tpu.vector_load %arg8[%get3A_128, %get3A_129] {strides = array<i32>} : memref<32x768xf32, #tpu.memory_space<vmem>>, vector<16xf32>,
        %add3A_131 = arith.addf %add3A_125, %get3A_130 : vector<16xf32>
        %mul3A_132 = arith.mulf %get3A_130, %get3A_130 : vector<16xf32>
        %add3A_133 = arith.addf %add3A_127, %mul3A_132 : vector<16xf32>
        %get3A_134 = arith.index_cast %scan3A_88 : i32 to index
        %get3A_135 = arith.constant 112 : index
        %get3A_136 = tpu.vector_load %arg8[%get3A_134, %get3A_135] {strides = array<i32>} : memref<32x768xf32, #tpu.memory_space<vmem>>, vector<16xf32>,
        %add3A_137 = arith.addf %add3A_131, %get3A_136 : vector<16xf32>
        %mul3A_138 = arith.mulf %get3A_136, %get3A_136 : vector<16xf32>
        %add3A_139 = arith.addf %add3A_133, %mul3A_138 : vector<16xf32>
        %get3A_140 = arith.index_cast %scan3A_88 : i32 to index
        %get3A_141 = arith.constant 128 : index
        %get3A_142 = tpu.vector_load %arg8[%get3A_140, %get3A_141] {strides = array<i32>} : memref<32x768xf32, #tpu.memory_space<vmem>>, vector<16xf32>,
        %add3A_143 = arith.addf %add3A_137, %get3A_142 : vector<16xf32>
        %mul3A_144 = arith.mulf %get3A_142, %get3A_142 : vector<16xf32>
        %add3A_145 = arith.addf %add3A_139, %mul3A_144 : vector<16xf32>
        %get3A_146 = arith.index_cast %scan3A_88 : i32 to index
        %get3A_147 = arith.constant 144 : index
        %get3A_148 = tpu.vector_load %arg8[%get3A_146, %get3A_147] {strides = array<i32>} : memref<32x768xf32, #tpu.memory_space<vmem>>, vector<16xf32>,
        %add3A_149 = arith.addf %add3A_143, %get3A_148 : vector<16xf32>
        %mul3A_150 = arith.mulf %get3A_148, %get3A_148 : vector<16xf32>
        %add3A_151 = arith.addf %add3A_145, %mul3A_150 : vector<16xf32>
        %get3A_152 = arith.index_cast %scan3A_88 : i32 to index
        %get3A_153 = arith.constant 160 : index
        %get3A_154 = tpu.vector_load %arg8[%get3A_152, %get3A_153] {strides = array<i32>} : memref<32x768xf32, #tpu.memory_space<vmem>>, vector<16xf32>,
        %add3A_155 = arith.addf %add3A_149, %get3A_154 : vector<16xf32>
        %mul3A_156 = arith.mulf %get3A_154, %get3A_154 : vector<16xf32>
        %add3A_157 = arith.addf %add3A_151, %mul3A_156 : vector<16xf32>
        %get3A_158 = arith.index_cast %scan3A_88 : i32 to index
        %get3A_159 = arith.constant 176 : index
        %get3A_160 = tpu.vector_load %arg8[%get3A_158, %get3A_159] {strides = array<i32>} : memref<32x768xf32, #tpu.memory_space<vmem>>, vector<16xf32>,
        %add3A_161 = arith.addf %add3A_155, %get3A_160 : vector<16xf32>
        %mul3A_162 = arith.mulf %get3A_160, %get3A_160 : vector<16xf32>
        %add3A_163 = arith.addf %add3A_157, %mul3A_162 : vector<16xf32>
        %get3A_164 = arith.index_cast %scan3A_88 : i32 to index
        %get3A_165 = arith.constant 192 : index
        %get3A_166 = tpu.vector_load %arg8[%get3A_164, %get3A_165] {strides = array<i32>} : memref<32x768xf32, #tpu.memory_space<vmem>>, vector<16xf32>,
        %add3A_167 = arith.addf %add3A_161, %get3A_166 : vector<16xf32>
        %mul3A_168 = arith.mulf %get3A_166, %get3A_166 : vector<16xf32>
        %add3A_169 = arith.addf %add3A_163, %mul3A_168 : vector<16xf32>
        %get3A_170 = arith.index_cast %scan3A_88 : i32 to index
        %get3A_171 = arith.constant 208 : index
        %get3A_172 = tpu.vector_load %arg8[%get3A_170, %get3A_171] {strides = array<i32>} : memref<32x768xf32, #tpu.memory_space<vmem>>, vector<16xf32>,
        %add3A_173 = arith.addf %add3A_167, %get3A_172 : vector<16xf32>
        %mul3A_174 = arith.mulf %get3A_172, %get3A_172 : vector<16xf32>
        %add3A_175 = arith.addf %add3A_169, %mul3A_174 : vector<16xf32>
        %get3A_176 = arith.index_cast %scan3A_88 : i32 to index
        %get3A_177 = arith.constant 224 : index
        %get3A_178 = tpu.vector_load %arg8[%get3A_176, %get3A_177] {strides = array<i32>} : memref<32x768xf32, #tpu.memory_space<vmem>>, vector<16xf32>,
        %add3A_179 = arith.addf %add3A_173, %get3A_178 : vector<16xf32>
        %mul3A_180 = arith.mulf %get3A_178, %get3A_178 : vector<16xf32>
        %add3A_181 = arith.addf %add3A_175, %mul3A_180 : vector<16xf32>
        %get3A_182 = arith.index_cast %scan3A_88 : i32 to index
        %get3A_183 = arith.constant 240 : index
        %get3A_184 = tpu.vector_load %arg8[%get3A_182, %get3A_183] {strides = array<i32>} : memref<32x768xf32, #tpu.memory_space<vmem>>, vector<16xf32>,
        %add3A_185 = arith.addf %add3A_179, %get3A_184 : vector<16xf32>
        %mul3A_186 = arith.mulf %get3A_184, %get3A_184 : vector<16xf32>
        %add3A_187 = arith.addf %add3A_181, %mul3A_186 : vector<16xf32>
        %get3A_188 = arith.index_cast %scan3A_88 : i32 to index
        %get3A_189 = arith.constant 256 : index
        %get3A_190 = tpu.vector_load %arg8[%get3A_188, %get3A_189] {strides = array<i32>} : memref<32x768xf32, #tpu.memory_space<vmem>>, vector<16xf32>,
        %add3A_191 = arith.addf %add3A_185, %get3A_190 : vector<16xf32>
        %mul3A_192 = arith.mulf %get3A_190, %get3A_190 : vector<16xf32>
        %add3A_193 = arith.addf %add3A_187, %mul3A_192 : vector<16xf32>
        %get3A_194 = arith.index_cast %scan3A_88 : i32 to index
        %get3A_195 = arith.constant 272 : index
        %get3A_196 = tpu.vector_load %arg8[%get3A_194, %get3A_195] {strides = array<i32>} : memref<32x768xf32, #tpu.memory_space<vmem>>, vector<16xf32>,
        %add3A_197 = arith.addf %add3A_191, %get3A_196 : vector<16xf32>
        %mul3A_198 = arith.mulf %get3A_196, %get3A_196 : vector<16xf32>
        %add3A_199 = arith.addf %add3A_193, %mul3A_198 : vector<16xf32>
        %get3A_200 = arith.index_cast %scan3A_88 : i32 to index
        %get3A_201 = arith.constant 288 : index
        %get3A_202 = tpu.vector_load %arg8[%get3A_200, %get3A_201] {strides = array<i32>} : memref<32x768xf32, #tpu.memory_space<vmem>>, vector<16xf32>,
        %add3A_203 = arith.addf %add3A_197, %get3A_202 : vector<16xf32>
        %mul3A_204 = arith.mulf %get3A_202, %get3A_202 : vector<16xf32>
        %add3A_205 = arith.addf %add3A_199, %mul3A_204 : vector<16xf32>
        %get3A_206 = arith.index_cast %scan3A_88 : i32 to index
        %get3A_207 = arith.constant 304 : index
        %get3A_208 = tpu.vector_load %arg8[%get3A_206, %get3A_207] {strides = array<i32>} : memref<32x768xf32, #tpu.memory_space<vmem>>, vector<16xf32>,
        %add3A_209 = arith.addf %add3A_203, %get3A_208 : vector<16xf32>
        %mul3A_210 = arith.mulf %get3A_208, %get3A_208 : vector<16xf32>
        %add3A_211 = arith.addf %add3A_205, %mul3A_210 : vector<16xf32>
        %get3A_212 = arith.index_cast %scan3A_88 : i32 to index
        %get3A_213 = arith.constant 320 : index
        %get3A_214 = tpu.vector_load %arg8[%get3A_212, %get3A_213] {strides = array<i32>} : memref<32x768xf32, #tpu.memory_space<vmem>>, vector<16xf32>,
        %add3A_215 = arith.addf %add3A_209, %get3A_214 : vector<16xf32>
        %mul3A_216 = arith.mulf %get3A_214, %get3A_214 : vector<16xf32>
        %add3A_217 = arith.addf %add3A_211, %mul3A_216 : vector<16xf32>
        %get3A_218 = arith.index_cast %scan3A_88 : i32 to index
        %get3A_219 = arith.constant 336 : index
        %get3A_220 = tpu.vector_load %arg8[%get3A_218, %get3A_219] {strides = array<i32>} : memref<32x768xf32, #tpu.memory_space<vmem>>, vector<16xf32>,
        %add3A_221 = arith.addf %add3A_215, %get3A_220 : vector<16xf32>
        %mul3A_222 = arith.mulf %get3A_220, %get3A_220 : vector<16xf32>
        %add3A_223 = arith.addf %add3A_217, %mul3A_222 : vector<16xf32>
        %get3A_224 = arith.index_cast %scan3A_88 : i32 to index
        %get3A_225 = arith.constant 352 : index
        %get3A_226 = tpu.vector_load %arg8[%get3A_224, %get3A_225] {strides = array<i32>} : memref<32x768xf32, #tpu.memory_space<vmem>>, vector<16xf32>,
        %add3A_227 = arith.addf %add3A_221, %get3A_226 : vector<16xf32>
        %mul3A_228 = arith.mulf %get3A_226, %get3A_226 : vector<16xf32>
        %add3A_229 = arith.addf %add3A_223, %mul3A_228 : vector<16xf32>
        %get3A_230 = arith.index_cast %scan3A_88 : i32 to index
        %get3A_231 = arith.constant 368 : index
        %get3A_232 = tpu.vector_load %arg8[%get3A_230, %get3A_231] {strides = array<i32>} : memref<32x768xf32, #tpu.memory_space<vmem>>, vector<16xf32>,
        %add3A_233 = arith.addf %add3A_227, %get3A_232 : vector<16xf32>
        %mul3A_234 = arith.mulf %get3A_232, %get3A_232 : vector<16xf32>
        %add3A_235 = arith.addf %add3A_229, %mul3A_234 : vector<16xf32>
        %get3A_236 = arith.index_cast %scan3A_88 : i32 to index
        %get3A_237 = arith.constant 384 : index
        %get3A_238 = tpu.vector_load %arg8[%get3A_236, %get3A_237] {strides = array<i32>} : memref<32x768xf32, #tpu.memory_space<vmem>>, vector<16xf32>,
        %add3A_239 = arith.addf %add3A_233, %get3A_238 : vector<16xf32>
        %mul3A_240 = arith.mulf %get3A_238, %get3A_238 : vector<16xf32>
        %add3A_241 = arith.addf %add3A_235, %mul3A_240 : vector<16xf32>
        %get3A_242 = arith.index_cast %scan3A_88 : i32 to index
        %get3A_243 = arith.constant 400 : index
        %get3A_244 = tpu.vector_load %arg8[%get3A_242, %get3A_243] {strides = array<i32>} : memref<32x768xf32, #tpu.memory_space<vmem>>, vector<16xf32>,
        %add3A_245 = arith.addf %add3A_239, %get3A_244 : vector<16xf32>
        %mul3A_246 = arith.mulf %get3A_244, %get3A_244 : vector<16xf32>
        %add3A_247 = arith.addf %add3A_241, %mul3A_246 : vector<16xf32>
        %get3A_248 = arith.index_cast %scan3A_88 : i32 to index
        %get3A_249 = arith.constant 416 : index
        %get3A_250 = tpu.vector_load %arg8[%get3A_248, %get3A_249] {strides = array<i32>} : memref<32x768xf32, #tpu.memory_space<vmem>>, vector<16xf32>,
        %add3A_251 = arith.addf %add3A_245, %get3A_250 : vector<16xf32>
        %mul3A_252 = arith.mulf %get3A_250, %get3A_250 : vector<16xf32>
        %add3A_253 = arith.addf %add3A_247, %mul3A_252 : vector<16xf32>
        %get3A_254 = arith.index_cast %scan3A_88 : i32 to index
        %get3A_255 = arith.constant 432 : index
        %get3A_256 = tpu.vector_load %arg8[%get3A_254, %get3A_255] {strides = array<i32>} : memref<32x768xf32, #tpu.memory_space<vmem>>, vector<16xf32>,
        %add3A_257 = arith.addf %add3A_251, %get3A_256 : vector<16xf32>
        %mul3A_258 = arith.mulf %get3A_256, %get3A_256 : vector<16xf32>
        %add3A_259 = arith.addf %add3A_253, %mul3A_258 : vector<16xf32>
        %get3A_260 = arith.index_cast %scan3A_88 : i32 to index
        %get3A_261 = arith.constant 448 : index
        %get3A_262 = tpu.vector_load %arg8[%get3A_260, %get3A_261] {strides = array<i32>} : memref<32x768xf32, #tpu.memory_space<vmem>>, vector<16xf32>,
        %add3A_263 = arith.addf %add3A_257, %get3A_262 : vector<16xf32>
        %mul3A_264 = arith.mulf %get3A_262, %get3A_262 : vector<16xf32>
        %add3A_265 = arith.addf %add3A_259, %mul3A_264 : vector<16xf32>
        %get3A_266 = arith.index_cast %scan3A_88 : i32 to index
        %get3A_267 = arith.constant 464 : index
        %get3A_268 = tpu.vector_load %arg8[%get3A_266, %get3A_267] {strides = array<i32>} : memref<32x768xf32, #tpu.memory_space<vmem>>, vector<16xf32>,
        %add3A_269 = arith.addf %add3A_263, %get3A_268 : vector<16xf32>
        %mul3A_270 = arith.mulf %get3A_268, %get3A_268 : vector<16xf32>
        %add3A_271 = arith.addf %add3A_265, %mul3A_270 : vector<16xf32>
        %get3A_272 = arith.index_cast %scan3A_88 : i32 to index
        %get3A_273 = arith.constant 480 : index
        %get3A_274 = tpu.vector_load %arg8[%get3A_272, %get3A_273] {strides = array<i32>} : memref<32x768xf32, #tpu.memory_space<vmem>>, vector<16xf32>,
        %add3A_275 = arith.addf %add3A_269, %get3A_274 : vector<16xf32>
        %mul3A_276 = arith.mulf %get3A_274, %get3A_274 : vector<16xf32>
        %add3A_277 = arith.addf %add3A_271, %mul3A_276 : vector<16xf32>
        %get3A_278 = arith.index_cast %scan3A_88 : i32 to index
        %get3A_279 = arith.constant 496 : index
        %get3A_280 = tpu.vector_load %arg8[%get3A_278, %get3A_279] {strides = array<i32>} : memref<32x768xf32, #tpu.memory_space<vmem>>, vector<16xf32>,
        %add3A_281 = arith.addf %add3A_275, %get3A_280 : vector<16xf32>
        %mul3A_282 = arith.mulf %get3A_280, %get3A_280 : vector<16xf32>
        %add3A_283 = arith.addf %add3A_277, %mul3A_282 : vector<16xf32>
        %get3A_284 = arith.index_cast %scan3A_88 : i32 to index
        %get3A_285 = arith.constant 512 : index
        %get3A_286 = tpu.vector_load %arg8[%get3A_284, %get3A_285] {strides = array<i32>} : memref<32x768xf32, #tpu.memory_space<vmem>>, vector<16xf32>,
        %add3A_287 = arith.addf %add3A_281, %get3A_286 : vector<16xf32>
        %mul3A_288 = arith.mulf %get3A_286, %get3A_286 : vector<16xf32>
        %add3A_289 = arith.addf %add3A_283, %mul3A_288 : vector<16xf32>
        %get3A_290 = arith.index_cast %scan3A_88 : i32 to index
        %get3A_291 = arith.constant 528 : index
        %get3A_292 = tpu.vector_load %arg8[%get3A_290, %get3A_291] {strides = array<i32>} : memref<32x768xf32, #tpu.memory_space<vmem>>, vector<16xf32>,
        %add3A_293 = arith.addf %add3A_287, %get3A_292 : vector<16xf32>
        %mul3A_294 = arith.mulf %get3A_292, %get3A_292 : vector<16xf32>
        %add3A_295 = arith.addf %add3A_289, %mul3A_294 : vector<16xf32>
        %get3A_296 = arith.index_cast %scan3A_88 : i32 to index
        %get3A_297 = arith.constant 544 : index
        %get3A_298 = tpu.vector_load %arg8[%get3A_296, %get3A_297] {strides = array<i32>} : memref<32x768xf32, #tpu.memory_space<vmem>>, vector<16xf32>,
        %add3A_299 = arith.addf %add3A_293, %get3A_298 : vector<16xf32>
        %mul3A_300 = arith.mulf %get3A_298, %get3A_298 : vector<16xf32>
        %add3A_301 = arith.addf %add3A_295, %mul3A_300 : vector<16xf32>
        %get3A_302 = arith.index_cast %scan3A_88 : i32 to index
        %get3A_303 = arith.constant 560 : index
        %get3A_304 = tpu.vector_load %arg8[%get3A_302, %get3A_303] {strides = array<i32>} : memref<32x768xf32, #tpu.memory_space<vmem>>, vector<16xf32>,
        %add3A_305 = arith.addf %add3A_299, %get3A_304 : vector<16xf32>
        %mul3A_306 = arith.mulf %get3A_304, %get3A_304 : vector<16xf32>
        %add3A_307 = arith.addf %add3A_301, %mul3A_306 : vector<16xf32>
        %get3A_308 = arith.index_cast %scan3A_88 : i32 to index
        %get3A_309 = arith.constant 576 : index
        %get3A_310 = tpu.vector_load %arg8[%get3A_308, %get3A_309] {strides = array<i32>} : memref<32x768xf32, #tpu.memory_space<vmem>>, vector<16xf32>,
        %add3A_311 = arith.addf %add3A_305, %get3A_310 : vector<16xf32>
        %mul3A_312 = arith.mulf %get3A_310, %get3A_310 : vector<16xf32>
        %add3A_313 = arith.addf %add3A_307, %mul3A_312 : vector<16xf32>
        %get3A_314 = arith.index_cast %scan3A_88 : i32 to index
        %get3A_315 = arith.constant 592 : index
        %get3A_316 = tpu.vector_load %arg8[%get3A_314, %get3A_315] {strides = array<i32>} : memref<32x768xf32, #tpu.memory_space<vmem>>, vector<16xf32>,
        %add3A_317 = arith.addf %add3A_311, %get3A_316 : vector<16xf32>
        %mul3A_318 = arith.mulf %get3A_316, %get3A_316 : vector<16xf32>
        %add3A_319 = arith.addf %add3A_313, %mul3A_318 : vector<16xf32>
        %get3A_320 = arith.index_cast %scan3A_88 : i32 to index
        %get3A_321 = arith.constant 608 : index
        %get3A_322 = tpu.vector_load %arg8[%get3A_320, %get3A_321] {strides = array<i32>} : memref<32x768xf32, #tpu.memory_space<vmem>>, vector<16xf32>,
        %add3A_323 = arith.addf %add3A_317, %get3A_322 : vector<16xf32>
        %mul3A_324 = arith.mulf %get3A_322, %get3A_322 : vector<16xf32>
        %add3A_325 = arith.addf %add3A_319, %mul3A_324 : vector<16xf32>
        %get3A_326 = arith.index_cast %scan3A_88 : i32 to index
        %get3A_327 = arith.constant 624 : index
        %get3A_328 = tpu.vector_load %arg8[%get3A_326, %get3A_327] {strides = array<i32>} : memref<32x768xf32, #tpu.memory_space<vmem>>, vector<16xf32>,
        %add3A_329 = arith.addf %add3A_323, %get3A_328 : vector<16xf32>
        %mul3A_330 = arith.mulf %get3A_328, %get3A_328 : vector<16xf32>
        %add3A_331 = arith.addf %add3A_325, %mul3A_330 : vector<16xf32>
        %get3A_332 = arith.index_cast %scan3A_88 : i32 to index
        %get3A_333 = arith.constant 640 : index
        %get3A_334 = tpu.vector_load %arg8[%get3A_332, %get3A_333] {strides = array<i32>} : memref<32x768xf32, #tpu.memory_space<vmem>>, vector<16xf32>,
        %add3A_335 = arith.addf %add3A_329, %get3A_334 : vector<16xf32>
        %mul3A_336 = arith.mulf %get3A_334, %get3A_334 : vector<16xf32>
        %add3A_337 = arith.addf %add3A_331, %mul3A_336 : vector<16xf32>
        %get3A_338 = arith.index_cast %scan3A_88 : i32 to index
        %get3A_339 = arith.constant 656 : index
        %get3A_340 = tpu.vector_load %arg8[%get3A_338, %get3A_339] {strides = array<i32>} : memref<32x768xf32, #tpu.memory_space<vmem>>, vector<16xf32>,
        %add3A_341 = arith.addf %add3A_335, %get3A_340 : vector<16xf32>
        %mul3A_342 = arith.mulf %get3A_340, %get3A_340 : vector<16xf32>
        %add3A_343 = arith.addf %add3A_337, %mul3A_342 : vector<16xf32>
        %get3A_344 = arith.index_cast %scan3A_88 : i32 to index
        %get3A_345 = arith.constant 672 : index
        %get3A_346 = tpu.vector_load %arg8[%get3A_344, %get3A_345] {strides = array<i32>} : memref<32x768xf32, #tpu.memory_space<vmem>>, vector<16xf32>,
        %add3A_347 = arith.addf %add3A_341, %get3A_346 : vector<16xf32>
        %mul3A_348 = arith.mulf %get3A_346, %get3A_346 : vector<16xf32>
        %add3A_349 = arith.addf %add3A_343, %mul3A_348 : vector<16xf32>
        %get3A_350 = arith.index_cast %scan3A_88 : i32 to index
        %get3A_351 = arith.constant 688 : index
        %get3A_352 = tpu.vector_load %arg8[%get3A_350, %get3A_351] {strides = array<i32>} : memref<32x768xf32, #tpu.memory_space<vmem>>, vector<16xf32>,
        %add3A_353 = arith.addf %add3A_347, %get3A_352 : vector<16xf32>
        %mul3A_354 = arith.mulf %get3A_352, %get3A_352 : vector<16xf32>
        %add3A_355 = arith.addf %add3A_349, %mul3A_354 : vector<16xf32>
        %get3A_356 = arith.index_cast %scan3A_88 : i32 to index
        %get3A_357 = arith.constant 704 : index
        %get3A_358 = tpu.vector_load %arg8[%get3A_356, %get3A_357] {strides = array<i32>} : memref<32x768xf32, #tpu.memory_space<vmem>>, vector<16xf32>,
        %add3A_359 = arith.addf %add3A_353, %get3A_358 : vector<16xf32>
        %mul3A_360 = arith.mulf %get3A_358, %get3A_358 : vector<16xf32>
        %add3A_361 = arith.addf %add3A_355, %mul3A_360 : vector<16xf32>
        %get3A_362 = arith.index_cast %scan3A_88 : i32 to index
        %get3A_363 = arith.constant 720 : index
        %get3A_364 = tpu.vector_load %arg8[%get3A_362, %get3A_363] {strides = array<i32>} : memref<32x768xf32, #tpu.memory_space<vmem>>, vector<16xf32>,
        %add3A_365 = arith.addf %add3A_359, %get3A_364 : vector<16xf32>
        %mul3A_366 = arith.mulf %get3A_364, %get3A_364 : vector<16xf32>
        %add3A_367 = arith.addf %add3A_361, %mul3A_366 : vector<16xf32>
        %get3A_368 = arith.index_cast %scan3A_88 : i32 to index
        %get3A_369 = arith.constant 736 : index
        %get3A_370 = tpu.vector_load %arg8[%get3A_368, %get3A_369] {strides = array<i32>} : memref<32x768xf32, #tpu.memory_space<vmem>>, vector<16xf32>,
        %add3A_371 = arith.addf %add3A_365, %get3A_370 : vector<16xf32>
        %mul3A_372 = arith.mulf %get3A_370, %get3A_370 : vector<16xf32>
        %add3A_373 = arith.addf %add3A_367, %mul3A_372 : vector<16xf32>
        %get3A_374 = arith.index_cast %scan3A_88 : i32 to index
        %get3A_375 = arith.constant 752 : index
        %get3A_376 = tpu.vector_load %arg8[%get3A_374, %get3A_375] {strides = array<i32>} : memref<32x768xf32, #tpu.memory_space<vmem>>, vector<16xf32>,
        %add3A_377 = arith.addf %add3A_371, %get3A_376 : vector<16xf32>
        %mul3A_378 = arith.mulf %get3A_376, %get3A_376 : vector<16xf32>
        %add3A_379 = arith.addf %add3A_373, %mul3A_378 : vector<16xf32>
        %reduce_sum3A = arith.constant true
        %reduce_sum3A_380 = vector.broadcast %reduce_sum3A : i1 to vector<16xi1>
        %reduce_sum3A_381 = tpu.scan <sum>, %add3A_377 masked %reduce_sum3A_380 : vector<16xf32>, vector<16xi1> -> vector<16xf32>
        %reduce_sum3A_382 = vector.extract %reduce_sum3A_381[15] : f32 from vector<16xf32>
        %reduce_sum3A_383 = arith.constant true
        %reduce_sum3A_384 = vector.broadcast %reduce_sum3A_383 : i1 to vector<16xi1>
        %reduce_sum3A_385 = tpu.scan <sum>, %add3A_379 masked %reduce_sum3A_384 : vector<16xf32>, vector<16xi1> -> vector<16xf32>
        %reduce_sum3A_386 = vector.extract %reduce_sum3A_385[15] : f32 from vector<16xf32>
        %mul3A_387 = arith.constant 0.00130208337 : f32
        %mul3A_388 = arith.mulf %reduce_sum3A_382, %mul3A_387 : f32
        %mul3A_389 = arith.constant 0.00130208337 : f32
        %mul3A_390 = arith.mulf %reduce_sum3A_386, %mul3A_389 : f32
        %mul3A_391 = arith.mulf %mul3A_388, %mul3A_388 : f32
        %sub3A_392 = arith.subf %mul3A_390, %mul3A_391 : f32
        %add3A_393 = arith.constant 9.99999974E-6 : f32
        %add3A_394 = arith.addf %sub3A_392, %add3A_393 : f32
        %bitcast_convert_type3A = arith.bitcast %add3A_394 : f32 to i32
        %shift_right_logical3A = arith.constant 1 : i32
        %shift_right_logical3A_395 = arith.shrui %bitcast_convert_type3A, %shift_right_logical3A : i32
        %sub3A_396 = arith.constant 1597463007 : i32
        %sub3A_397 = arith.subi %sub3A_396, %shift_right_logical3A_395 : i32
        %bitcast_convert_type3A_398 = arith.bitcast %sub3A_397 : i32 to f32
        %mul3A_399 = arith.constant 5.000000e-01 : f32
        %mul3A_400 = arith.mulf %mul3A_399, %add3A_394 : f32
        %mul3A_401 = arith.mulf %mul3A_400, %bitcast_convert_type3A_398 : f32
        %mul3A_402 = arith.mulf %mul3A_401, %bitcast_convert_type3A_398 : f32
        %sub3A_403 = arith.constant 1.500000e+00 : f32
        %sub3A_404 = arith.subf %sub3A_403, %mul3A_402 : f32
        %mul3A_405 = arith.mulf %bitcast_convert_type3A_398, %sub3A_404 : f32
        %mul3A_406 = arith.constant 5.000000e-01 : f32
        %mul3A_407 = arith.mulf %mul3A_406, %add3A_394 : f32
        %mul3A_408 = arith.mulf %mul3A_407, %mul3A_405 : f32
        %mul3A_409 = arith.mulf %mul3A_408, %mul3A_405 : f32
        %sub3A_410 = arith.constant 1.500000e+00 : f32
        %sub3A_411 = arith.subf %sub3A_410, %mul3A_409 : f32
        %mul3A_412 = arith.mulf %mul3A_405, %sub3A_411 : f32
        %mul3A_413 = arith.constant 5.000000e-01 : f32
        %mul3A_414 = arith.mulf %mul3A_413, %add3A_394 : f32
        %mul3A_415 = arith.mulf %mul3A_414, %mul3A_412 : f32
        %mul3A_416 = arith.mulf %mul3A_415, %mul3A_412 : f32
        %sub3A_417 = arith.constant 1.500000e+00 : f32
        %sub3A_418 = arith.subf %sub3A_417, %mul3A_416 : f32
        %mul3A_419 = arith.mulf %mul3A_412, %sub3A_418 : f32
        %get3A_420 = arith.index_cast %scan3A_88 : i32 to index
        %get3A_421 = arith.constant 0 : index
        %get3A_422 = tpu.vector_load %arg8[%get3A_420, %get3A_421] {strides = array<i32>} : memref<32x768xf32, #tpu.memory_space<vmem>>, vector<16xf32>,
        %get3A_423 = arith.constant 0 : index
        %get3A_424 = tpu.vector_load %arg10[%get3A_423] {strides = array<i32>} : memref<768xf32, #tpu.memory_space<vmem>>, vector<16xf32>,
        %get3A_425 = arith.constant 0 : index
        %get3A_426 = tpu.vector_load %arg11[%get3A_425] {strides = array<i32>} : memref<768xf32, #tpu.memory_space<vmem>>, vector<16xf32>,
        %sub3A_427 = vector.broadcast %mul3A_388 : f32 to vector<16xf32>
        %sub3A_428 = arith.subf %get3A_422, %sub3A_427 : vector<16xf32>
        %mul3A_429 = vector.broadcast %mul3A_419 : f32 to vector<16xf32>
        %mul3A_430 = arith.mulf %mul3A_429, %get3A_424 : vector<16xf32>
        %mul3A_431 = arith.mulf %sub3A_428, %mul3A_430 : vector<16xf32>
        %add3A_432 = arith.addf %mul3A_431, %get3A_426 : vector<16xf32>
        %swap3A = arith.index_cast %scan3A_88 : i32 to index
        %swap3A_433 = arith.constant 0 : index
        %swap3A_434 = tpu.vector_load %arg8[%swap3A, %swap3A_433] {strides = array<i32>} : memref<32x768xf32, #tpu.memory_space<vmem>>, vector<16xf32>,
        tpu.vector_store %arg8[%swap3A, %swap3A_433], %add3A_432 {strides = array<i32>} : memref<32x768xf32, #tpu.memory_space<vmem>>, vector<16xf32>,
        %get3A_435 = arith.index_cast %scan3A_88 : i32 to index
        %get3A_436 = arith.constant 16 : index
        %get3A_437 = tpu.vector_load %arg8[%get3A_435, %get3A_436] {strides = array<i32>} : memref<32x768xf32, #tpu.memory_space<vmem>>, vector<16xf32>,
        %get3A_438 = arith.constant 16 : index
        %get3A_439 = tpu.vector_load %arg10[%get3A_438] {strides = array<i32>} : memref<768xf32, #tpu.memory_space<vmem>>, vector<16xf32>,
        %get3A_440 = arith.constant 16 : index
        %get3A_441 = tpu.vector_load %arg11[%get3A_440] {strides = array<i32>} : memref<768xf32, #tpu.memory_space<vmem>>, vector<16xf32>,
        %sub3A_442 = vector.broadcast %mul3A_388 : f32 to vector<16xf32>
        %sub3A_443 = arith.subf %get3A_437, %sub3A_442 : vector<16xf32>
        %mul3A_444 = vector.broadcast %mul3A_419 : f32 to vector<16xf32>
        %mul3A_445 = arith.mulf %mul3A_444, %get3A_439 : vector<16xf32>
        %mul3A_446 = arith.mulf %sub3A_443, %mul3A_445 : vector<16xf32>
        %add3A_447 = arith.addf %mul3A_446, %get3A_441 : vector<16xf32>
        %swap3A_448 = arith.index_cast %scan3A_88 : i32 to index
        %swap3A_449 = arith.constant 16 : index
        %swap3A_450 = tpu.vector_load %arg8[%swap3A_448, %swap3A_449] {strides = array<i32>} : memref<32x768xf32, #tpu.memory_space<vmem>>, vector<16xf32>,
        tpu.vector_store %arg8[%swap3A_448, %swap3A_449], %add3A_447 {strides = array<i32>} : memref<32x768xf32, #tpu.memory_space<vmem>>, vector<16xf32>,
        %get3A_451 = arith.index_cast %scan3A_88 : i32 to index
        %get3A_452 = arith.constant 32 : index
        %get3A_453 = tpu.vector_load %arg8[%get3A_451, %get3A_452] {strides = array<i32>} : memref<32x768xf32, #tpu.memory_space<vmem>>, vector<16xf32>,
        %get3A_454 = arith.constant 32 : index
        %get3A_455 = tpu.vector_load %arg10[%get3A_454] {strides = array<i32>} : memref<768xf32, #tpu.memory_space<vmem>>, vector<16xf32>,
        %get3A_456 = arith.constant 32 : index
        %get3A_457 = tpu.vector_load %arg11[%get3A_456] {strides = array<i32>} : memref<768xf32, #tpu.memory_space<vmem>>, vector<16xf32>,
        %sub3A_458 = vector.broadcast %mul3A_388 : f32 to vector<16xf32>
        %sub3A_459 = arith.subf %get3A_453, %sub3A_458 : vector<16xf32>
        %mul3A_460 = vector.broadcast %mul3A_419 : f32 to vector<16xf32>
        %mul3A_461 = arith.mulf %mul3A_460, %get3A_455 : vector<16xf32>
        %mul3A_462 = arith.mulf %sub3A_459, %mul3A_461 : vector<16xf32>
        %add3A_463 = arith.addf %mul3A_462, %get3A_457 : vector<16xf32>
        %swap3A_464 = arith.index_cast %scan3A_88 : i32 to index
        %swap3A_465 = arith.constant 32 : index
        %swap3A_466 = tpu.vector_load %arg8[%swap3A_464, %swap3A_465] {strides = array<i32>} : memref<32x768xf32, #tpu.memory_space<vmem>>, vector<16xf32>,
        tpu.vector_store %arg8[%swap3A_464, %swap3A_465], %add3A_463 {strides = array<i32>} : memref<32x768xf32, #tpu.memory_space<vmem>>, vector<16xf32>,
        %get3A_467 = arith.index_cast %scan3A_88 : i32 to index
        %get3A_468 = arith.constant 48 : index
        %get3A_469 = tpu.vector_load %arg8[%get3A_467, %get3A_468] {strides = array<i32>} : memref<32x768xf32, #tpu.memory_space<vmem>>, vector<16xf32>,
        %get3A_470 = arith.constant 48 : index
        %get3A_471 = tpu.vector_load %arg10[%get3A_470] {strides = array<i32>} : memref<768xf32, #tpu.memory_space<vmem>>, vector<16xf32>,
        %get3A_472 = arith.constant 48 : index
        %get3A_473 = tpu.vector_load %arg11[%get3A_472] {strides = array<i32>} : memref<768xf32, #tpu.memory_space<vmem>>, vector<16xf32>,
        %sub3A_474 = vector.broadcast %mul3A_388 : f32 to vector<16xf32>
        %sub3A_475 = arith.subf %get3A_469, %sub3A_474 : vector<16xf32>
        %mul3A_476 = vector.broadcast %mul3A_419 : f32 to vector<16xf32>
        %mul3A_477 = arith.mulf %mul3A_476, %get3A_471 : vector<16xf32>
        %mul3A_478 = arith.mulf %sub3A_475, %mul3A_477 : vector<16xf32>
        %add3A_479 = arith.addf %mul3A_478, %get3A_473 : vector<16xf32>
        %swap3A_480 = arith.index_cast %scan3A_88 : i32 to index
        %swap3A_481 = arith.constant 48 : index
        %swap3A_482 = tpu.vector_load %arg8[%swap3A_480, %swap3A_481] {strides = array<i32>} : memref<32x768xf32, #tpu.memory_space<vmem>>, vector<16xf32>,
        tpu.vector_store %arg8[%swap3A_480, %swap3A_481], %add3A_479 {strides = array<i32>} : memref<32x768xf32, #tpu.memory_space<vmem>>, vector<16xf32>,
        %get3A_483 = arith.index_cast %scan3A_88 : i32 to index
        %get3A_484 = arith.constant 64 : index
        %get3A_485 = tpu.vector_load %arg8[%get3A_483, %get3A_484] {strides = array<i32>} : memref<32x768xf32, #tpu.memory_space<vmem>>, vector<16xf32>,
        %get3A_486 = arith.constant 64 : index
        %get3A_487 = tpu.vector_load %arg10[%get3A_486] {strides = array<i32>} : memref<768xf32, #tpu.memory_space<vmem>>, vector<16xf32>,
        %get3A_488 = arith.constant 64 : index
        %get3A_489 = tpu.vector_load %arg11[%get3A_488] {strides = array<i32>} : memref<768xf32, #tpu.memory_space<vmem>>, vector<16xf32>,
        %sub3A_490 = vector.broadcast %mul3A_388 : f32 to vector<16xf32>
        %sub3A_491 = arith.subf %get3A_485, %sub3A_490 : vector<16xf32>
        %mul3A_492 = vector.broadcast %mul3A_419 : f32 to vector<16xf32>
        %mul3A_493 = arith.mulf %mul3A_492, %get3A_487 : vector<16xf32>
        %mul3A_494 = arith.mulf %sub3A_491, %mul3A_493 : vector<16xf32>
        %add3A_495 = arith.addf %mul3A_494, %get3A_489 : vector<16xf32>
        %swap3A_496 = arith.index_cast %scan3A_88 : i32 to index
        %swap3A_497 = arith.constant 64 : index
        %swap3A_498 = tpu.vector_load %arg8[%swap3A_496, %swap3A_497] {strides = array<i32>} : memref<32x768xf32, #tpu.memory_space<vmem>>, vector<16xf32>,
        tpu.vector_store %arg8[%swap3A_496, %swap3A_497], %add3A_495 {strides = array<i32>} : memref<32x768xf32, #tpu.memory_space<vmem>>, vector<16xf32>,
        %get3A_499 = arith.index_cast %scan3A_88 : i32 to index
        %get3A_500 = arith.constant 80 : index
        %get3A_501 = tpu.vector_load %arg8[%get3A_499, %get3A_500] {strides = array<i32>} : memref<32x768xf32, #tpu.memory_space<vmem>>, vector<16xf32>,
        %get3A_502 = arith.constant 80 : index
        %get3A_503 = tpu.vector_load %arg10[%get3A_502] {strides = array<i32>} : memref<768xf32, #tpu.memory_space<vmem>>, vector<16xf32>,
        %get3A_504 = arith.constant 80 : index
        %get3A_505 = tpu.vector_load %arg11[%get3A_504] {strides = array<i32>} : memref<768xf32, #tpu.memory_space<vmem>>, vector<16xf32>,
        %sub3A_506 = vector.broadcast %mul3A_388 : f32 to vector<16xf32>
        %sub3A_507 = arith.subf %get3A_501, %sub3A_506 : vector<16xf32>
        %mul3A_508 = vector.broadcast %mul3A_419 : f32 to vector<16xf32>
        %mul3A_509 = arith.mulf %mul3A_508, %get3A_503 : vector<16xf32>
        %mul3A_510 = arith.mulf %sub3A_507, %mul3A_509 : vector<16xf32>
        %add3A_511 = arith.addf %mul3A_510, %get3A_505 : vector<16xf32>
        %swap3A_512 = arith.index_cast %scan3A_88 : i32 to index
        %swap3A_513 = arith.constant 80 : index
        %swap3A_514 = tpu.vector_load %arg8[%swap3A_512, %swap3A_513] {strides = array<i32>} : memref<32x768xf32, #tpu.memory_space<vmem>>, vector<16xf32>,
        tpu.vector_store %arg8[%swap3A_512, %swap3A_513], %add3A_511 {strides = array<i32>} : memref<32x768xf32, #tpu.memory_space<vmem>>, vector<16xf32>,
        %get3A_515 = arith.index_cast %scan3A_88 : i32 to index
        %get3A_516 = arith.constant 96 : index
        %get3A_517 = tpu.vector_load %arg8[%get3A_515, %get3A_516] {strides = array<i32>} : memref<32x768xf32, #tpu.memory_space<vmem>>, vector<16xf32>,
        %get3A_518 = arith.constant 96 : index
        %get3A_519 = tpu.vector_load %arg10[%get3A_518] {strides = array<i32>} : memref<768xf32, #tpu.memory_space<vmem>>, vector<16xf32>,
        %get3A_520 = arith.constant 96 : index
        %get3A_521 = tpu.vector_load %arg11[%get3A_520] {strides = array<i32>} : memref<768xf32, #tpu.memory_space<vmem>>, vector<16xf32>,
        %sub3A_522 = vector.broadcast %mul3A_388 : f32 to vector<16xf32>
        %sub3A_523 = arith.subf %get3A_517, %sub3A_522 : vector<16xf32>
        %mul3A_524 = vector.broadcast %mul3A_419 : f32 to vector<16xf32>
        %mul3A_525 = arith.mulf %mul3A_524, %get3A_519 : vector<16xf32>
        %mul3A_526 = arith.mulf %sub3A_523, %mul3A_525 : vector<16xf32>
        %add3A_527 = arith.addf %mul3A_526, %get3A_521 : vector<16xf32>
        %swap3A_528 = arith.index_cast %scan3A_88 : i32 to index
        %swap3A_529 = arith.constant 96 : index
        %swap3A_530 = tpu.vector_load %arg8[%swap3A_528, %swap3A_529] {strides = array<i32>} : memref<32x768xf32, #tpu.memory_space<vmem>>, vector<16xf32>,
        tpu.vector_store %arg8[%swap3A_528, %swap3A_529], %add3A_527 {strides = array<i32>} : memref<32x768xf32, #tpu.memory_space<vmem>>, vector<16xf32>,
        %get3A_531 = arith.index_cast %scan3A_88 : i32 to index
        %get3A_532 = arith.constant 112 : index
        %get3A_533 = tpu.vector_load %arg8[%get3A_531, %get3A_532] {strides = array<i32>} : memref<32x768xf32, #tpu.memory_space<vmem>>, vector<16xf32>,
        %get3A_534 = arith.constant 112 : index
        %get3A_535 = tpu.vector_load %arg10[%get3A_534] {strides = array<i32>} : memref<768xf32, #tpu.memory_space<vmem>>, vector<16xf32>,
        %get3A_536 = arith.constant 112 : index
        %get3A_537 = tpu.vector_load %arg11[%get3A_536] {strides = array<i32>} : memref<768xf32, #tpu.memory_space<vmem>>, vector<16xf32>,
        %sub3A_538 = vector.broadcast %mul3A_388 : f32 to vector<16xf32>
        %sub3A_539 = arith.subf %get3A_533, %sub3A_538 : vector<16xf32>
        %mul3A_540 = vector.broadcast %mul3A_419 : f32 to vector<16xf32>
        %mul3A_541 = arith.mulf %mul3A_540, %get3A_535 : vector<16xf32>
        %mul3A_542 = arith.mulf %sub3A_539, %mul3A_541 : vector<16xf32>
        %add3A_543 = arith.addf %mul3A_542, %get3A_537 : vector<16xf32>
        %swap3A_544 = arith.index_cast %scan3A_88 : i32 to index
        %swap3A_545 = arith.constant 112 : index
        %swap3A_546 = tpu.vector_load %arg8[%swap3A_544, %swap3A_545] {strides = array<i32>} : memref<32x768xf32, #tpu.memory_space<vmem>>, vector<16xf32>,
        tpu.vector_store %arg8[%swap3A_544, %swap3A_545], %add3A_543 {strides = array<i32>} : memref<32x768xf32, #tpu.memory_space<vmem>>, vector<16xf32>,
        %get3A_547 = arith.index_cast %scan3A_88 : i32 to index
        %get3A_548 = arith.constant 128 : index
        %get3A_549 = tpu.vector_load %arg8[%get3A_547, %get3A_548] {strides = array<i32>} : memref<32x768xf32, #tpu.memory_space<vmem>>, vector<16xf32>,
        %get3A_550 = arith.constant 128 : index
        %get3A_551 = tpu.vector_load %arg10[%get3A_550] {strides = array<i32>} : memref<768xf32, #tpu.memory_space<vmem>>, vector<16xf32>,
        %get3A_552 = arith.constant 128 : index
        %get3A_553 = tpu.vector_load %arg11[%get3A_552] {strides = array<i32>} : memref<768xf32, #tpu.memory_space<vmem>>, vector<16xf32>,
        %sub3A_554 = vector.broadcast %mul3A_388 : f32 to vector<16xf32>
        %sub3A_555 = arith.subf %get3A_549, %sub3A_554 : vector<16xf32>
        %mul3A_556 = vector.broadcast %mul3A_419 : f32 to vector<16xf32>
        %mul3A_557 = arith.mulf %mul3A_556, %get3A_551 : vector<16xf32>
        %mul3A_558 = arith.mulf %sub3A_555, %mul3A_557 : vector<16xf32>
        %add3A_559 = arith.addf %mul3A_558, %get3A_553 : vector<16xf32>
        %swap3A_560 = arith.index_cast %scan3A_88 : i32 to index
        %swap3A_561 = arith.constant 128 : index
        %swap3A_562 = tpu.vector_load %arg8[%swap3A_560, %swap3A_561] {strides = array<i32>} : memref<32x768xf32, #tpu.memory_space<vmem>>, vector<16xf32>,
        tpu.vector_store %arg8[%swap3A_560, %swap3A_561], %add3A_559 {strides = array<i32>} : memref<32x768xf32, #tpu.memory_space<vmem>>, vector<16xf32>,
        %get3A_563 = arith.index_cast %scan3A_88 : i32 to index
        %get3A_564 = arith.constant 144 : index
        %get3A_565 = tpu.vector_load %arg8[%get3A_563, %get3A_564] {strides = array<i32>} : memref<32x768xf32, #tpu.memory_space<vmem>>, vector<16xf32>,
        %get3A_566 = arith.constant 144 : index
        %get3A_567 = tpu.vector_load %arg10[%get3A_566] {strides = array<i32>} : memref<768xf32, #tpu.memory_space<vmem>>, vector<16xf32>,
        %get3A_568 = arith.constant 144 : index
        %get3A_569 = tpu.vector_load %arg11[%get3A_568] {strides = array<i32>} : memref<768xf32, #tpu.memory_space<vmem>>, vector<16xf32>,
        %sub3A_570 = vector.broadcast %mul3A_388 : f32 to vector<16xf32>
        %sub3A_571 = arith.subf %get3A_565, %sub3A_570 : vector<16xf32>
        %mul3A_572 = vector.broadcast %mul3A_419 : f32 to vector<16xf32>
        %mul3A_573 = arith.mulf %mul3A_572, %get3A_567 : vector<16xf32>
        %mul3A_574 = arith.mulf %sub3A_571, %mul3A_573 : vector<16xf32>
        %add3A_575 = arith.addf %mul3A_574, %get3A_569 : vector<16xf32>
        %swap3A_576 = arith.index_cast %scan3A_88 : i32 to index
        %swap3A_577 = arith.constant 144 : index
        %swap3A_578 = tpu.vector_load %arg8[%swap3A_576, %swap3A_577] {strides = array<i32>} : memref<32x768xf32, #tpu.memory_space<vmem>>, vector<16xf32>,
        tpu.vector_store %arg8[%swap3A_576, %swap3A_577], %add3A_575 {strides = array<i32>} : memref<32x768xf32, #tpu.memory_space<vmem>>, vector<16xf32>,
        %get3A_579 = arith.index_cast %scan3A_88 : i32 to index
        %get3A_580 = arith.constant 160 : index
        %get3A_581 = tpu.vector_load %arg8[%get3A_579, %get3A_580] {strides = array<i32>} : memref<32x768xf32, #tpu.memory_space<vmem>>, vector<16xf32>,
        %get3A_582 = arith.constant 160 : index
        %get3A_583 = tpu.vector_load %arg10[%get3A_582] {strides = array<i32>} : memref<768xf32, #tpu.memory_space<vmem>>, vector<16xf32>,
        %get3A_584 = arith.constant 160 : index
        %get3A_585 = tpu.vector_load %arg11[%get3A_584] {strides = array<i32>} : memref<768xf32, #tpu.memory_space<vmem>>, vector<16xf32>,
        %sub3A_586 = vector.broadcast %mul3A_388 : f32 to vector<16xf32>
        %sub3A_587 = arith.subf %get3A_581, %sub3A_586 : vector<16xf32>
        %mul3A_588 = vector.broadcast %mul3A_419 : f32 to vector<16xf32>
        %mul3A_589 = arith.mulf %mul3A_588, %get3A_583 : vector<16xf32>
        %mul3A_590 = arith.mulf %sub3A_587, %mul3A_589 : vector<16xf32>
        %add3A_591 = arith.addf %mul3A_590, %get3A_585 : vector<16xf32>
        %swap3A_592 = arith.index_cast %scan3A_88 : i32 to index
        %swap3A_593 = arith.constant 160 : index
        %swap3A_594 = tpu.vector_load %arg8[%swap3A_592, %swap3A_593] {strides = array<i32>} : memref<32x768xf32, #tpu.memory_space<vmem>>, vector<16xf32>,
        tpu.vector_store %arg8[%swap3A_592, %swap3A_593], %add3A_591 {strides = array<i32>} : memref<32x768xf32, #tpu.memory_space<vmem>>, vector<16xf32>,
        %get3A_595 = arith.index_cast %scan3A_88 : i32 to index
        %get3A_596 = arith.constant 176 : index
        %get3A_597 = tpu.vector_load %arg8[%get3A_595, %get3A_596] {strides = array<i32>} : memref<32x768xf32, #tpu.memory_space<vmem>>, vector<16xf32>,
        %get3A_598 = arith.constant 176 : index
        %get3A_599 = tpu.vector_load %arg10[%get3A_598] {strides = array<i32>} : memref<768xf32, #tpu.memory_space<vmem>>, vector<16xf32>,
        %get3A_600 = arith.constant 176 : index
        %get3A_601 = tpu.vector_load %arg11[%get3A_600] {strides = array<i32>} : memref<768xf32, #tpu.memory_space<vmem>>, vector<16xf32>,
        %sub3A_602 = vector.broadcast %mul3A_388 : f32 to vector<16xf32>
        %sub3A_603 = arith.subf %get3A_597, %sub3A_602 : vector<16xf32>
        %mul3A_604 = vector.broadcast %mul3A_419 : f32 to vector<16xf32>
        %mul3A_605 = arith.mulf %mul3A_604, %get3A_599 : vector<16xf32>
        %mul3A_606 = arith.mulf %sub3A_603, %mul3A_605 : vector<16xf32>
        %add3A_607 = arith.addf %mul3A_606, %get3A_601 : vector<16xf32>
        %swap3A_608 = arith.index_cast %scan3A_88 : i32 to index
        %swap3A_609 = arith.constant 176 : index
        %swap3A_610 = tpu.vector_load %arg8[%swap3A_608, %swap3A_609] {strides = array<i32>} : memref<32x768xf32, #tpu.memory_space<vmem>>, vector<16xf32>,
        tpu.vector_store %arg8[%swap3A_608, %swap3A_609], %add3A_607 {strides = array<i32>} : memref<32x768xf32, #tpu.memory_space<vmem>>, vector<16xf32>,
        %get3A_611 = arith.index_cast %scan3A_88 : i32 to index
        %get3A_612 = arith.constant 192 : index
        %get3A_613 = tpu.vector_load %arg8[%get3A_611, %get3A_612] {strides = array<i32>} : memref<32x768xf32, #tpu.memory_space<vmem>>, vector<16xf32>,
        %get3A_614 = arith.constant 192 : index
        %get3A_615 = tpu.vector_load %arg10[%get3A_614] {strides = array<i32>} : memref<768xf32, #tpu.memory_space<vmem>>, vector<16xf32>,
        %get3A_616 = arith.constant 192 : index
        %get3A_617 = tpu.vector_load %arg11[%get3A_616] {strides = array<i32>} : memref<768xf32, #tpu.memory_space<vmem>>, vector<16xf32>,
        %sub3A_618 = vector.broadcast %mul3A_388 : f32 to vector<16xf32>
        %sub3A_619 = arith.subf %get3A_613, %sub3A_618 : vector<16xf32>
        %mul3A_620 = vector.broadcast %mul3A_419 : f32 to vector<16xf32>
        %mul3A_621 = arith.mulf %mul3A_620, %get3A_615 : vector<16xf32>
        %mul3A_622 = arith.mulf %sub3A_619, %mul3A_621 : vector<16xf32>
        %add3A_623 = arith.addf %mul3A_622, %get3A_617 : vector<16xf32>
        %swap3A_624 = arith.index_cast %scan3A_88 : i32 to index
        %swap3A_625 = arith.constant 192 : index
        %swap3A_626 = tpu.vector_load %arg8[%swap3A_624, %swap3A_625] {strides = array<i32>} : memref<32x768xf32, #tpu.memory_space<vmem>>, vector<16xf32>,
        tpu.vector_store %arg8[%swap3A_624, %swap3A_625], %add3A_623 {strides = array<i32>} : memref<32x768xf32, #tpu.memory_space<vmem>>, vector<16xf32>,
        %get3A_627 = arith.index_cast %scan3A_88 : i32 to index
        %get3A_628 = arith.constant 208 : index
        %get3A_629 = tpu.vector_load %arg8[%get3A_627, %get3A_628] {strides = array<i32>} : memref<32x768xf32, #tpu.memory_space<vmem>>, vector<16xf32>,
        %get3A_630 = arith.constant 208 : index
        %get3A_631 = tpu.vector_load %arg10[%get3A_630] {strides = array<i32>} : memref<768xf32, #tpu.memory_space<vmem>>, vector<16xf32>,
        %get3A_632 = arith.constant 208 : index
        %get3A_633 = tpu.vector_load %arg11[%get3A_632] {strides = array<i32>} : memref<768xf32, #tpu.memory_space<vmem>>, vector<16xf32>,
        %sub3A_634 = vector.broadcast %mul3A_388 : f32 to vector<16xf32>
        %sub3A_635 = arith.subf %get3A_629, %sub3A_634 : vector<16xf32>
        %mul3A_636 = vector.broadcast %mul3A_419 : f32 to vector<16xf32>
        %mul3A_637 = arith.mulf %mul3A_636, %get3A_631 : vector<16xf32>
        %mul3A_638 = arith.mulf %sub3A_635, %mul3A_637 : vector<16xf32>
        %add3A_639 = arith.addf %mul3A_638, %get3A_633 : vector<16xf32>
        %swap3A_640 = arith.index_cast %scan3A_88 : i32 to index
        %swap3A_641 = arith.constant 208 : index
        %swap3A_642 = tpu.vector_load %arg8[%swap3A_640, %swap3A_641] {strides = array<i32>} : memref<32x768xf32, #tpu.memory_space<vmem>>, vector<16xf32>,
        tpu.vector_store %arg8[%swap3A_640, %swap3A_641], %add3A_639 {strides = array<i32>} : memref<32x768xf32, #tpu.memory_space<vmem>>, vector<16xf32>,
        %get3A_643 = arith.index_cast %scan3A_88 : i32 to index
        %get3A_644 = arith.constant 224 : index
        %get3A_645 = tpu.vector_load %arg8[%get3A_643, %get3A_644] {strides = array<i32>} : memref<32x768xf32, #tpu.memory_space<vmem>>, vector<16xf32>,
        %get3A_646 = arith.constant 224 : index
        %get3A_647 = tpu.vector_load %arg10[%get3A_646] {strides = array<i32>} : memref<768xf32, #tpu.memory_space<vmem>>, vector<16xf32>,
        %get3A_648 = arith.constant 224 : index
        %get3A_649 = tpu.vector_load %arg11[%get3A_648] {strides = array<i32>} : memref<768xf32, #tpu.memory_space<vmem>>, vector<16xf32>,
        %sub3A_650 = vector.broadcast %mul3A_388 : f32 to vector<16xf32>
        %sub3A_651 = arith.subf %get3A_645, %sub3A_650 : vector<16xf32>
        %mul3A_652 = vector.broadcast %mul3A_419 : f32 to vector<16xf32>
        %mul3A_653 = arith.mulf %mul3A_652, %get3A_647 : vector<16xf32>
        %mul3A_654 = arith.mulf %sub3A_651, %mul3A_653 : vector<16xf32>
        %add3A_655 = arith.addf %mul3A_654, %get3A_649 : vector<16xf32>
        %swap3A_656 = arith.index_cast %scan3A_88 : i32 to index
        %swap3A_657 = arith.constant 224 : index
        %swap3A_658 = tpu.vector_load %arg8[%swap3A_656, %swap3A_657] {strides = array<i32>} : memref<32x768xf32, #tpu.memory_space<vmem>>, vector<16xf32>,
        tpu.vector_store %arg8[%swap3A_656, %swap3A_657], %add3A_655 {strides = array<i32>} : memref<32x768xf32, #tpu.memory_space<vmem>>, vector<16xf32>,
        %get3A_659 = arith.index_cast %scan3A_88 : i32 to index
        %get3A_660 = arith.constant 240 : index
        %get3A_661 = tpu.vector_load %arg8[%get3A_659, %get3A_660] {strides = array<i32>} : memref<32x768xf32, #tpu.memory_space<vmem>>, vector<16xf32>,
        %get3A_662 = arith.constant 240 : index
        %get3A_663 = tpu.vector_load %arg10[%get3A_662] {strides = array<i32>} : memref<768xf32, #tpu.memory_space<vmem>>, vector<16xf32>,
        %get3A_664 = arith.constant 240 : index
        %get3A_665 = tpu.vector_load %arg11[%get3A_664] {strides = array<i32>} : memref<768xf32, #tpu.memory_space<vmem>>, vector<16xf32>,
        %sub3A_666 = vector.broadcast %mul3A_388 : f32 to vector<16xf32>
        %sub3A_667 = arith.subf %get3A_661, %sub3A_666 : vector<16xf32>
        %mul3A_668 = vector.broadcast %mul3A_419 : f32 to vector<16xf32>
        %mul3A_669 = arith.mulf %mul3A_668, %get3A_663 : vector<16xf32>
        %mul3A_670 = arith.mulf %sub3A_667, %mul3A_669 : vector<16xf32>
        %add3A_671 = arith.addf %mul3A_670, %get3A_665 : vector<16xf32>
        %swap3A_672 = arith.index_cast %scan3A_88 : i32 to index
        %swap3A_673 = arith.constant 240 : index
        %swap3A_674 = tpu.vector_load %arg8[%swap3A_672, %swap3A_673] {strides = array<i32>} : memref<32x768xf32, #tpu.memory_space<vmem>>, vector<16xf32>,
        tpu.vector_store %arg8[%swap3A_672, %swap3A_673], %add3A_671 {strides = array<i32>} : memref<32x768xf32, #tpu.memory_space<vmem>>, vector<16xf32>,
        %get3A_675 = arith.index_cast %scan3A_88 : i32 to index
        %get3A_676 = arith.constant 256 : index
        %get3A_677 = tpu.vector_load %arg8[%get3A_675, %get3A_676] {strides = array<i32>} : memref<32x768xf32, #tpu.memory_space<vmem>>, vector<16xf32>,
        %get3A_678 = arith.constant 256 : index
        %get3A_679 = tpu.vector_load %arg10[%get3A_678] {strides = array<i32>} : memref<768xf32, #tpu.memory_space<vmem>>, vector<16xf32>,
        %get3A_680 = arith.constant 256 : index
        %get3A_681 = tpu.vector_load %arg11[%get3A_680] {strides = array<i32>} : memref<768xf32, #tpu.memory_space<vmem>>, vector<16xf32>,
        %sub3A_682 = vector.broadcast %mul3A_388 : f32 to vector<16xf32>
        %sub3A_683 = arith.subf %get3A_677, %sub3A_682 : vector<16xf32>
        %mul3A_684 = vector.broadcast %mul3A_419 : f32 to vector<16xf32>
        %mul3A_685 = arith.mulf %mul3A_684, %get3A_679 : vector<16xf32>
        %mul3A_686 = arith.mulf %sub3A_683, %mul3A_685 : vector<16xf32>
        %add3A_687 = arith.addf %mul3A_686, %get3A_681 : vector<16xf32>
        %swap3A_688 = arith.index_cast %scan3A_88 : i32 to index
        %swap3A_689 = arith.constant 256 : index
        %swap3A_690 = tpu.vector_load %arg8[%swap3A_688, %swap3A_689] {strides = array<i32>} : memref<32x768xf32, #tpu.memory_space<vmem>>, vector<16xf32>,
        tpu.vector_store %arg8[%swap3A_688, %swap3A_689], %add3A_687 {strides = array<i32>} : memref<32x768xf32, #tpu.memory_space<vmem>>, vector<16xf32>,
        %get3A_691 = arith.index_cast %scan3A_88 : i32 to index
        %get3A_692 = arith.constant 272 : index
        %get3A_693 = tpu.vector_load %arg8[%get3A_691, %get3A_692] {strides = array<i32>} : memref<32x768xf32, #tpu.memory_space<vmem>>, vector<16xf32>,
        %get3A_694 = arith.constant 272 : index
        %get3A_695 = tpu.vector_load %arg10[%get3A_694] {strides = array<i32>} : memref<768xf32, #tpu.memory_space<vmem>>, vector<16xf32>,
        %get3A_696 = arith.constant 272 : index
        %get3A_697 = tpu.vector_load %arg11[%get3A_696] {strides = array<i32>} : memref<768xf32, #tpu.memory_space<vmem>>, vector<16xf32>,
        %sub3A_698 = vector.broadcast %mul3A_388 : f32 to vector<16xf32>
        %sub3A_699 = arith.subf %get3A_693, %sub3A_698 : vector<16xf32>
        %mul3A_700 = vector.broadcast %mul3A_419 : f32 to vector<16xf32>
        %mul3A_701 = arith.mulf %mul3A_700, %get3A_695 : vector<16xf32>
        %mul3A_702 = arith.mulf %sub3A_699, %mul3A_701 : vector<16xf32>
        %add3A_703 = arith.addf %mul3A_702, %get3A_697 : vector<16xf32>
        %swap3A_704 = arith.index_cast %scan3A_88 : i32 to index
        %swap3A_705 = arith.constant 272 : index
        %swap3A_706 = tpu.vector_load %arg8[%swap3A_704, %swap3A_705] {strides = array<i32>} : memref<32x768xf32, #tpu.memory_space<vmem>>, vector<16xf32>,
        tpu.vector_store %arg8[%swap3A_704, %swap3A_705], %add3A_703 {strides = array<i32>} : memref<32x768xf32, #tpu.memory_space<vmem>>, vector<16xf32>,
        %get3A_707 = arith.index_cast %scan3A_88 : i32 to index
        %get3A_708 = arith.constant 288 : index
        %get3A_709 = tpu.vector_load %arg8[%get3A_707, %get3A_708] {strides = array<i32>} : memref<32x768xf32, #tpu.memory_space<vmem>>, vector<16xf32>,
        %get3A_710 = arith.constant 288 : index
        %get3A_711 = tpu.vector_load %arg10[%get3A_710] {strides = array<i32>} : memref<768xf32, #tpu.memory_space<vmem>>, vector<16xf32>,
        %get3A_712 = arith.constant 288 : index
        %get3A_713 = tpu.vector_load %arg11[%get3A_712] {strides = array<i32>} : memref<768xf32, #tpu.memory_space<vmem>>, vector<16xf32>,
        %sub3A_714 = vector.broadcast %mul3A_388 : f32 to vector<16xf32>
        %sub3A_715 = arith.subf %get3A_709, %sub3A_714 : vector<16xf32>
        %mul3A_716 = vector.broadcast %mul3A_419 : f32 to vector<16xf32>
        %mul3A_717 = arith.mulf %mul3A_716, %get3A_711 : vector<16xf32>
        %mul3A_718 = arith.mulf %sub3A_715, %mul3A_717 : vector<16xf32>
        %add3A_719 = arith.addf %mul3A_718, %get3A_713 : vector<16xf32>
        %swap3A_720 = arith.index_cast %scan3A_88 : i32 to index
        %swap3A_721 = arith.constant 288 : index
        %swap3A_722 = tpu.vector_load %arg8[%swap3A_720, %swap3A_721] {strides = array<i32>} : memref<32x768xf32, #tpu.memory_space<vmem>>, vector<16xf32>,
        tpu.vector_store %arg8[%swap3A_720, %swap3A_721], %add3A_719 {strides = array<i32>} : memref<32x768xf32, #tpu.memory_space<vmem>>, vector<16xf32>,
        %get3A_723 = arith.index_cast %scan3A_88 : i32 to index
        %get3A_724 = arith.constant 304 : index
        %get3A_725 = tpu.vector_load %arg8[%get3A_723, %get3A_724] {strides = array<i32>} : memref<32x768xf32, #tpu.memory_space<vmem>>, vector<16xf32>,
        %get3A_726 = arith.constant 304 : index
        %get3A_727 = tpu.vector_load %arg10[%get3A_726] {strides = array<i32>} : memref<768xf32, #tpu.memory_space<vmem>>, vector<16xf32>,
        %get3A_728 = arith.constant 304 : index
        %get3A_729 = tpu.vector_load %arg11[%get3A_728] {strides = array<i32>} : memref<768xf32, #tpu.memory_space<vmem>>, vector<16xf32>,
        %sub3A_730 = vector.broadcast %mul3A_388 : f32 to vector<16xf32>
        %sub3A_731 = arith.subf %get3A_725, %sub3A_730 : vector<16xf32>
        %mul3A_732 = vector.broadcast %mul3A_419 : f32 to vector<16xf32>
        %mul3A_733 = arith.mulf %mul3A_732, %get3A_727 : vector<16xf32>
        %mul3A_734 = arith.mulf %sub3A_731, %mul3A_733 : vector<16xf32>
        %add3A_735 = arith.addf %mul3A_734, %get3A_729 : vector<16xf32>
        %swap3A_736 = arith.index_cast %scan3A_88 : i32 to index
        %swap3A_737 = arith.constant 304 : index
        %swap3A_738 = tpu.vector_load %arg8[%swap3A_736, %swap3A_737] {strides = array<i32>} : memref<32x768xf32, #tpu.memory_space<vmem>>, vector<16xf32>,
        tpu.vector_store %arg8[%swap3A_736, %swap3A_737], %add3A_735 {strides = array<i32>} : memref<32x768xf32, #tpu.memory_space<vmem>>, vector<16xf32>,
        %get3A_739 = arith.index_cast %scan3A_88 : i32 to index
        %get3A_740 = arith.constant 320 : index
        %get3A_741 = tpu.vector_load %arg8[%get3A_739, %get3A_740] {strides = array<i32>} : memref<32x768xf32, #tpu.memory_space<vmem>>, vector<16xf32>,
        %get3A_742 = arith.constant 320 : index
        %get3A_743 = tpu.vector_load %arg10[%get3A_742] {strides = array<i32>} : memref<768xf32, #tpu.memory_space<vmem>>, vector<16xf32>,
        %get3A_744 = arith.constant 320 : index
        %get3A_745 = tpu.vector_load %arg11[%get3A_744] {strides = array<i32>} : memref<768xf32, #tpu.memory_space<vmem>>, vector<16xf32>,
        %sub3A_746 = vector.broadcast %mul3A_388 : f32 to vector<16xf32>
        %sub3A_747 = arith.subf %get3A_741, %sub3A_746 : vector<16xf32>
        %mul3A_748 = vector.broadcast %mul3A_419 : f32 to vector<16xf32>
        %mul3A_749 = arith.mulf %mul3A_748, %get3A_743 : vector<16xf32>
        %mul3A_750 = arith.mulf %sub3A_747, %mul3A_749 : vector<16xf32>
        %add3A_751 = arith.addf %mul3A_750, %get3A_745 : vector<16xf32>
        %swap3A_752 = arith.index_cast %scan3A_88 : i32 to index
        %swap3A_753 = arith.constant 320 : index
        %swap3A_754 = tpu.vector_load %arg8[%swap3A_752, %swap3A_753] {strides = array<i32>} : memref<32x768xf32, #tpu.memory_space<vmem>>, vector<16xf32>,
        tpu.vector_store %arg8[%swap3A_752, %swap3A_753], %add3A_751 {strides = array<i32>} : memref<32x768xf32, #tpu.memory_space<vmem>>, vector<16xf32>,
        %get3A_755 = arith.index_cast %scan3A_88 : i32 to index
        %get3A_756 = arith.constant 336 : index
        %get3A_757 = tpu.vector_load %arg8[%get3A_755, %get3A_756] {strides = array<i32>} : memref<32x768xf32, #tpu.memory_space<vmem>>, vector<16xf32>,
        %get3A_758 = arith.constant 336 : index
        %get3A_759 = tpu.vector_load %arg10[%get3A_758] {strides = array<i32>} : memref<768xf32, #tpu.memory_space<vmem>>, vector<16xf32>,
        %get3A_760 = arith.constant 336 : index
        %get3A_761 = tpu.vector_load %arg11[%get3A_760] {strides = array<i32>} : memref<768xf32, #tpu.memory_space<vmem>>, vector<16xf32>,
        %sub3A_762 = vector.broadcast %mul3A_388 : f32 to vector<16xf32>
        %sub3A_763 = arith.subf %get3A_757, %sub3A_762 : vector<16xf32>
        %mul3A_764 = vector.broadcast %mul3A_419 : f32 to vector<16xf32>
        %mul3A_765 = arith.mulf %mul3A_764, %get3A_759 : vector<16xf32>
        %mul3A_766 = arith.mulf %sub3A_763, %mul3A_765 : vector<16xf32>
        %add3A_767 = arith.addf %mul3A_766, %get3A_761 : vector<16xf32>
        %swap3A_768 = arith.index_cast %scan3A_88 : i32 to index
        %swap3A_769 = arith.constant 336 : index
        %swap3A_770 = tpu.vector_load %arg8[%swap3A_768, %swap3A_769] {strides = array<i32>} : memref<32x768xf32, #tpu.memory_space<vmem>>, vector<16xf32>,
        tpu.vector_store %arg8[%swap3A_768, %swap3A_769], %add3A_767 {strides = array<i32>} : memref<32x768xf32, #tpu.memory_space<vmem>>, vector<16xf32>,
        %get3A_771 = arith.index_cast %scan3A_88 : i32 to index
        %get3A_772 = arith.constant 352 : index
        %get3A_773 = tpu.vector_load %arg8[%get3A_771, %get3A_772] {strides = array<i32>} : memref<32x768xf32, #tpu.memory_space<vmem>>, vector<16xf32>,
        %get3A_774 = arith.constant 352 : index
        %get3A_775 = tpu.vector_load %arg10[%get3A_774] {strides = array<i32>} : memref<768xf32, #tpu.memory_space<vmem>>, vector<16xf32>,
        %get3A_776 = arith.constant 352 : index
        %get3A_777 = tpu.vector_load %arg11[%get3A_776] {strides = array<i32>} : memref<768xf32, #tpu.memory_space<vmem>>, vector<16xf32>,
        %sub3A_778 = vector.broadcast %mul3A_388 : f32 to vector<16xf32>
        %sub3A_779 = arith.subf %get3A_773, %sub3A_778 : vector<16xf32>
        %mul3A_780 = vector.broadcast %mul3A_419 : f32 to vector<16xf32>
        %mul3A_781 = arith.mulf %mul3A_780, %get3A_775 : vector<16xf32>
        %mul3A_782 = arith.mulf %sub3A_779, %mul3A_781 : vector<16xf32>
        %add3A_783 = arith.addf %mul3A_782, %get3A_777 : vector<16xf32>
        %swap3A_784 = arith.index_cast %scan3A_88 : i32 to index
        %swap3A_785 = arith.constant 352 : index
        %swap3A_786 = tpu.vector_load %arg8[%swap3A_784, %swap3A_785] {strides = array<i32>} : memref<32x768xf32, #tpu.memory_space<vmem>>, vector<16xf32>,
        tpu.vector_store %arg8[%swap3A_784, %swap3A_785], %add3A_783 {strides = array<i32>} : memref<32x768xf32, #tpu.memory_space<vmem>>, vector<16xf32>,
        %get3A_787 = arith.index_cast %scan3A_88 : i32 to index
        %get3A_788 = arith.constant 368 : index
        %get3A_789 = tpu.vector_load %arg8[%get3A_787, %get3A_788] {strides = array<i32>} : memref<32x768xf32, #tpu.memory_space<vmem>>, vector<16xf32>,
        %get3A_790 = arith.constant 368 : index
        %get3A_791 = tpu.vector_load %arg10[%get3A_790] {strides = array<i32>} : memref<768xf32, #tpu.memory_space<vmem>>, vector<16xf32>,
        %get3A_792 = arith.constant 368 : index
        %get3A_793 = tpu.vector_load %arg11[%get3A_792] {strides = array<i32>} : memref<768xf32, #tpu.memory_space<vmem>>, vector<16xf32>,
        %sub3A_794 = vector.broadcast %mul3A_388 : f32 to vector<16xf32>
        %sub3A_795 = arith.subf %get3A_789, %sub3A_794 : vector<16xf32>
        %mul3A_796 = vector.broadcast %mul3A_419 : f32 to vector<16xf32>
        %mul3A_797 = arith.mulf %mul3A_796, %get3A_791 : vector<16xf32>
        %mul3A_798 = arith.mulf %sub3A_795, %mul3A_797 : vector<16xf32>
        %add3A_799 = arith.addf %mul3A_798, %get3A_793 : vector<16xf32>
        %swap3A_800 = arith.index_cast %scan3A_88 : i32 to index
        %swap3A_801 = arith.constant 368 : index
        %swap3A_802 = tpu.vector_load %arg8[%swap3A_800, %swap3A_801] {strides = array<i32>} : memref<32x768xf32, #tpu.memory_space<vmem>>, vector<16xf32>,
        tpu.vector_store %arg8[%swap3A_800, %swap3A_801], %add3A_799 {strides = array<i32>} : memref<32x768xf32, #tpu.memory_space<vmem>>, vector<16xf32>,
        %get3A_803 = arith.index_cast %scan3A_88 : i32 to index
        %get3A_804 = arith.constant 384 : index
        %get3A_805 = tpu.vector_load %arg8[%get3A_803, %get3A_804] {strides = array<i32>} : memref<32x768xf32, #tpu.memory_space<vmem>>, vector<16xf32>,
        %get3A_806 = arith.constant 384 : index
        %get3A_807 = tpu.vector_load %arg10[%get3A_806] {strides = array<i32>} : memref<768xf32, #tpu.memory_space<vmem>>, vector<16xf32>,
        %get3A_808 = arith.constant 384 : index
        %get3A_809 = tpu.vector_load %arg11[%get3A_808] {strides = array<i32>} : memref<768xf32, #tpu.memory_space<vmem>>, vector<16xf32>,
        %sub3A_810 = vector.broadcast %mul3A_388 : f32 to vector<16xf32>
        %sub3A_811 = arith.subf %get3A_805, %sub3A_810 : vector<16xf32>
        %mul3A_812 = vector.broadcast %mul3A_419 : f32 to vector<16xf32>
        %mul3A_813 = arith.mulf %mul3A_812, %get3A_807 : vector<16xf32>
        %mul3A_814 = arith.mulf %sub3A_811, %mul3A_813 : vector<16xf32>
        %add3A_815 = arith.addf %mul3A_814, %get3A_809 : vector<16xf32>
        %swap3A_816 = arith.index_cast %scan3A_88 : i32 to index
        %swap3A_817 = arith.constant 384 : index
        %swap3A_818 = tpu.vector_load %arg8[%swap3A_816, %swap3A_817] {strides = array<i32>} : memref<32x768xf32, #tpu.memory_space<vmem>>, vector<16xf32>,
        tpu.vector_store %arg8[%swap3A_816, %swap3A_817], %add3A_815 {strides = array<i32>} : memref<32x768xf32, #tpu.memory_space<vmem>>, vector<16xf32>,
        %get3A_819 = arith.index_cast %scan3A_88 : i32 to index
        %get3A_820 = arith.constant 400 : index
        %get3A_821 = tpu.vector_load %arg8[%get3A_819, %get3A_820] {strides = array<i32>} : memref<32x768xf32, #tpu.memory_space<vmem>>, vector<16xf32>,
        %get3A_822 = arith.constant 400 : index
        %get3A_823 = tpu.vector_load %arg10[%get3A_822] {strides = array<i32>} : memref<768xf32, #tpu.memory_space<vmem>>, vector<16xf32>,
        %get3A_824 = arith.constant 400 : index
        %get3A_825 = tpu.vector_load %arg11[%get3A_824] {strides = array<i32>} : memref<768xf32, #tpu.memory_space<vmem>>, vector<16xf32>,
        %sub3A_826 = vector.broadcast %mul3A_388 : f32 to vector<16xf32>
        %sub3A_827 = arith.subf %get3A_821, %sub3A_826 : vector<16xf32>
        %mul3A_828 = vector.broadcast %mul3A_419 : f32 to vector<16xf32>
        %mul3A_829 = arith.mulf %mul3A_828, %get3A_823 : vector<16xf32>
        %mul3A_830 = arith.mulf %sub3A_827, %mul3A_829 : vector<16xf32>
        %add3A_831 = arith.addf %mul3A_830, %get3A_825 : vector<16xf32>
        %swap3A_832 = arith.index_cast %scan3A_88 : i32 to index
        %swap3A_833 = arith.constant 400 : index
        %swap3A_834 = tpu.vector_load %arg8[%swap3A_832, %swap3A_833] {strides = array<i32>} : memref<32x768xf32, #tpu.memory_space<vmem>>, vector<16xf32>,
        tpu.vector_store %arg8[%swap3A_832, %swap3A_833], %add3A_831 {strides = array<i32>} : memref<32x768xf32, #tpu.memory_space<vmem>>, vector<16xf32>,
        %get3A_835 = arith.index_cast %scan3A_88 : i32 to index
        %get3A_836 = arith.constant 416 : index
        %get3A_837 = tpu.vector_load %arg8[%get3A_835, %get3A_836] {strides = array<i32>} : memref<32x768xf32, #tpu.memory_space<vmem>>, vector<16xf32>,
        %get3A_838 = arith.constant 416 : index
        %get3A_839 = tpu.vector_load %arg10[%get3A_838] {strides = array<i32>} : memref<768xf32, #tpu.memory_space<vmem>>, vector<16xf32>,
        %get3A_840 = arith.constant 416 : index
        %get3A_841 = tpu.vector_load %arg11[%get3A_840] {strides = array<i32>} : memref<768xf32, #tpu.memory_space<vmem>>, vector<16xf32>,
        %sub3A_842 = vector.broadcast %mul3A_388 : f32 to vector<16xf32>
        %sub3A_843 = arith.subf %get3A_837, %sub3A_842 : vector<16xf32>
        %mul3A_844 = vector.broadcast %mul3A_419 : f32 to vector<16xf32>
        %mul3A_845 = arith.mulf %mul3A_844, %get3A_839 : vector<16xf32>
        %mul3A_846 = arith.mulf %sub3A_843, %mul3A_845 : vector<16xf32>
        %add3A_847 = arith.addf %mul3A_846, %get3A_841 : vector<16xf32>
        %swap3A_848 = arith.index_cast %scan3A_88 : i32 to index
        %swap3A_849 = arith.constant 416 : index
        %swap3A_850 = tpu.vector_load %arg8[%swap3A_848, %swap3A_849] {strides = array<i32>} : memref<32x768xf32, #tpu.memory_space<vmem>>, vector<16xf32>,
        tpu.vector_store %arg8[%swap3A_848, %swap3A_849], %add3A_847 {strides = array<i32>} : memref<32x768xf32, #tpu.memory_space<vmem>>, vector<16xf32>,
        %get3A_851 = arith.index_cast %scan3A_88 : i32 to index
        %get3A_852 = arith.constant 432 : index
        %get3A_853 = tpu.vector_load %arg8[%get3A_851, %get3A_852] {strides = array<i32>} : memref<32x768xf32, #tpu.memory_space<vmem>>, vector<16xf32>,
        %get3A_854 = arith.constant 432 : index
        %get3A_855 = tpu.vector_load %arg10[%get3A_854] {strides = array<i32>} : memref<768xf32, #tpu.memory_space<vmem>>, vector<16xf32>,
        %get3A_856 = arith.constant 432 : index
        %get3A_857 = tpu.vector_load %arg11[%get3A_856] {strides = array<i32>} : memref<768xf32, #tpu.memory_space<vmem>>, vector<16xf32>,
        %sub3A_858 = vector.broadcast %mul3A_388 : f32 to vector<16xf32>
        %sub3A_859 = arith.subf %get3A_853, %sub3A_858 : vector<16xf32>
        %mul3A_860 = vector.broadcast %mul3A_419 : f32 to vector<16xf32>
        %mul3A_861 = arith.mulf %mul3A_860, %get3A_855 : vector<16xf32>
        %mul3A_862 = arith.mulf %sub3A_859, %mul3A_861 : vector<16xf32>
        %add3A_863 = arith.addf %mul3A_862, %get3A_857 : vector<16xf32>
        %swap3A_864 = arith.index_cast %scan3A_88 : i32 to index
        %swap3A_865 = arith.constant 432 : index
        %swap3A_866 = tpu.vector_load %arg8[%swap3A_864, %swap3A_865] {strides = array<i32>} : memref<32x768xf32, #tpu.memory_space<vmem>>, vector<16xf32>,
        tpu.vector_store %arg8[%swap3A_864, %swap3A_865], %add3A_863 {strides = array<i32>} : memref<32x768xf32, #tpu.memory_space<vmem>>, vector<16xf32>,
        %get3A_867 = arith.index_cast %scan3A_88 : i32 to index
        %get3A_868 = arith.constant 448 : index
        %get3A_869 = tpu.vector_load %arg8[%get3A_867, %get3A_868] {strides = array<i32>} : memref<32x768xf32, #tpu.memory_space<vmem>>, vector<16xf32>,
        %get3A_870 = arith.constant 448 : index
        %get3A_871 = tpu.vector_load %arg10[%get3A_870] {strides = array<i32>} : memref<768xf32, #tpu.memory_space<vmem>>, vector<16xf32>,
        %get3A_872 = arith.constant 448 : index
        %get3A_873 = tpu.vector_load %arg11[%get3A_872] {strides = array<i32>} : memref<768xf32, #tpu.memory_space<vmem>>, vector<16xf32>,
        %sub3A_874 = vector.broadcast %mul3A_388 : f32 to vector<16xf32>
        %sub3A_875 = arith.subf %get3A_869, %sub3A_874 : vector<16xf32>
        %mul3A_876 = vector.broadcast %mul3A_419 : f32 to vector<16xf32>
        %mul3A_877 = arith.mulf %mul3A_876, %get3A_871 : vector<16xf32>
        %mul3A_878 = arith.mulf %sub3A_875, %mul3A_877 : vector<16xf32>
        %add3A_879 = arith.addf %mul3A_878, %get3A_873 : vector<16xf32>
        %swap3A_880 = arith.index_cast %scan3A_88 : i32 to index
        %swap3A_881 = arith.constant 448 : index
        %swap3A_882 = tpu.vector_load %arg8[%swap3A_880, %swap3A_881] {strides = array<i32>} : memref<32x768xf32, #tpu.memory_space<vmem>>, vector<16xf32>,
        tpu.vector_store %arg8[%swap3A_880, %swap3A_881], %add3A_879 {strides = array<i32>} : memref<32x768xf32, #tpu.memory_space<vmem>>, vector<16xf32>,
        %get3A_883 = arith.index_cast %scan3A_88 : i32 to index
        %get3A_884 = arith.constant 464 : index
        %get3A_885 = tpu.vector_load %arg8[%get3A_883, %get3A_884] {strides = array<i32>} : memref<32x768xf32, #tpu.memory_space<vmem>>, vector<16xf32>,
        %get3A_886 = arith.constant 464 : index
        %get3A_887 = tpu.vector_load %arg10[%get3A_886] {strides = array<i32>} : memref<768xf32, #tpu.memory_space<vmem>>, vector<16xf32>,
        %get3A_888 = arith.constant 464 : index
        %get3A_889 = tpu.vector_load %arg11[%get3A_888] {strides = array<i32>} : memref<768xf32, #tpu.memory_space<vmem>>, vector<16xf32>,
        %sub3A_890 = vector.broadcast %mul3A_388 : f32 to vector<16xf32>
        %sub3A_891 = arith.subf %get3A_885, %sub3A_890 : vector<16xf32>
        %mul3A_892 = vector.broadcast %mul3A_419 : f32 to vector<16xf32>
        %mul3A_893 = arith.mulf %mul3A_892, %get3A_887 : vector<16xf32>
        %mul3A_894 = arith.mulf %sub3A_891, %mul3A_893 : vector<16xf32>
        %add3A_895 = arith.addf %mul3A_894, %get3A_889 : vector<16xf32>
        %swap3A_896 = arith.index_cast %scan3A_88 : i32 to index
        %swap3A_897 = arith.constant 464 : index
        %swap3A_898 = tpu.vector_load %arg8[%swap3A_896, %swap3A_897] {strides = array<i32>} : memref<32x768xf32, #tpu.memory_space<vmem>>, vector<16xf32>,
        tpu.vector_store %arg8[%swap3A_896, %swap3A_897], %add3A_895 {strides = array<i32>} : memref<32x768xf32, #tpu.memory_space<vmem>>, vector<16xf32>,
        %get3A_899 = arith.index_cast %scan3A_88 : i32 to index
        %get3A_900 = arith.constant 480 : index
        %get3A_901 = tpu.vector_load %arg8[%get3A_899, %get3A_900] {strides = array<i32>} : memref<32x768xf32, #tpu.memory_space<vmem>>, vector<16xf32>,
        %get3A_902 = arith.constant 480 : index
        %get3A_903 = tpu.vector_load %arg10[%get3A_902] {strides = array<i32>} : memref<768xf32, #tpu.memory_space<vmem>>, vector<16xf32>,
        %get3A_904 = arith.constant 480 : index
        %get3A_905 = tpu.vector_load %arg11[%get3A_904] {strides = array<i32>} : memref<768xf32, #tpu.memory_space<vmem>>, vector<16xf32>,
        %sub3A_906 = vector.broadcast %mul3A_388 : f32 to vector<16xf32>
        %sub3A_907 = arith.subf %get3A_901, %sub3A_906 : vector<16xf32>
        %mul3A_908 = vector.broadcast %mul3A_419 : f32 to vector<16xf32>
        %mul3A_909 = arith.mulf %mul3A_908, %get3A_903 : vector<16xf32>
        %mul3A_910 = arith.mulf %sub3A_907, %mul3A_909 : vector<16xf32>
        %add3A_911 = arith.addf %mul3A_910, %get3A_905 : vector<16xf32>
        %swap3A_912 = arith.index_cast %scan3A_88 : i32 to index
        %swap3A_913 = arith.constant 480 : index
        %swap3A_914 = tpu.vector_load %arg8[%swap3A_912, %swap3A_913] {strides = array<i32>} : memref<32x768xf32, #tpu.memory_space<vmem>>, vector<16xf32>,
        tpu.vector_store %arg8[%swap3A_912, %swap3A_913], %add3A_911 {strides = array<i32>} : memref<32x768xf32, #tpu.memory_space<vmem>>, vector<16xf32>,
        %get3A_915 = arith.index_cast %scan3A_88 : i32 to index
        %get3A_916 = arith.constant 496 : index
        %get3A_917 = tpu.vector_load %arg8[%get3A_915, %get3A_916] {strides = array<i32>} : memref<32x768xf32, #tpu.memory_space<vmem>>, vector<16xf32>,
        %get3A_918 = arith.constant 496 : index
        %get3A_919 = tpu.vector_load %arg10[%get3A_918] {strides = array<i32>} : memref<768xf32, #tpu.memory_space<vmem>>, vector<16xf32>,
        %get3A_920 = arith.constant 496 : index
        %get3A_921 = tpu.vector_load %arg11[%get3A_920] {strides = array<i32>} : memref<768xf32, #tpu.memory_space<vmem>>, vector<16xf32>,
        %sub3A_922 = vector.broadcast %mul3A_388 : f32 to vector<16xf32>
        %sub3A_923 = arith.subf %get3A_917, %sub3A_922 : vector<16xf32>
        %mul3A_924 = vector.broadcast %mul3A_419 : f32 to vector<16xf32>
        %mul3A_925 = arith.mulf %mul3A_924, %get3A_919 : vector<16xf32>
        %mul3A_926 = arith.mulf %sub3A_923, %mul3A_925 : vector<16xf32>
        %add3A_927 = arith.addf %mul3A_926, %get3A_921 : vector<16xf32>
        %swap3A_928 = arith.index_cast %scan3A_88 : i32 to index
        %swap3A_929 = arith.constant 496 : index
        %swap3A_930 = tpu.vector_load %arg8[%swap3A_928, %swap3A_929] {strides = array<i32>} : memref<32x768xf32, #tpu.memory_space<vmem>>, vector<16xf32>,
        tpu.vector_store %arg8[%swap3A_928, %swap3A_929], %add3A_927 {strides = array<i32>} : memref<32x768xf32, #tpu.memory_space<vmem>>, vector<16xf32>,
        %get3A_931 = arith.index_cast %scan3A_88 : i32 to index
        %get3A_932 = arith.constant 512 : index
        %get3A_933 = tpu.vector_load %arg8[%get3A_931, %get3A_932] {strides = array<i32>} : memref<32x768xf32, #tpu.memory_space<vmem>>, vector<16xf32>,
        %get3A_934 = arith.constant 512 : index
        %get3A_935 = tpu.vector_load %arg10[%get3A_934] {strides = array<i32>} : memref<768xf32, #tpu.memory_space<vmem>>, vector<16xf32>,
        %get3A_936 = arith.constant 512 : index
        %get3A_937 = tpu.vector_load %arg11[%get3A_936] {strides = array<i32>} : memref<768xf32, #tpu.memory_space<vmem>>, vector<16xf32>,
        %sub3A_938 = vector.broadcast %mul3A_388 : f32 to vector<16xf32>
        %sub3A_939 = arith.subf %get3A_933, %sub3A_938 : vector<16xf32>
        %mul3A_940 = vector.broadcast %mul3A_419 : f32 to vector<16xf32>
        %mul3A_941 = arith.mulf %mul3A_940, %get3A_935 : vector<16xf32>
        %mul3A_942 = arith.mulf %sub3A_939, %mul3A_941 : vector<16xf32>
        %add3A_943 = arith.addf %mul3A_942, %get3A_937 : vector<16xf32>
        %swap3A_944 = arith.index_cast %scan3A_88 : i32 to index
        %swap3A_945 = arith.constant 512 : index
        %swap3A_946 = tpu.vector_load %arg8[%swap3A_944, %swap3A_945] {strides = array<i32>} : memref<32x768xf32, #tpu.memory_space<vmem>>, vector<16xf32>,
        tpu.vector_store %arg8[%swap3A_944, %swap3A_945], %add3A_943 {strides = array<i32>} : memref<32x768xf32, #tpu.memory_space<vmem>>, vector<16xf32>,
        %get3A_947 = arith.index_cast %scan3A_88 : i32 to index
        %get3A_948 = arith.constant 528 : index
        %get3A_949 = tpu.vector_load %arg8[%get3A_947, %get3A_948] {strides = array<i32>} : memref<32x768xf32, #tpu.memory_space<vmem>>, vector<16xf32>,
        %get3A_950 = arith.constant 528 : index
        %get3A_951 = tpu.vector_load %arg10[%get3A_950] {strides = array<i32>} : memref<768xf32, #tpu.memory_space<vmem>>, vector<16xf32>,
        %get3A_952 = arith.constant 528 : index
        %get3A_953 = tpu.vector_load %arg11[%get3A_952] {strides = array<i32>} : memref<768xf32, #tpu.memory_space<vmem>>, vector<16xf32>,
        %sub3A_954 = vector.broadcast %mul3A_388 : f32 to vector<16xf32>
        %sub3A_955 = arith.subf %get3A_949, %sub3A_954 : vector<16xf32>
        %mul3A_956 = vector.broadcast %mul3A_419 : f32 to vector<16xf32>
        %mul3A_957 = arith.mulf %mul3A_956, %get3A_951 : vector<16xf32>
        %mul3A_958 = arith.mulf %sub3A_955, %mul3A_957 : vector<16xf32>
        %add3A_959 = arith.addf %mul3A_958, %get3A_953 : vector<16xf32>
        %swap3A_960 = arith.index_cast %scan3A_88 : i32 to index
        %swap3A_961 = arith.constant 528 : index
        %swap3A_962 = tpu.vector_load %arg8[%swap3A_960, %swap3A_961] {strides = array<i32>} : memref<32x768xf32, #tpu.memory_space<vmem>>, vector<16xf32>,
        tpu.vector_store %arg8[%swap3A_960, %swap3A_961], %add3A_959 {strides = array<i32>} : memref<32x768xf32, #tpu.memory_space<vmem>>, vector<16xf32>,
        %get3A_963 = arith.index_cast %scan3A_88 : i32 to index
        %get3A_964 = arith.constant 544 : index
        %get3A_965 = tpu.vector_load %arg8[%get3A_963, %get3A_964] {strides = array<i32>} : memref<32x768xf32, #tpu.memory_space<vmem>>, vector<16xf32>,
        %get3A_966 = arith.constant 544 : index
        %get3A_967 = tpu.vector_load %arg10[%get3A_966] {strides = array<i32>} : memref<768xf32, #tpu.memory_space<vmem>>, vector<16xf32>,
        %get3A_968 = arith.constant 544 : index
        %get3A_969 = tpu.vector_load %arg11[%get3A_968] {strides = array<i32>} : memref<768xf32, #tpu.memory_space<vmem>>, vector<16xf32>,
        %sub3A_970 = vector.broadcast %mul3A_388 : f32 to vector<16xf32>
        %sub3A_971 = arith.subf %get3A_965, %sub3A_970 : vector<16xf32>
        %mul3A_972 = vector.broadcast %mul3A_419 : f32 to vector<16xf32>
        %mul3A_973 = arith.mulf %mul3A_972, %get3A_967 : vector<16xf32>
        %mul3A_974 = arith.mulf %sub3A_971, %mul3A_973 : vector<16xf32>
        %add3A_975 = arith.addf %mul3A_974, %get3A_969 : vector<16xf32>
        %swap3A_976 = arith.index_cast %scan3A_88 : i32 to index
        %swap3A_977 = arith.constant 544 : index
        %swap3A_978 = tpu.vector_load %arg8[%swap3A_976, %swap3A_977] {strides = array<i32>} : memref<32x768xf32, #tpu.memory_space<vmem>>, vector<16xf32>,
        tpu.vector_store %arg8[%swap3A_976, %swap3A_977], %add3A_975 {strides = array<i32>} : memref<32x768xf32, #tpu.memory_space<vmem>>, vector<16xf32>,
        %get3A_979 = arith.index_cast %scan3A_88 : i32 to index
        %get3A_980 = arith.constant 560 : index
        %get3A_981 = tpu.vector_load %arg8[%get3A_979, %get3A_980] {strides = array<i32>} : memref<32x768xf32, #tpu.memory_space<vmem>>, vector<16xf32>,
        %get3A_982 = arith.constant 560 : index
        %get3A_983 = tpu.vector_load %arg10[%get3A_982] {strides = array<i32>} : memref<768xf32, #tpu.memory_space<vmem>>, vector<16xf32>,
        %get3A_984 = arith.constant 560 : index
        %get3A_985 = tpu.vector_load %arg11[%get3A_984] {strides = array<i32>} : memref<768xf32, #tpu.memory_space<vmem>>, vector<16xf32>,
        %sub3A_986 = vector.broadcast %mul3A_388 : f32 to vector<16xf32>
        %sub3A_987 = arith.subf %get3A_981, %sub3A_986 : vector<16xf32>
        %mul3A_988 = vector.broadcast %mul3A_419 : f32 to vector<16xf32>
        %mul3A_989 = arith.mulf %mul3A_988, %get3A_983 : vector<16xf32>
        %mul3A_990 = arith.mulf %sub3A_987, %mul3A_989 : vector<16xf32>
        %add3A_991 = arith.addf %mul3A_990, %get3A_985 : vector<16xf32>
        %swap3A_992 = arith.index_cast %scan3A_88 : i32 to index
        %swap3A_993 = arith.constant 560 : index
        %swap3A_994 = tpu.vector_load %arg8[%swap3A_992, %swap3A_993] {strides = array<i32>} : memref<32x768xf32, #tpu.memory_space<vmem>>, vector<16xf32>,
        tpu.vector_store %arg8[%swap3A_992, %swap3A_993], %add3A_991 {strides = array<i32>} : memref<32x768xf32, #tpu.memory_space<vmem>>, vector<16xf32>,
        %get3A_995 = arith.index_cast %scan3A_88 : i32 to index
        %get3A_996 = arith.constant 576 : index
        %get3A_997 = tpu.vector_load %arg8[%get3A_995, %get3A_996] {strides = array<i32>} : memref<32x768xf32, #tpu.memory_space<vmem>>, vector<16xf32>,
        %get3A_998 = arith.constant 576 : index
        %get3A_999 = tpu.vector_load %arg10[%get3A_998] {strides = array<i32>} : memref<768xf32, #tpu.memory_space<vmem>>, vector<16xf32>,
        %get3A_1000 = arith.constant 576 : index
        %get3A_1001 = tpu.vector_load %arg11[%get3A_1000] {strides = array<i32>} : memref<768xf32, #tpu.memory_space<vmem>>, vector<16xf32>,
        %sub3A_1002 = vector.broadcast %mul3A_388 : f32 to vector<16xf32>
        %sub3A_1003 = arith.subf %get3A_997, %sub3A_1002 : vector<16xf32>
        %mul3A_1004 = vector.broadcast %mul3A_419 : f32 to vector<16xf32>
        %mul3A_1005 = arith.mulf %mul3A_1004, %get3A_999 : vector<16xf32>
        %mul3A_1006 = arith.mulf %sub3A_1003, %mul3A_1005 : vector<16xf32>
        %add3A_1007 = arith.addf %mul3A_1006, %get3A_1001 : vector<16xf32>
        %swap3A_1008 = arith.index_cast %scan3A_88 : i32 to index
        %swap3A_1009 = arith.constant 576 : index
        %swap3A_1010 = tpu.vector_load %arg8[%swap3A_1008, %swap3A_1009] {strides = array<i32>} : memref<32x768xf32, #tpu.memory_space<vmem>>, vector<16xf32>,
        tpu.vector_store %arg8[%swap3A_1008, %swap3A_1009], %add3A_1007 {strides = array<i32>} : memref<32x768xf32, #tpu.memory_space<vmem>>, vector<16xf32>,
        %get3A_1011 = arith.index_cast %scan3A_88 : i32 to index
        %get3A_1012 = arith.constant 592 : index
        %get3A_1013 = tpu.vector_load %arg8[%get3A_1011, %get3A_1012] {strides = array<i32>} : memref<32x768xf32, #tpu.memory_space<vmem>>, vector<16xf32>,
        %get3A_1014 = arith.constant 592 : index
        %get3A_1015 = tpu.vector_load %arg10[%get3A_1014] {strides = array<i32>} : memref<768xf32, #tpu.memory_space<vmem>>, vector<16xf32>,
        %get3A_1016 = arith.constant 592 : index
        %get3A_1017 = tpu.vector_load %arg11[%get3A_1016] {strides = array<i32>} : memref<768xf32, #tpu.memory_space<vmem>>, vector<16xf32>,
        %sub3A_1018 = vector.broadcast %mul3A_388 : f32 to vector<16xf32>
        %sub3A_1019 = arith.subf %get3A_1013, %sub3A_1018 : vector<16xf32>
        %mul3A_1020 = vector.broadcast %mul3A_419 : f32 to vector<16xf32>
        %mul3A_1021 = arith.mulf %mul3A_1020, %get3A_1015 : vector<16xf32>
        %mul3A_1022 = arith.mulf %sub3A_1019, %mul3A_1021 : vector<16xf32>
        %add3A_1023 = arith.addf %mul3A_1022, %get3A_1017 : vector<16xf32>
        %swap3A_1024 = arith.index_cast %scan3A_88 : i32 to index
        %swap3A_1025 = arith.constant 592 : index
        %swap3A_1026 = tpu.vector_load %arg8[%swap3A_1024, %swap3A_1025] {strides = array<i32>} : memref<32x768xf32, #tpu.memory_space<vmem>>, vector<16xf32>,
        tpu.vector_store %arg8[%swap3A_1024, %swap3A_1025], %add3A_1023 {strides = array<i32>} : memref<32x768xf32, #tpu.memory_space<vmem>>, vector<16xf32>,
        %get3A_1027 = arith.index_cast %scan3A_88 : i32 to index
        %get3A_1028 = arith.constant 608 : index
        %get3A_1029 = tpu.vector_load %arg8[%get3A_1027, %get3A_1028] {strides = array<i32>} : memref<32x768xf32, #tpu.memory_space<vmem>>, vector<16xf32>,
        %get3A_1030 = arith.constant 608 : index
        %get3A_1031 = tpu.vector_load %arg10[%get3A_1030] {strides = array<i32>} : memref<768xf32, #tpu.memory_space<vmem>>, vector<16xf32>,
        %get3A_1032 = arith.constant 608 : index
        %get3A_1033 = tpu.vector_load %arg11[%get3A_1032] {strides = array<i32>} : memref<768xf32, #tpu.memory_space<vmem>>, vector<16xf32>,
        %sub3A_1034 = vector.broadcast %mul3A_388 : f32 to vector<16xf32>
        %sub3A_1035 = arith.subf %get3A_1029, %sub3A_1034 : vector<16xf32>
        %mul3A_1036 = vector.broadcast %mul3A_419 : f32 to vector<16xf32>
        %mul3A_1037 = arith.mulf %mul3A_1036, %get3A_1031 : vector<16xf32>
        %mul3A_1038 = arith.mulf %sub3A_1035, %mul3A_1037 : vector<16xf32>
        %add3A_1039 = arith.addf %mul3A_1038, %get3A_1033 : vector<16xf32>
        %swap3A_1040 = arith.index_cast %scan3A_88 : i32 to index
        %swap3A_1041 = arith.constant 608 : index
        %swap3A_1042 = tpu.vector_load %arg8[%swap3A_1040, %swap3A_1041] {strides = array<i32>} : memref<32x768xf32, #tpu.memory_space<vmem>>, vector<16xf32>,
        tpu.vector_store %arg8[%swap3A_1040, %swap3A_1041], %add3A_1039 {strides = array<i32>} : memref<32x768xf32, #tpu.memory_space<vmem>>, vector<16xf32>,
        %get3A_1043 = arith.index_cast %scan3A_88 : i32 to index
        %get3A_1044 = arith.constant 624 : index
        %get3A_1045 = tpu.vector_load %arg8[%get3A_1043, %get3A_1044] {strides = array<i32>} : memref<32x768xf32, #tpu.memory_space<vmem>>, vector<16xf32>,
        %get3A_1046 = arith.constant 624 : index
        %get3A_1047 = tpu.vector_load %arg10[%get3A_1046] {strides = array<i32>} : memref<768xf32, #tpu.memory_space<vmem>>, vector<16xf32>,
        %get3A_1048 = arith.constant 624 : index
        %get3A_1049 = tpu.vector_load %arg11[%get3A_1048] {strides = array<i32>} : memref<768xf32, #tpu.memory_space<vmem>>, vector<16xf32>,
        %sub3A_1050 = vector.broadcast %mul3A_388 : f32 to vector<16xf32>
        %sub3A_1051 = arith.subf %get3A_1045, %sub3A_1050 : vector<16xf32>
        %mul3A_1052 = vector.broadcast %mul3A_419 : f32 to vector<16xf32>
        %mul3A_1053 = arith.mulf %mul3A_1052, %get3A_1047 : vector<16xf32>
        %mul3A_1054 = arith.mulf %sub3A_1051, %mul3A_1053 : vector<16xf32>
        %add3A_1055 = arith.addf %mul3A_1054, %get3A_1049 : vector<16xf32>
        %swap3A_1056 = arith.index_cast %scan3A_88 : i32 to index
        %swap3A_1057 = arith.constant 624 : index
        %swap3A_1058 = tpu.vector_load %arg8[%swap3A_1056, %swap3A_1057] {strides = array<i32>} : memref<32x768xf32, #tpu.memory_space<vmem>>, vector<16xf32>,
        tpu.vector_store %arg8[%swap3A_1056, %swap3A_1057], %add3A_1055 {strides = array<i32>} : memref<32x768xf32, #tpu.memory_space<vmem>>, vector<16xf32>,
        %get3A_1059 = arith.index_cast %scan3A_88 : i32 to index
        %get3A_1060 = arith.constant 640 : index
        %get3A_1061 = tpu.vector_load %arg8[%get3A_1059, %get3A_1060] {strides = array<i32>} : memref<32x768xf32, #tpu.memory_space<vmem>>, vector<16xf32>,
        %get3A_1062 = arith.constant 640 : index
        %get3A_1063 = tpu.vector_load %arg10[%get3A_1062] {strides = array<i32>} : memref<768xf32, #tpu.memory_space<vmem>>, vector<16xf32>,
        %get3A_1064 = arith.constant 640 : index
        %get3A_1065 = tpu.vector_load %arg11[%get3A_1064] {strides = array<i32>} : memref<768xf32, #tpu.memory_space<vmem>>, vector<16xf32>,
        %sub3A_1066 = vector.broadcast %mul3A_388 : f32 to vector<16xf32>
        %sub3A_1067 = arith.subf %get3A_1061, %sub3A_1066 : vector<16xf32>
        %mul3A_1068 = vector.broadcast %mul3A_419 : f32 to vector<16xf32>
        %mul3A_1069 = arith.mulf %mul3A_1068, %get3A_1063 : vector<16xf32>
        %mul3A_1070 = arith.mulf %sub3A_1067, %mul3A_1069 : vector<16xf32>
        %add3A_1071 = arith.addf %mul3A_1070, %get3A_1065 : vector<16xf32>
        %swap3A_1072 = arith.index_cast %scan3A_88 : i32 to index
        %swap3A_1073 = arith.constant 640 : index
        %swap3A_1074 = tpu.vector_load %arg8[%swap3A_1072, %swap3A_1073] {strides = array<i32>} : memref<32x768xf32, #tpu.memory_space<vmem>>, vector<16xf32>,
        tpu.vector_store %arg8[%swap3A_1072, %swap3A_1073], %add3A_1071 {strides = array<i32>} : memref<32x768xf32, #tpu.memory_space<vmem>>, vector<16xf32>,
        %get3A_1075 = arith.index_cast %scan3A_88 : i32 to index
        %get3A_1076 = arith.constant 656 : index
        %get3A_1077 = tpu.vector_load %arg8[%get3A_1075, %get3A_1076] {strides = array<i32>} : memref<32x768xf32, #tpu.memory_space<vmem>>, vector<16xf32>,
        %get3A_1078 = arith.constant 656 : index
        %get3A_1079 = tpu.vector_load %arg10[%get3A_1078] {strides = array<i32>} : memref<768xf32, #tpu.memory_space<vmem>>, vector<16xf32>,
        %get3A_1080 = arith.constant 656 : index
        %get3A_1081 = tpu.vector_load %arg11[%get3A_1080] {strides = array<i32>} : memref<768xf32, #tpu.memory_space<vmem>>, vector<16xf32>,
        %sub3A_1082 = vector.broadcast %mul3A_388 : f32 to vector<16xf32>
        %sub3A_1083 = arith.subf %get3A_1077, %sub3A_1082 : vector<16xf32>
        %mul3A_1084 = vector.broadcast %mul3A_419 : f32 to vector<16xf32>
        %mul3A_1085 = arith.mulf %mul3A_1084, %get3A_1079 : vector<16xf32>
        %mul3A_1086 = arith.mulf %sub3A_1083, %mul3A_1085 : vector<16xf32>
        %add3A_1087 = arith.addf %mul3A_1086, %get3A_1081 : vector<16xf32>
        %swap3A_1088 = arith.index_cast %scan3A_88 : i32 to index
        %swap3A_1089 = arith.constant 656 : index
        %swap3A_1090 = tpu.vector_load %arg8[%swap3A_1088, %swap3A_1089] {strides = array<i32>} : memref<32x768xf32, #tpu.memory_space<vmem>>, vector<16xf32>,
        tpu.vector_store %arg8[%swap3A_1088, %swap3A_1089], %add3A_1087 {strides = array<i32>} : memref<32x768xf32, #tpu.memory_space<vmem>>, vector<16xf32>,
        %get3A_1091 = arith.index_cast %scan3A_88 : i32 to index
        %get3A_1092 = arith.constant 672 : index
        %get3A_1093 = tpu.vector_load %arg8[%get3A_1091, %get3A_1092] {strides = array<i32>} : memref<32x768xf32, #tpu.memory_space<vmem>>, vector<16xf32>,
        %get3A_1094 = arith.constant 672 : index
        %get3A_1095 = tpu.vector_load %arg10[%get3A_1094] {strides = array<i32>} : memref<768xf32, #tpu.memory_space<vmem>>, vector<16xf32>,
        %get3A_1096 = arith.constant 672 : index
        %get3A_1097 = tpu.vector_load %arg11[%get3A_1096] {strides = array<i32>} : memref<768xf32, #tpu.memory_space<vmem>>, vector<16xf32>,
        %sub3A_1098 = vector.broadcast %mul3A_388 : f32 to vector<16xf32>
        %sub3A_1099 = arith.subf %get3A_1093, %sub3A_1098 : vector<16xf32>
        %mul3A_1100 = vector.broadcast %mul3A_419 : f32 to vector<16xf32>
        %mul3A_1101 = arith.mulf %mul3A_1100, %get3A_1095 : vector<16xf32>
        %mul3A_1102 = arith.mulf %sub3A_1099, %mul3A_1101 : vector<16xf32>
        %add3A_1103 = arith.addf %mul3A_1102, %get3A_1097 : vector<16xf32>
        %swap3A_1104 = arith.index_cast %scan3A_88 : i32 to index
        %swap3A_1105 = arith.constant 672 : index
        %swap3A_1106 = tpu.vector_load %arg8[%swap3A_1104, %swap3A_1105] {strides = array<i32>} : memref<32x768xf32, #tpu.memory_space<vmem>>, vector<16xf32>,
        tpu.vector_store %arg8[%swap3A_1104, %swap3A_1105], %add3A_1103 {strides = array<i32>} : memref<32x768xf32, #tpu.memory_space<vmem>>, vector<16xf32>,
        %get3A_1107 = arith.index_cast %scan3A_88 : i32 to index
        %get3A_1108 = arith.constant 688 : index
        %get3A_1109 = tpu.vector_load %arg8[%get3A_1107, %get3A_1108] {strides = array<i32>} : memref<32x768xf32, #tpu.memory_space<vmem>>, vector<16xf32>,
        %get3A_1110 = arith.constant 688 : index
        %get3A_1111 = tpu.vector_load %arg10[%get3A_1110] {strides = array<i32>} : memref<768xf32, #tpu.memory_space<vmem>>, vector<16xf32>,
        %get3A_1112 = arith.constant 688 : index
        %get3A_1113 = tpu.vector_load %arg11[%get3A_1112] {strides = array<i32>} : memref<768xf32, #tpu.memory_space<vmem>>, vector<16xf32>,
        %sub3A_1114 = vector.broadcast %mul3A_388 : f32 to vector<16xf32>
        %sub3A_1115 = arith.subf %get3A_1109, %sub3A_1114 : vector<16xf32>
        %mul3A_1116 = vector.broadcast %mul3A_419 : f32 to vector<16xf32>
        %mul3A_1117 = arith.mulf %mul3A_1116, %get3A_1111 : vector<16xf32>
        %mul3A_1118 = arith.mulf %sub3A_1115, %mul3A_1117 : vector<16xf32>
        %add3A_1119 = arith.addf %mul3A_1118, %get3A_1113 : vector<16xf32>
        %swap3A_1120 = arith.index_cast %scan3A_88 : i32 to index
        %swap3A_1121 = arith.constant 688 : index
        %swap3A_1122 = tpu.vector_load %arg8[%swap3A_1120, %swap3A_1121] {strides = array<i32>} : memref<32x768xf32, #tpu.memory_space<vmem>>, vector<16xf32>,
        tpu.vector_store %arg8[%swap3A_1120, %swap3A_1121], %add3A_1119 {strides = array<i32>} : memref<32x768xf32, #tpu.memory_space<vmem>>, vector<16xf32>,
        %get3A_1123 = arith.index_cast %scan3A_88 : i32 to index
        %get3A_1124 = arith.constant 704 : index
        %get3A_1125 = tpu.vector_load %arg8[%get3A_1123, %get3A_1124] {strides = array<i32>} : memref<32x768xf32, #tpu.memory_space<vmem>>, vector<16xf32>,
        %get3A_1126 = arith.constant 704 : index
        %get3A_1127 = tpu.vector_load %arg10[%get3A_1126] {strides = array<i32>} : memref<768xf32, #tpu.memory_space<vmem>>, vector<16xf32>,
        %get3A_1128 = arith.constant 704 : index
        %get3A_1129 = tpu.vector_load %arg11[%get3A_1128] {strides = array<i32>} : memref<768xf32, #tpu.memory_space<vmem>>, vector<16xf32>,
        %sub3A_1130 = vector.broadcast %mul3A_388 : f32 to vector<16xf32>
        %sub3A_1131 = arith.subf %get3A_1125, %sub3A_1130 : vector<16xf32>
        %mul3A_1132 = vector.broadcast %mul3A_419 : f32 to vector<16xf32>
        %mul3A_1133 = arith.mulf %mul3A_1132, %get3A_1127 : vector<16xf32>
        %mul3A_1134 = arith.mulf %sub3A_1131, %mul3A_1133 : vector<16xf32>
        %add3A_1135 = arith.addf %mul3A_1134, %get3A_1129 : vector<16xf32>
        %swap3A_1136 = arith.index_cast %scan3A_88 : i32 to index
        %swap3A_1137 = arith.constant 704 : index
        %swap3A_1138 = tpu.vector_load %arg8[%swap3A_1136, %swap3A_1137] {strides = array<i32>} : memref<32x768xf32, #tpu.memory_space<vmem>>, vector<16xf32>,
        tpu.vector_store %arg8[%swap3A_1136, %swap3A_1137], %add3A_1135 {strides = array<i32>} : memref<32x768xf32, #tpu.memory_space<vmem>>, vector<16xf32>,
        %get3A_1139 = arith.index_cast %scan3A_88 : i32 to index
        %get3A_1140 = arith.constant 720 : index
        %get3A_1141 = tpu.vector_load %arg8[%get3A_1139, %get3A_1140] {strides = array<i32>} : memref<32x768xf32, #tpu.memory_space<vmem>>, vector<16xf32>,
        %get3A_1142 = arith.constant 720 : index
        %get3A_1143 = tpu.vector_load %arg10[%get3A_1142] {strides = array<i32>} : memref<768xf32, #tpu.memory_space<vmem>>, vector<16xf32>,
        %get3A_1144 = arith.constant 720 : index
        %get3A_1145 = tpu.vector_load %arg11[%get3A_1144] {strides = array<i32>} : memref<768xf32, #tpu.memory_space<vmem>>, vector<16xf32>,
        %sub3A_1146 = vector.broadcast %mul3A_388 : f32 to vector<16xf32>
        %sub3A_1147 = arith.subf %get3A_1141, %sub3A_1146 : vector<16xf32>
        %mul3A_1148 = vector.broadcast %mul3A_419 : f32 to vector<16xf32>
        %mul3A_1149 = arith.mulf %mul3A_1148, %get3A_1143 : vector<16xf32>
        %mul3A_1150 = arith.mulf %sub3A_1147, %mul3A_1149 : vector<16xf32>
        %add3A_1151 = arith.addf %mul3A_1150, %get3A_1145 : vector<16xf32>
        %swap3A_1152 = arith.index_cast %scan3A_88 : i32 to index
        %swap3A_1153 = arith.constant 720 : index
        %swap3A_1154 = tpu.vector_load %arg8[%swap3A_1152, %swap3A_1153] {strides = array<i32>} : memref<32x768xf32, #tpu.memory_space<vmem>>, vector<16xf32>,
        tpu.vector_store %arg8[%swap3A_1152, %swap3A_1153], %add3A_1151 {strides = array<i32>} : memref<32x768xf32, #tpu.memory_space<vmem>>, vector<16xf32>,
        %get3A_1155 = arith.index_cast %scan3A_88 : i32 to index
        %get3A_1156 = arith.constant 736 : index
        %get3A_1157 = tpu.vector_load %arg8[%get3A_1155, %get3A_1156] {strides = array<i32>} : memref<32x768xf32, #tpu.memory_space<vmem>>, vector<16xf32>,
        %get3A_1158 = arith.constant 736 : index
        %get3A_1159 = tpu.vector_load %arg10[%get3A_1158] {strides = array<i32>} : memref<768xf32, #tpu.memory_space<vmem>>, vector<16xf32>,
        %get3A_1160 = arith.constant 736 : index
        %get3A_1161 = tpu.vector_load %arg11[%get3A_1160] {strides = array<i32>} : memref<768xf32, #tpu.memory_space<vmem>>, vector<16xf32>,
        %sub3A_1162 = vector.broadcast %mul3A_388 : f32 to vector<16xf32>
        %sub3A_1163 = arith.subf %get3A_1157, %sub3A_1162 : vector<16xf32>
        %mul3A_1164 = vector.broadcast %mul3A_419 : f32 to vector<16xf32>
        %mul3A_1165 = arith.mulf %mul3A_1164, %get3A_1159 : vector<16xf32>
        %mul3A_1166 = arith.mulf %sub3A_1163, %mul3A_1165 : vector<16xf32>
        %add3A_1167 = arith.addf %mul3A_1166, %get3A_1161 : vector<16xf32>
        %swap3A_1168 = arith.index_cast %scan3A_88 : i32 to index
        %swap3A_1169 = arith.constant 736 : index
        %swap3A_1170 = tpu.vector_load %arg8[%swap3A_1168, %swap3A_1169] {strides = array<i32>} : memref<32x768xf32, #tpu.memory_space<vmem>>, vector<16xf32>,
        tpu.vector_store %arg8[%swap3A_1168, %swap3A_1169], %add3A_1167 {strides = array<i32>} : memref<32x768xf32, #tpu.memory_space<vmem>>, vector<16xf32>,
        %get3A_1171 = arith.index_cast %scan3A_88 : i32 to index
        %get3A_1172 = arith.constant 752 : index
        %get3A_1173 = tpu.vector_load %arg8[%get3A_1171, %get3A_1172] {strides = array<i32>} : memref<32x768xf32, #tpu.memory_space<vmem>>, vector<16xf32>,
        %get3A_1174 = arith.constant 752 : index
        %get3A_1175 = tpu.vector_load %arg10[%get3A_1174] {strides = array<i32>} : memref<768xf32, #tpu.memory_space<vmem>>, vector<16xf32>,
        %get3A_1176 = arith.constant 752 : index
        %get3A_1177 = tpu.vector_load %arg11[%get3A_1176] {strides = array<i32>} : memref<768xf32, #tpu.memory_space<vmem>>, vector<16xf32>,
        %sub3A_1178 = vector.broadcast %mul3A_388 : f32 to vector<16xf32>
        %sub3A_1179 = arith.subf %get3A_1173, %sub3A_1178 : vector<16xf32>
        %mul3A_1180 = vector.broadcast %mul3A_419 : f32 to vector<16xf32>
        %mul3A_1181 = arith.mulf %mul3A_1180, %get3A_1175 : vector<16xf32>
        %mul3A_1182 = arith.mulf %sub3A_1179, %mul3A_1181 : vector<16xf32>
        %add3A_1183 = arith.addf %mul3A_1182, %get3A_1177 : vector<16xf32>
        %swap3A_1184 = arith.index_cast %scan3A_88 : i32 to index
        %swap3A_1185 = arith.constant 752 : index
        %swap3A_1186 = tpu.vector_load %arg8[%swap3A_1184, %swap3A_1185] {strides = array<i32>} : memref<32x768xf32, #tpu.memory_space<vmem>>, vector<16xf32>,
        tpu.vector_store %arg8[%swap3A_1184, %swap3A_1185], %add3A_1183 {strides = array<i32>} : memref<32x768xf32, #tpu.memory_space<vmem>>, vector<16xf32>,
        scf.yield %scan3A_88 : i32
      }
      %scan3A_44 = arith.constant 32 : i32
      %mul3A_45 = arith.constant 32 : i32
      %mul3A_46 = arith.muli %add3A_21, %mul3A_45 : i32
      %add3A_47 = arith.addi %mul3A_2, %mul3A_46 : i32
      %dma_start3A_48 = arith.constant 0 : i32
      %dma_start3A_49 = tpu.memref_slice %arg6[%add3A_47, %dma_start3A_48] : memref<32768x768xf32, #tpu.memory_space<hbm>> -> memref<32x768xf32, #tpu.memory_space<hbm>>
      %dma_start3A_50 = arith.constant 0 : i32
      %dma_start3A_51 = tpu.memref_slice %arg6[%add3A_47, %dma_start3A_50] : memref<32768x768xf32, #tpu.memory_space<hbm>> -> memref<32x768xf32, #tpu.memory_space<hbm>>
      tpu.enqueue_dma source(%arg8 : memref<32x768xf32, #tpu.memory_space<vmem>>) target(%dma_start3A_51 : memref<32x768xf32, #tpu.memory_space<hbm>>) target_semaphore(%arg14 : memref<!tpu.dma_semaphore, #tpu.memory_space<semaphore_mem>>)
      %mul3A_52 = arith.constant 2 : i32
      %mul3A_53 = arith.muli %mul3A_52, %scan3A_17 : i32
      %add3A_54 = arith.constant 1 : i32
      %add3A_55 = arith.addi %mul3A_53, %add3A_54 : i32
      %lt3A = arith.constant 15 : i32
      %lt3A_56 = arith.cmpi slt, %scan3A_17, %lt3A : i32
      %sub3A = arith.constant 1 : i32
      %sub3A_57 = arith.subi %add3A_55, %sub3A : i32
      %mul3A_58 = arith.constant 32 : i32
      %mul3A_59 = arith.muli %sub3A_57, %mul3A_58 : i32
      %add3A_60 = arith.addi %mul3A_2, %mul3A_59 : i32
      %dma_wait3A_61 = arith.constant 0 : i32
      %dma_wait3A_62 = tpu.memref_slice %arg6[%add3A_60, %dma_wait3A_61] : memref<32768x768xf32, #tpu.memory_space<hbm>> -> memref<32x768xf32, #tpu.memory_space<hbm>>
      %dma_wait3A_63 = arith.constant 0 : i32
      %dma_wait3A_64 = tpu.memref_slice %arg6[%add3A_60, %dma_wait3A_63] : memref<32768x768xf32, #tpu.memory_space<hbm>> -> memref<32x768xf32, #tpu.memory_space<hbm>>
      tpu.wait_dma2 semaphore(%arg14 : memref<!tpu.dma_semaphore, #tpu.memory_space<semaphore_mem>>) src(%arg8 : memref<32x768xf32, #tpu.memory_space<vmem>>) dst(%dma_wait3A_64 : memref<32x768xf32, #tpu.memory_space<hbm>>)
      %convert_element_type3A_65 = arith.extui %lt3A_56 : i1 to i32
      %cond3A_66 = arith.constant 0 : i32
      %cond3A_67 = arith.cmpi ne, %convert_element_type3A_65, %cond3A_66 : i32
      scf.if %cond3A_67 {
        %add3A_88 = arith.constant 1 : i32
        %add3A_89 = arith.addi %add3A_55, %add3A_88 : i32
        %mul3A_90 = arith.constant 32 : i32
        %mul3A_91 = arith.muli %add3A_89, %mul3A_90 : i32
        %dma_start3A_92 = tpu.memref_slice %arg7[%mul3A_91] : memref<1024xi32, #tpu.memory_space<vmem>> -> memref<32xi32, #tpu.memory_space<vmem>>
        %dma_start3A_93 = arith.constant 0 : i32
        %dma_start3A_94 = arith.constant 0 : i32
        %dma_start3A_95 = tpu.memref_slice %arg3[%dma_start3A_93, %dma_start3A_94] : memref<100000x768xf32, #tpu.memory_space<hbm>> -> memref<100000x768xf32, #tpu.memory_space<hbm>>
        tpu.enqueue_indirect_dma source(%dma_start3A_95 : memref<100000x768xf32, #tpu.memory_space<hbm>>) target(%arg8 : memref<32x768xf32, #tpu.memory_space<vmem>>) offsets(%dma_start3A_92 : memref<32xi32, #tpu.memory_space<vmem>>) semaphore(%arg12 : memref<!tpu.dma_semaphore, #tpu.memory_space<semaphore_mem>>)
      } else {
      }
      %mul3A_68 = arith.constant 32 : i32
      %mul3A_69 = arith.muli %add3A_55, %mul3A_68 : i32
      %dma_wait3A_70 = tpu.memref_slice %arg7[%mul3A_69] : memref<1024xi32, #tpu.memory_space<vmem>> -> memref<32xi32, #tpu.memory_space<vmem>>
      %dma_wait3A_71 = arith.constant 0 : i32
      %dma_wait3A_72 = arith.constant 0 : i32
      %dma_wait3A_73 = tpu.memref_slice %arg3[%dma_wait3A_71, %dma_wait3A_72] : memref<100000x768xf32, #tpu.memory_space<hbm>> -> memref<100000x768xf32, #tpu.memory_space<hbm>>
      tpu.wait_indirect_dma semaphore(%arg13 : memref<!tpu.dma_semaphore, #tpu.memory_space<semaphore_mem>>) src(%dma_wait3A_73 : memref<100000x768xf32, #tpu.memory_space<hbm>>) dst(%arg9 : memref<32x768xf32, #tpu.memory_space<vmem>>)
      %scan3A_74 = arith.constant 0 : i32
      %scan3A_75 = arith.constant 0 : i32
      %scan3A_76 = arith.constant 32 : i32
      %scan3A_77 = arith.addi %scan3A_75, %scan3A_76 : i32
      %scan3A_78 = arith.constant 1 : i32
      %scan3A_79 = scf.for %scan3A_88 = %scan3A_75 to %scan3A_77 step %scan3A_78 iter_args(%scan3A_89 = %scan3A_74) -> (i32)  : i32 {
        %broadcast_in_dim3A = arith.constant 0.000000e+00 : f32
        %broadcast_in_dim3A_90 = vector.broadcast %broadcast_in_dim3A : f32 to vector<16xf32>
        %broadcast_in_dim3A_91 = arith.constant 0.000000e+00 : f32
        %broadcast_in_dim3A_92 = vector.broadcast %broadcast_in_dim3A_91 : f32 to vector<16xf32>
        %get3A = arith.index_cast %scan3A_88 : i32 to index
        %get3A_93 = arith.constant 0 : index
        %get3A_94 = tpu.vector_load %arg9[%get3A, %get3A_93] {strides = array<i32>} : memref<32x768xf32, #tpu.memory_space<vmem>>, vector<16xf32>,
        %add3A_95 = arith.addf %broadcast_in_dim3A_90, %get3A_94 : vector<16xf32>
        %mul3A_96 = arith.mulf %get3A_94, %get3A_94 : vector<16xf32>
        %add3A_97 = arith.addf %broadcast_in_dim3A_92, %mul3A_96 : vector<16xf32>
        %get3A_98 = arith.index_cast %scan3A_88 : i32 to index
        %get3A_99 = arith.constant 16 : index
        %get3A_100 = tpu.vector_load %arg9[%get3A_98, %get3A_99] {strides = array<i32>} : memref<32x768xf32, #tpu.memory_space<vmem>>, vector<16xf32>,
        %add3A_101 = arith.addf %add3A_95, %get3A_100 : vector<16xf32>
        %mul3A_102 = arith.mulf %get3A_100, %get3A_100 : vector<16xf32>
        %add3A_103 = arith.addf %add3A_97, %mul3A_102 : vector<16xf32>
        %get3A_104 = arith.index_cast %scan3A_88 : i32 to index
        %get3A_105 = arith.constant 32 : index
        %get3A_106 = tpu.vector_load %arg9[%get3A_104, %get3A_105] {strides = array<i32>} : memref<32x768xf32, #tpu.memory_space<vmem>>, vector<16xf32>,
        %add3A_107 = arith.addf %add3A_101, %get3A_106 : vector<16xf32>
        %mul3A_108 = arith.mulf %get3A_106, %get3A_106 : vector<16xf32>
        %add3A_109 = arith.addf %add3A_103, %mul3A_108 : vector<16xf32>
        %get3A_110 = arith.index_cast %scan3A_88 : i32 to index
        %get3A_111 = arith.constant 48 : index
        %get3A_112 = tpu.vector_load %arg9[%get3A_110, %get3A_111] {strides = array<i32>} : memref<32x768xf32, #tpu.memory_space<vmem>>, vector<16xf32>,
        %add3A_113 = arith.addf %add3A_107, %get3A_112 : vector<16xf32>
        %mul3A_114 = arith.mulf %get3A_112, %get3A_112 : vector<16xf32>
        %add3A_115 = arith.addf %add3A_109, %mul3A_114 : vector<16xf32>
        %get3A_116 = arith.index_cast %scan3A_88 : i32 to index
        %get3A_117 = arith.constant 64 : index
        %get3A_118 = tpu.vector_load %arg9[%get3A_116, %get3A_117] {strides = array<i32>} : memref<32x768xf32, #tpu.memory_space<vmem>>, vector<16xf32>,
        %add3A_119 = arith.addf %add3A_113, %get3A_118 : vector<16xf32>
        %mul3A_120 = arith.mulf %get3A_118, %get3A_118 : vector<16xf32>
        %add3A_121 = arith.addf %add3A_115, %mul3A_120 : vector<16xf32>
        %get3A_122 = arith.index_cast %scan3A_88 : i32 to index
        %get3A_123 = arith.constant 80 : index
        %get3A_124 = tpu.vector_load %arg9[%get3A_122, %get3A_123] {strides = array<i32>} : memref<32x768xf32, #tpu.memory_space<vmem>>, vector<16xf32>,
        %add3A_125 = arith.addf %add3A_119, %get3A_124 : vector<16xf32>
        %mul3A_126 = arith.mulf %get3A_124, %get3A_124 : vector<16xf32>
        %add3A_127 = arith.addf %add3A_121, %mul3A_126 : vector<16xf32>
        %get3A_128 = arith.index_cast %scan3A_88 : i32 to index
        %get3A_129 = arith.constant 96 : index
        %get3A_130 = tpu.vector_load %arg9[%get3A_128, %get3A_129] {strides = array<i32>} : memref<32x768xf32, #tpu.memory_space<vmem>>, vector<16xf32>,
        %add3A_131 = arith.addf %add3A_125, %get3A_130 : vector<16xf32>
        %mul3A_132 = arith.mulf %get3A_130, %get3A_130 : vector<16xf32>
        %add3A_133 = arith.addf %add3A_127, %mul3A_132 : vector<16xf32>
        %get3A_134 = arith.index_cast %scan3A_88 : i32 to index
        %get3A_135 = arith.constant 112 : index
        %get3A_136 = tpu.vector_load %arg9[%get3A_134, %get3A_135] {strides = array<i32>} : memref<32x768xf32, #tpu.memory_space<vmem>>, vector<16xf32>,
        %add3A_137 = arith.addf %add3A_131, %get3A_136 : vector<16xf32>
        %mul3A_138 = arith.mulf %get3A_136, %get3A_136 : vector<16xf32>
        %add3A_139 = arith.addf %add3A_133, %mul3A_138 : vector<16xf32>
        %get3A_140 = arith.index_cast %scan3A_88 : i32 to index
        %get3A_141 = arith.constant 128 : index
        %get3A_142 = tpu.vector_load %arg9[%get3A_140, %get3A_141] {strides = array<i32>} : memref<32x768xf32, #tpu.memory_space<vmem>>, vector<16xf32>,
        %add3A_143 = arith.addf %add3A_137, %get3A_142 : vector<16xf32>
        %mul3A_144 = arith.mulf %get3A_142, %get3A_142 : vector<16xf32>
        %add3A_145 = arith.addf %add3A_139, %mul3A_144 : vector<16xf32>
        %get3A_146 = arith.index_cast %scan3A_88 : i32 to index
        %get3A_147 = arith.constant 144 : index
        %get3A_148 = tpu.vector_load %arg9[%get3A_146, %get3A_147] {strides = array<i32>} : memref<32x768xf32, #tpu.memory_space<vmem>>, vector<16xf32>,
        %add3A_149 = arith.addf %add3A_143, %get3A_148 : vector<16xf32>
        %mul3A_150 = arith.mulf %get3A_148, %get3A_148 : vector<16xf32>
        %add3A_151 = arith.addf %add3A_145, %mul3A_150 : vector<16xf32>
        %get3A_152 = arith.index_cast %scan3A_88 : i32 to index
        %get3A_153 = arith.constant 160 : index
        %get3A_154 = tpu.vector_load %arg9[%get3A_152, %get3A_153] {strides = array<i32>} : memref<32x768xf32, #tpu.memory_space<vmem>>, vector<16xf32>,
        %add3A_155 = arith.addf %add3A_149, %get3A_154 : vector<16xf32>
        %mul3A_156 = arith.mulf %get3A_154, %get3A_154 : vector<16xf32>
        %add3A_157 = arith.addf %add3A_151, %mul3A_156 : vector<16xf32>
        %get3A_158 = arith.index_cast %scan3A_88 : i32 to index
        %get3A_159 = arith.constant 176 : index
        %get3A_160 = tpu.vector_load %arg9[%get3A_158, %get3A_159] {strides = array<i32>} : memref<32x768xf32, #tpu.memory_space<vmem>>, vector<16xf32>,
        %add3A_161 = arith.addf %add3A_155, %get3A_160 : vector<16xf32>
        %mul3A_162 = arith.mulf %get3A_160, %get3A_160 : vector<16xf32>
        %add3A_163 = arith.addf %add3A_157, %mul3A_162 : vector<16xf32>
        %get3A_164 = arith.index_cast %scan3A_88 : i32 to index
        %get3A_165 = arith.constant 192 : index
        %get3A_166 = tpu.vector_load %arg9[%get3A_164, %get3A_165] {strides = array<i32>} : memref<32x768xf32, #tpu.memory_space<vmem>>, vector<16xf32>,
        %add3A_167 = arith.addf %add3A_161, %get3A_166 : vector<16xf32>
        %mul3A_168 = arith.mulf %get3A_166, %get3A_166 : vector<16xf32>
        %add3A_169 = arith.addf %add3A_163, %mul3A_168 : vector<16xf32>
        %get3A_170 = arith.index_cast %scan3A_88 : i32 to index
        %get3A_171 = arith.constant 208 : index
        %get3A_172 = tpu.vector_load %arg9[%get3A_170, %get3A_171] {strides = array<i32>} : memref<32x768xf32, #tpu.memory_space<vmem>>, vector<16xf32>,
        %add3A_173 = arith.addf %add3A_167, %get3A_172 : vector<16xf32>
        %mul3A_174 = arith.mulf %get3A_172, %get3A_172 : vector<16xf32>
        %add3A_175 = arith.addf %add3A_169, %mul3A_174 : vector<16xf32>
        %get3A_176 = arith.index_cast %scan3A_88 : i32 to index
        %get3A_177 = arith.constant 224 : index
        %get3A_178 = tpu.vector_load %arg9[%get3A_176, %get3A_177] {strides = array<i32>} : memref<32x768xf32, #tpu.memory_space<vmem>>, vector<16xf32>,
        %add3A_179 = arith.addf %add3A_173, %get3A_178 : vector<16xf32>
        %mul3A_180 = arith.mulf %get3A_178, %get3A_178 : vector<16xf32>
        %add3A_181 = arith.addf %add3A_175, %mul3A_180 : vector<16xf32>
        %get3A_182 = arith.index_cast %scan3A_88 : i32 to index
        %get3A_183 = arith.constant 240 : index
        %get3A_184 = tpu.vector_load %arg9[%get3A_182, %get3A_183] {strides = array<i32>} : memref<32x768xf32, #tpu.memory_space<vmem>>, vector<16xf32>,
        %add3A_185 = arith.addf %add3A_179, %get3A_184 : vector<16xf32>
        %mul3A_186 = arith.mulf %get3A_184, %get3A_184 : vector<16xf32>
        %add3A_187 = arith.addf %add3A_181, %mul3A_186 : vector<16xf32>
        %get3A_188 = arith.index_cast %scan3A_88 : i32 to index
        %get3A_189 = arith.constant 256 : index
        %get3A_190 = tpu.vector_load %arg9[%get3A_188, %get3A_189] {strides = array<i32>} : memref<32x768xf32, #tpu.memory_space<vmem>>, vector<16xf32>,
        %add3A_191 = arith.addf %add3A_185, %get3A_190 : vector<16xf32>
        %mul3A_192 = arith.mulf %get3A_190, %get3A_190 : vector<16xf32>
        %add3A_193 = arith.addf %add3A_187, %mul3A_192 : vector<16xf32>
        %get3A_194 = arith.index_cast %scan3A_88 : i32 to index
        %get3A_195 = arith.constant 272 : index
        %get3A_196 = tpu.vector_load %arg9[%get3A_194, %get3A_195] {strides = array<i32>} : memref<32x768xf32, #tpu.memory_space<vmem>>, vector<16xf32>,
        %add3A_197 = arith.addf %add3A_191, %get3A_196 : vector<16xf32>
        %mul3A_198 = arith.mulf %get3A_196, %get3A_196 : vector<16xf32>
        %add3A_199 = arith.addf %add3A_193, %mul3A_198 : vector<16xf32>
        %get3A_200 = arith.index_cast %scan3A_88 : i32 to index
        %get3A_201 = arith.constant 288 : index
        %get3A_202 = tpu.vector_load %arg9[%get3A_200, %get3A_201] {strides = array<i32>} : memref<32x768xf32, #tpu.memory_space<vmem>>, vector<16xf32>,
        %add3A_203 = arith.addf %add3A_197, %get3A_202 : vector<16xf32>
        %mul3A_204 = arith.mulf %get3A_202, %get3A_202 : vector<16xf32>
        %add3A_205 = arith.addf %add3A_199, %mul3A_204 : vector<16xf32>
        %get3A_206 = arith.index_cast %scan3A_88 : i32 to index
        %get3A_207 = arith.constant 304 : index
        %get3A_208 = tpu.vector_load %arg9[%get3A_206, %get3A_207] {strides = array<i32>} : memref<32x768xf32, #tpu.memory_space<vmem>>, vector<16xf32>,
        %add3A_209 = arith.addf %add3A_203, %get3A_208 : vector<16xf32>
        %mul3A_210 = arith.mulf %get3A_208, %get3A_208 : vector<16xf32>
        %add3A_211 = arith.addf %add3A_205, %mul3A_210 : vector<16xf32>
        %get3A_212 = arith.index_cast %scan3A_88 : i32 to index
        %get3A_213 = arith.constant 320 : index
        %get3A_214 = tpu.vector_load %arg9[%get3A_212, %get3A_213] {strides = array<i32>} : memref<32x768xf32, #tpu.memory_space<vmem>>, vector<16xf32>,
        %add3A_215 = arith.addf %add3A_209, %get3A_214 : vector<16xf32>
        %mul3A_216 = arith.mulf %get3A_214, %get3A_214 : vector<16xf32>
        %add3A_217 = arith.addf %add3A_211, %mul3A_216 : vector<16xf32>
        %get3A_218 = arith.index_cast %scan3A_88 : i32 to index
        %get3A_219 = arith.constant 336 : index
        %get3A_220 = tpu.vector_load %arg9[%get3A_218, %get3A_219] {strides = array<i32>} : memref<32x768xf32, #tpu.memory_space<vmem>>, vector<16xf32>,
        %add3A_221 = arith.addf %add3A_215, %get3A_220 : vector<16xf32>
        %mul3A_222 = arith.mulf %get3A_220, %get3A_220 : vector<16xf32>
        %add3A_223 = arith.addf %add3A_217, %mul3A_222 : vector<16xf32>
        %get3A_224 = arith.index_cast %scan3A_88 : i32 to index
        %get3A_225 = arith.constant 352 : index
        %get3A_226 = tpu.vector_load %arg9[%get3A_224, %get3A_225] {strides = array<i32>} : memref<32x768xf32, #tpu.memory_space<vmem>>, vector<16xf32>,
        %add3A_227 = arith.addf %add3A_221, %get3A_226 : vector<16xf32>
        %mul3A_228 = arith.mulf %get3A_226, %get3A_226 : vector<16xf32>
        %add3A_229 = arith.addf %add3A_223, %mul3A_228 : vector<16xf32>
        %get3A_230 = arith.index_cast %scan3A_88 : i32 to index
        %get3A_231 = arith.constant 368 : index
        %get3A_232 = tpu.vector_load %arg9[%get3A_230, %get3A_231] {strides = array<i32>} : memref<32x768xf32, #tpu.memory_space<vmem>>, vector<16xf32>,
        %add3A_233 = arith.addf %add3A_227, %get3A_232 : vector<16xf32>
        %mul3A_234 = arith.mulf %get3A_232, %get3A_232 : vector<16xf32>
        %add3A_235 = arith.addf %add3A_229, %mul3A_234 : vector<16xf32>
        %get3A_236 = arith.index_cast %scan3A_88 : i32 to index
        %get3A_237 = arith.constant 384 : index
        %get3A_238 = tpu.vector_load %arg9[%get3A_236, %get3A_237] {strides = array<i32>} : memref<32x768xf32, #tpu.memory_space<vmem>>, vector<16xf32>,
        %add3A_239 = arith.addf %add3A_233, %get3A_238 : vector<16xf32>
        %mul3A_240 = arith.mulf %get3A_238, %get3A_238 : vector<16xf32>
        %add3A_241 = arith.addf %add3A_235, %mul3A_240 : vector<16xf32>
        %get3A_242 = arith.index_cast %scan3A_88 : i32 to index
        %get3A_243 = arith.constant 400 : index
        %get3A_244 = tpu.vector_load %arg9[%get3A_242, %get3A_243] {strides = array<i32>} : memref<32x768xf32, #tpu.memory_space<vmem>>, vector<16xf32>,
        %add3A_245 = arith.addf %add3A_239, %get3A_244 : vector<16xf32>
        %mul3A_246 = arith.mulf %get3A_244, %get3A_244 : vector<16xf32>
        %add3A_247 = arith.addf %add3A_241, %mul3A_246 : vector<16xf32>
        %get3A_248 = arith.index_cast %scan3A_88 : i32 to index
        %get3A_249 = arith.constant 416 : index
        %get3A_250 = tpu.vector_load %arg9[%get3A_248, %get3A_249] {strides = array<i32>} : memref<32x768xf32, #tpu.memory_space<vmem>>, vector<16xf32>,
        %add3A_251 = arith.addf %add3A_245, %get3A_250 : vector<16xf32>
        %mul3A_252 = arith.mulf %get3A_250, %get3A_250 : vector<16xf32>
        %add3A_253 = arith.addf %add3A_247, %mul3A_252 : vector<16xf32>
        %get3A_254 = arith.index_cast %scan3A_88 : i32 to index
        %get3A_255 = arith.constant 432 : index
        %get3A_256 = tpu.vector_load %arg9[%get3A_254, %get3A_255] {strides = array<i32>} : memref<32x768xf32, #tpu.memory_space<vmem>>, vector<16xf32>,
        %add3A_257 = arith.addf %add3A_251, %get3A_256 : vector<16xf32>
        %mul3A_258 = arith.mulf %get3A_256, %get3A_256 : vector<16xf32>
        %add3A_259 = arith.addf %add3A_253, %mul3A_258 : vector<16xf32>
        %get3A_260 = arith.index_cast %scan3A_88 : i32 to index
        %get3A_261 = arith.constant 448 : index
        %get3A_262 = tpu.vector_load %arg9[%get3A_260, %get3A_261] {strides = array<i32>} : memref<32x768xf32, #tpu.memory_space<vmem>>, vector<16xf32>,
        %add3A_263 = arith.addf %add3A_257, %get3A_262 : vector<16xf32>
        %mul3A_264 = arith.mulf %get3A_262, %get3A_262 : vector<16xf32>
        %add3A_265 = arith.addf %add3A_259, %mul3A_264 : vector<16xf32>
        %get3A_266 = arith.index_cast %scan3A_88 : i32 to index
        %get3A_267 = arith.constant 464 : index
        %get3A_268 = tpu.vector_load %arg9[%get3A_266, %get3A_267] {strides = array<i32>} : memref<32x768xf32, #tpu.memory_space<vmem>>, vector<16xf32>,
        %add3A_269 = arith.addf %add3A_263, %get3A_268 : vector<16xf32>
        %mul3A_270 = arith.mulf %get3A_268, %get3A_268 : vector<16xf32>
        %add3A_271 = arith.addf %add3A_265, %mul3A_270 : vector<16xf32>
        %get3A_272 = arith.index_cast %scan3A_88 : i32 to index
        %get3A_273 = arith.constant 480 : index
        %get3A_274 = tpu.vector_load %arg9[%get3A_272, %get3A_273] {strides = array<i32>} : memref<32x768xf32, #tpu.memory_space<vmem>>, vector<16xf32>,
        %add3A_275 = arith.addf %add3A_269, %get3A_274 : vector<16xf32>
        %mul3A_276 = arith.mulf %get3A_274, %get3A_274 : vector<16xf32>
        %add3A_277 = arith.addf %add3A_271, %mul3A_276 : vector<16xf32>
        %get3A_278 = arith.index_cast %scan3A_88 : i32 to index
        %get3A_279 = arith.constant 496 : index
        %get3A_280 = tpu.vector_load %arg9[%get3A_278, %get3A_279] {strides = array<i32>} : memref<32x768xf32, #tpu.memory_space<vmem>>, vector<16xf32>,
        %add3A_281 = arith.addf %add3A_275, %get3A_280 : vector<16xf32>
        %mul3A_282 = arith.mulf %get3A_280, %get3A_280 : vector<16xf32>
        %add3A_283 = arith.addf %add3A_277, %mul3A_282 : vector<16xf32>
        %get3A_284 = arith.index_cast %scan3A_88 : i32 to index
        %get3A_285 = arith.constant 512 : index
        %get3A_286 = tpu.vector_load %arg9[%get3A_284, %get3A_285] {strides = array<i32>} : memref<32x768xf32, #tpu.memory_space<vmem>>, vector<16xf32>,
        %add3A_287 = arith.addf %add3A_281, %get3A_286 : vector<16xf32>
        %mul3A_288 = arith.mulf %get3A_286, %get3A_286 : vector<16xf32>
        %add3A_289 = arith.addf %add3A_283, %mul3A_288 : vector<16xf32>
        %get3A_290 = arith.index_cast %scan3A_88 : i32 to index
        %get3A_291 = arith.constant 528 : index
        %get3A_292 = tpu.vector_load %arg9[%get3A_290, %get3A_291] {strides = array<i32>} : memref<32x768xf32, #tpu.memory_space<vmem>>, vector<16xf32>,
        %add3A_293 = arith.addf %add3A_287, %get3A_292 : vector<16xf32>
        %mul3A_294 = arith.mulf %get3A_292, %get3A_292 : vector<16xf32>
        %add3A_295 = arith.addf %add3A_289, %mul3A_294 : vector<16xf32>
        %get3A_296 = arith.index_cast %scan3A_88 : i32 to index
        %get3A_297 = arith.constant 544 : index
        %get3A_298 = tpu.vector_load %arg9[%get3A_296, %get3A_297] {strides = array<i32>} : memref<32x768xf32, #tpu.memory_space<vmem>>, vector<16xf32>,
        %add3A_299 = arith.addf %add3A_293, %get3A_298 : vector<16xf32>
        %mul3A_300 = arith.mulf %get3A_298, %get3A_298 : vector<16xf32>
        %add3A_301 = arith.addf %add3A_295, %mul3A_300 : vector<16xf32>
        %get3A_302 = arith.index_cast %scan3A_88 : i32 to index
        %get3A_303 = arith.constant 560 : index
        %get3A_304 = tpu.vector_load %arg9[%get3A_302, %get3A_303] {strides = array<i32>} : memref<32x768xf32, #tpu.memory_space<vmem>>, vector<16xf32>,
        %add3A_305 = arith.addf %add3A_299, %get3A_304 : vector<16xf32>
        %mul3A_306 = arith.mulf %get3A_304, %get3A_304 : vector<16xf32>
        %add3A_307 = arith.addf %add3A_301, %mul3A_306 : vector<16xf32>
        %get3A_308 = arith.index_cast %scan3A_88 : i32 to index
        %get3A_309 = arith.constant 576 : index
        %get3A_310 = tpu.vector_load %arg9[%get3A_308, %get3A_309] {strides = array<i32>} : memref<32x768xf32, #tpu.memory_space<vmem>>, vector<16xf32>,
        %add3A_311 = arith.addf %add3A_305, %get3A_310 : vector<16xf32>
        %mul3A_312 = arith.mulf %get3A_310, %get3A_310 : vector<16xf32>
        %add3A_313 = arith.addf %add3A_307, %mul3A_312 : vector<16xf32>
        %get3A_314 = arith.index_cast %scan3A_88 : i32 to index
        %get3A_315 = arith.constant 592 : index
        %get3A_316 = tpu.vector_load %arg9[%get3A_314, %get3A_315] {strides = array<i32>} : memref<32x768xf32, #tpu.memory_space<vmem>>, vector<16xf32>,
        %add3A_317 = arith.addf %add3A_311, %get3A_316 : vector<16xf32>
        %mul3A_318 = arith.mulf %get3A_316, %get3A_316 : vector<16xf32>
        %add3A_319 = arith.addf %add3A_313, %mul3A_318 : vector<16xf32>
        %get3A_320 = arith.index_cast %scan3A_88 : i32 to index
        %get3A_321 = arith.constant 608 : index
        %get3A_322 = tpu.vector_load %arg9[%get3A_320, %get3A_321] {strides = array<i32>} : memref<32x768xf32, #tpu.memory_space<vmem>>, vector<16xf32>,
        %add3A_323 = arith.addf %add3A_317, %get3A_322 : vector<16xf32>
        %mul3A_324 = arith.mulf %get3A_322, %get3A_322 : vector<16xf32>
        %add3A_325 = arith.addf %add3A_319, %mul3A_324 : vector<16xf32>
        %get3A_326 = arith.index_cast %scan3A_88 : i32 to index
        %get3A_327 = arith.constant 624 : index
        %get3A_328 = tpu.vector_load %arg9[%get3A_326, %get3A_327] {strides = array<i32>} : memref<32x768xf32, #tpu.memory_space<vmem>>, vector<16xf32>,
        %add3A_329 = arith.addf %add3A_323, %get3A_328 : vector<16xf32>
        %mul3A_330 = arith.mulf %get3A_328, %get3A_328 : vector<16xf32>
        %add3A_331 = arith.addf %add3A_325, %mul3A_330 : vector<16xf32>
        %get3A_332 = arith.index_cast %scan3A_88 : i32 to index
        %get3A_333 = arith.constant 640 : index
        %get3A_334 = tpu.vector_load %arg9[%get3A_332, %get3A_333] {strides = array<i32>} : memref<32x768xf32, #tpu.memory_space<vmem>>, vector<16xf32>,
        %add3A_335 = arith.addf %add3A_329, %get3A_334 : vector<16xf32>
        %mul3A_336 = arith.mulf %get3A_334, %get3A_334 : vector<16xf32>
        %add3A_337 = arith.addf %add3A_331, %mul3A_336 : vector<16xf32>
        %get3A_338 = arith.index_cast %scan3A_88 : i32 to index
        %get3A_339 = arith.constant 656 : index
        %get3A_340 = tpu.vector_load %arg9[%get3A_338, %get3A_339] {strides = array<i32>} : memref<32x768xf32, #tpu.memory_space<vmem>>, vector<16xf32>,
        %add3A_341 = arith.addf %add3A_335, %get3A_340 : vector<16xf32>
        %mul3A_342 = arith.mulf %get3A_340, %get3A_340 : vector<16xf32>
        %add3A_343 = arith.addf %add3A_337, %mul3A_342 : vector<16xf32>
        %get3A_344 = arith.index_cast %scan3A_88 : i32 to index
        %get3A_345 = arith.constant 672 : index
        %get3A_346 = tpu.vector_load %arg9[%get3A_344, %get3A_345] {strides = array<i32>} : memref<32x768xf32, #tpu.memory_space<vmem>>, vector<16xf32>,
        %add3A_347 = arith.addf %add3A_341, %get3A_346 : vector<16xf32>
        %mul3A_348 = arith.mulf %get3A_346, %get3A_346 : vector<16xf32>
        %add3A_349 = arith.addf %add3A_343, %mul3A_348 : vector<16xf32>
        %get3A_350 = arith.index_cast %scan3A_88 : i32 to index
        %get3A_351 = arith.constant 688 : index
        %get3A_352 = tpu.vector_load %arg9[%get3A_350, %get3A_351] {strides = array<i32>} : memref<32x768xf32, #tpu.memory_space<vmem>>, vector<16xf32>,
        %add3A_353 = arith.addf %add3A_347, %get3A_352 : vector<16xf32>
        %mul3A_354 = arith.mulf %get3A_352, %get3A_352 : vector<16xf32>
        %add3A_355 = arith.addf %add3A_349, %mul3A_354 : vector<16xf32>
        %get3A_356 = arith.index_cast %scan3A_88 : i32 to index
        %get3A_357 = arith.constant 704 : index
        %get3A_358 = tpu.vector_load %arg9[%get3A_356, %get3A_357] {strides = array<i32>} : memref<32x768xf32, #tpu.memory_space<vmem>>, vector<16xf32>,
        %add3A_359 = arith.addf %add3A_353, %get3A_358 : vector<16xf32>
        %mul3A_360 = arith.mulf %get3A_358, %get3A_358 : vector<16xf32>
        %add3A_361 = arith.addf %add3A_355, %mul3A_360 : vector<16xf32>
        %get3A_362 = arith.index_cast %scan3A_88 : i32 to index
        %get3A_363 = arith.constant 720 : index
        %get3A_364 = tpu.vector_load %arg9[%get3A_362, %get3A_363] {strides = array<i32>} : memref<32x768xf32, #tpu.memory_space<vmem>>, vector<16xf32>,
        %add3A_365 = arith.addf %add3A_359, %get3A_364 : vector<16xf32>
        %mul3A_366 = arith.mulf %get3A_364, %get3A_364 : vector<16xf32>
        %add3A_367 = arith.addf %add3A_361, %mul3A_366 : vector<16xf32>
        %get3A_368 = arith.index_cast %scan3A_88 : i32 to index
        %get3A_369 = arith.constant 736 : index
        %get3A_370 = tpu.vector_load %arg9[%get3A_368, %get3A_369] {strides = array<i32>} : memref<32x768xf32, #tpu.memory_space<vmem>>, vector<16xf32>,
        %add3A_371 = arith.addf %add3A_365, %get3A_370 : vector<16xf32>
        %mul3A_372 = arith.mulf %get3A_370, %get3A_370 : vector<16xf32>
        %add3A_373 = arith.addf %add3A_367, %mul3A_372 : vector<16xf32>
        %get3A_374 = arith.index_cast %scan3A_88 : i32 to index
        %get3A_375 = arith.constant 752 : index
        %get3A_376 = tpu.vector_load %arg9[%get3A_374, %get3A_375] {strides = array<i32>} : memref<32x768xf32, #tpu.memory_space<vmem>>, vector<16xf32>,
        %add3A_377 = arith.addf %add3A_371, %get3A_376 : vector<16xf32>
        %mul3A_378 = arith.mulf %get3A_376, %get3A_376 : vector<16xf32>
        %add3A_379 = arith.addf %add3A_373, %mul3A_378 : vector<16xf32>
        %reduce_sum3A = arith.constant true
        %reduce_sum3A_380 = vector.broadcast %reduce_sum3A : i1 to vector<16xi1>
        %reduce_sum3A_381 = tpu.scan <sum>, %add3A_377 masked %reduce_sum3A_380 : vector<16xf32>, vector<16xi1> -> vector<16xf32>
        %reduce_sum3A_382 = vector.extract %reduce_sum3A_381[15] : f32 from vector<16xf32>
        %reduce_sum3A_383 = arith.constant true
        %reduce_sum3A_384 = vector.broadcast %reduce_sum3A_383 : i1 to vector<16xi1>
        %reduce_sum3A_385 = tpu.scan <sum>, %add3A_379 masked %reduce_sum3A_384 : vector<16xf32>, vector<16xi1> -> vector<16xf32>
        %reduce_sum3A_386 = vector.extract %reduce_sum3A_385[15] : f32 from vector<16xf32>
        %mul3A_387 = arith.constant 0.00130208337 : f32
        %mul3A_388 = arith.mulf %reduce_sum3A_382, %mul3A_387 : f32
        %mul3A_389 = arith.constant 0.00130208337 : f32
        %mul3A_390 = arith.mulf %reduce_sum3A_386, %mul3A_389 : f32
        %mul3A_391 = arith.mulf %mul3A_388, %mul3A_388 : f32
        %sub3A_392 = arith.subf %mul3A_390, %mul3A_391 : f32
        %add3A_393 = arith.constant 9.99999974E-6 : f32
        %add3A_394 = arith.addf %sub3A_392, %add3A_393 : f32
        %bitcast_convert_type3A = arith.bitcast %add3A_394 : f32 to i32
        %shift_right_logical3A = arith.constant 1 : i32
        %shift_right_logical3A_395 = arith.shrui %bitcast_convert_type3A, %shift_right_logical3A : i32
        %sub3A_396 = arith.constant 1597463007 : i32
        %sub3A_397 = arith.subi %sub3A_396, %shift_right_logical3A_395 : i32
        %bitcast_convert_type3A_398 = arith.bitcast %sub3A_397 : i32 to f32
        %mul3A_399 = arith.constant 5.000000e-01 : f32
        %mul3A_400 = arith.mulf %mul3A_399, %add3A_394 : f32
        %mul3A_401 = arith.mulf %mul3A_400, %bitcast_convert_type3A_398 : f32
        %mul3A_402 = arith.mulf %mul3A_401, %bitcast_convert_type3A_398 : f32
        %sub3A_403 = arith.constant 1.500000e+00 : f32
        %sub3A_404 = arith.subf %sub3A_403, %mul3A_402 : f32
        %mul3A_405 = arith.mulf %bitcast_convert_type3A_398, %sub3A_404 : f32
        %mul3A_406 = arith.constant 5.000000e-01 : f32
        %mul3A_407 = arith.mulf %mul3A_406, %add3A_394 : f32
        %mul3A_408 = arith.mulf %mul3A_407, %mul3A_405 : f32
        %mul3A_409 = arith.mulf %mul3A_408, %mul3A_405 : f32
        %sub3A_410 = arith.constant 1.500000e+00 : f32
        %sub3A_411 = arith.subf %sub3A_410, %mul3A_409 : f32
        %mul3A_412 = arith.mulf %mul3A_405, %sub3A_411 : f32
        %mul3A_413 = arith.constant 5.000000e-01 : f32
        %mul3A_414 = arith.mulf %mul3A_413, %add3A_394 : f32
        %mul3A_415 = arith.mulf %mul3A_414, %mul3A_412 : f32
        %mul3A_416 = arith.mulf %mul3A_415, %mul3A_412 : f32
        %sub3A_417 = arith.constant 1.500000e+00 : f32
        %sub3A_418 = arith.subf %sub3A_417, %mul3A_416 : f32
        %mul3A_419 = arith.mulf %mul3A_412, %sub3A_418 : f32
        %get3A_420 = arith.index_cast %scan3A_88 : i32 to index
        %get3A_421 = arith.constant 0 : index
        %get3A_422 = tpu.vector_load %arg9[%get3A_420, %get3A_421] {strides = array<i32>} : memref<32x768xf32, #tpu.memory_space<vmem>>, vector<16xf32>,
        %get3A_423 = arith.constant 0 : index
        %get3A_424 = tpu.vector_load %arg10[%get3A_423] {strides = array<i32>} : memref<768xf32, #tpu.memory_space<vmem>>, vector<16xf32>,
        %get3A_425 = arith.constant 0 : index
        %get3A_426 = tpu.vector_load %arg11[%get3A_425] {strides = array<i32>} : memref<768xf32, #tpu.memory_space<vmem>>, vector<16xf32>,
        %sub3A_427 = vector.broadcast %mul3A_388 : f32 to vector<16xf32>
        %sub3A_428 = arith.subf %get3A_422, %sub3A_427 : vector<16xf32>
        %mul3A_429 = vector.broadcast %mul3A_419 : f32 to vector<16xf32>
        %mul3A_430 = arith.mulf %mul3A_429, %get3A_424 : vector<16xf32>
        %mul3A_431 = arith.mulf %sub3A_428, %mul3A_430 : vector<16xf32>
        %add3A_432 = arith.addf %mul3A_431, %get3A_426 : vector<16xf32>
        %swap3A = arith.index_cast %scan3A_88 : i32 to index
        %swap3A_433 = arith.constant 0 : index
        %swap3A_434 = tpu.vector_load %arg9[%swap3A, %swap3A_433] {strides = array<i32>} : memref<32x768xf32, #tpu.memory_space<vmem>>, vector<16xf32>,
        tpu.vector_store %arg9[%swap3A, %swap3A_433], %add3A_432 {strides = array<i32>} : memref<32x768xf32, #tpu.memory_space<vmem>>, vector<16xf32>,
        %get3A_435 = arith.index_cast %scan3A_88 : i32 to index
        %get3A_436 = arith.constant 16 : index
        %get3A_437 = tpu.vector_load %arg9[%get3A_435, %get3A_436] {strides = array<i32>} : memref<32x768xf32, #tpu.memory_space<vmem>>, vector<16xf32>,
        %get3A_438 = arith.constant 16 : index
        %get3A_439 = tpu.vector_load %arg10[%get3A_438] {strides = array<i32>} : memref<768xf32, #tpu.memory_space<vmem>>, vector<16xf32>,
        %get3A_440 = arith.constant 16 : index
        %get3A_441 = tpu.vector_load %arg11[%get3A_440] {strides = array<i32>} : memref<768xf32, #tpu.memory_space<vmem>>, vector<16xf32>,
        %sub3A_442 = vector.broadcast %mul3A_388 : f32 to vector<16xf32>
        %sub3A_443 = arith.subf %get3A_437, %sub3A_442 : vector<16xf32>
        %mul3A_444 = vector.broadcast %mul3A_419 : f32 to vector<16xf32>
        %mul3A_445 = arith.mulf %mul3A_444, %get3A_439 : vector<16xf32>
        %mul3A_446 = arith.mulf %sub3A_443, %mul3A_445 : vector<16xf32>
        %add3A_447 = arith.addf %mul3A_446, %get3A_441 : vector<16xf32>
        %swap3A_448 = arith.index_cast %scan3A_88 : i32 to index
        %swap3A_449 = arith.constant 16 : index
        %swap3A_450 = tpu.vector_load %arg9[%swap3A_448, %swap3A_449] {strides = array<i32>} : memref<32x768xf32, #tpu.memory_space<vmem>>, vector<16xf32>,
        tpu.vector_store %arg9[%swap3A_448, %swap3A_449], %add3A_447 {strides = array<i32>} : memref<32x768xf32, #tpu.memory_space<vmem>>, vector<16xf32>,
        %get3A_451 = arith.index_cast %scan3A_88 : i32 to index
        %get3A_452 = arith.constant 32 : index
        %get3A_453 = tpu.vector_load %arg9[%get3A_451, %get3A_452] {strides = array<i32>} : memref<32x768xf32, #tpu.memory_space<vmem>>, vector<16xf32>,
        %get3A_454 = arith.constant 32 : index
        %get3A_455 = tpu.vector_load %arg10[%get3A_454] {strides = array<i32>} : memref<768xf32, #tpu.memory_space<vmem>>, vector<16xf32>,
        %get3A_456 = arith.constant 32 : index
        %get3A_457 = tpu.vector_load %arg11[%get3A_456] {strides = array<i32>} : memref<768xf32, #tpu.memory_space<vmem>>, vector<16xf32>,
        %sub3A_458 = vector.broadcast %mul3A_388 : f32 to vector<16xf32>
        %sub3A_459 = arith.subf %get3A_453, %sub3A_458 : vector<16xf32>
        %mul3A_460 = vector.broadcast %mul3A_419 : f32 to vector<16xf32>
        %mul3A_461 = arith.mulf %mul3A_460, %get3A_455 : vector<16xf32>
        %mul3A_462 = arith.mulf %sub3A_459, %mul3A_461 : vector<16xf32>
        %add3A_463 = arith.addf %mul3A_462, %get3A_457 : vector<16xf32>
        %swap3A_464 = arith.index_cast %scan3A_88 : i32 to index
        %swap3A_465 = arith.constant 32 : index
        %swap3A_466 = tpu.vector_load %arg9[%swap3A_464, %swap3A_465] {strides = array<i32>} : memref<32x768xf32, #tpu.memory_space<vmem>>, vector<16xf32>,
        tpu.vector_store %arg9[%swap3A_464, %swap3A_465], %add3A_463 {strides = array<i32>} : memref<32x768xf32, #tpu.memory_space<vmem>>, vector<16xf32>,
        %get3A_467 = arith.index_cast %scan3A_88 : i32 to index
        %get3A_468 = arith.constant 48 : index
        %get3A_469 = tpu.vector_load %arg9[%get3A_467, %get3A_468] {strides = array<i32>} : memref<32x768xf32, #tpu.memory_space<vmem>>, vector<16xf32>,
        %get3A_470 = arith.constant 48 : index
        %get3A_471 = tpu.vector_load %arg10[%get3A_470] {strides = array<i32>} : memref<768xf32, #tpu.memory_space<vmem>>, vector<16xf32>,
        %get3A_472 = arith.constant 48 : index
        %get3A_473 = tpu.vector_load %arg11[%get3A_472] {strides = array<i32>} : memref<768xf32, #tpu.memory_space<vmem>>, vector<16xf32>,
        %sub3A_474 = vector.broadcast %mul3A_388 : f32 to vector<16xf32>
        %sub3A_475 = arith.subf %get3A_469, %sub3A_474 : vector<16xf32>
        %mul3A_476 = vector.broadcast %mul3A_419 : f32 to vector<16xf32>
        %mul3A_477 = arith.mulf %mul3A_476, %get3A_471 : vector<16xf32>
        %mul3A_478 = arith.mulf %sub3A_475, %mul3A_477 : vector<16xf32>
        %add3A_479 = arith.addf %mul3A_478, %get3A_473 : vector<16xf32>
        %swap3A_480 = arith.index_cast %scan3A_88 : i32 to index
        %swap3A_481 = arith.constant 48 : index
        %swap3A_482 = tpu.vector_load %arg9[%swap3A_480, %swap3A_481] {strides = array<i32>} : memref<32x768xf32, #tpu.memory_space<vmem>>, vector<16xf32>,
        tpu.vector_store %arg9[%swap3A_480, %swap3A_481], %add3A_479 {strides = array<i32>} : memref<32x768xf32, #tpu.memory_space<vmem>>, vector<16xf32>,
        %get3A_483 = arith.index_cast %scan3A_88 : i32 to index
        %get3A_484 = arith.constant 64 : index
        %get3A_485 = tpu.vector_load %arg9[%get3A_483, %get3A_484] {strides = array<i32>} : memref<32x768xf32, #tpu.memory_space<vmem>>, vector<16xf32>,
        %get3A_486 = arith.constant 64 : index
        %get3A_487 = tpu.vector_load %arg10[%get3A_486] {strides = array<i32>} : memref<768xf32, #tpu.memory_space<vmem>>, vector<16xf32>,
        %get3A_488 = arith.constant 64 : index
        %get3A_489 = tpu.vector_load %arg11[%get3A_488] {strides = array<i32>} : memref<768xf32, #tpu.memory_space<vmem>>, vector<16xf32>,
        %sub3A_490 = vector.broadcast %mul3A_388 : f32 to vector<16xf32>
        %sub3A_491 = arith.subf %get3A_485, %sub3A_490 : vector<16xf32>
        %mul3A_492 = vector.broadcast %mul3A_419 : f32 to vector<16xf32>
        %mul3A_493 = arith.mulf %mul3A_492, %get3A_487 : vector<16xf32>
        %mul3A_494 = arith.mulf %sub3A_491, %mul3A_493 : vector<16xf32>
        %add3A_495 = arith.addf %mul3A_494, %get3A_489 : vector<16xf32>
        %swap3A_496 = arith.index_cast %scan3A_88 : i32 to index
        %swap3A_497 = arith.constant 64 : index
        %swap3A_498 = tpu.vector_load %arg9[%swap3A_496, %swap3A_497] {strides = array<i32>} : memref<32x768xf32, #tpu.memory_space<vmem>>, vector<16xf32>,
        tpu.vector_store %arg9[%swap3A_496, %swap3A_497], %add3A_495 {strides = array<i32>} : memref<32x768xf32, #tpu.memory_space<vmem>>, vector<16xf32>,
        %get3A_499 = arith.index_cast %scan3A_88 : i32 to index
        %get3A_500 = arith.constant 80 : index
        %get3A_501 = tpu.vector_load %arg9[%get3A_499, %get3A_500] {strides = array<i32>} : memref<32x768xf32, #tpu.memory_space<vmem>>, vector<16xf32>,
        %get3A_502 = arith.constant 80 : index
        %get3A_503 = tpu.vector_load %arg10[%get3A_502] {strides = array<i32>} : memref<768xf32, #tpu.memory_space<vmem>>, vector<16xf32>,
        %get3A_504 = arith.constant 80 : index
        %get3A_505 = tpu.vector_load %arg11[%get3A_504] {strides = array<i32>} : memref<768xf32, #tpu.memory_space<vmem>>, vector<16xf32>,
        %sub3A_506 = vector.broadcast %mul3A_388 : f32 to vector<16xf32>
        %sub3A_507 = arith.subf %get3A_501, %sub3A_506 : vector<16xf32>
        %mul3A_508 = vector.broadcast %mul3A_419 : f32 to vector<16xf32>
        %mul3A_509 = arith.mulf %mul3A_508, %get3A_503 : vector<16xf32>
        %mul3A_510 = arith.mulf %sub3A_507, %mul3A_509 : vector<16xf32>
        %add3A_511 = arith.addf %mul3A_510, %get3A_505 : vector<16xf32>
        %swap3A_512 = arith.index_cast %scan3A_88 : i32 to index
        %swap3A_513 = arith.constant 80 : index
        %swap3A_514 = tpu.vector_load %arg9[%swap3A_512, %swap3A_513] {strides = array<i32>} : memref<32x768xf32, #tpu.memory_space<vmem>>, vector<16xf32>,
        tpu.vector_store %arg9[%swap3A_512, %swap3A_513], %add3A_511 {strides = array<i32>} : memref<32x768xf32, #tpu.memory_space<vmem>>, vector<16xf32>,
        %get3A_515 = arith.index_cast %scan3A_88 : i32 to index
        %get3A_516 = arith.constant 96 : index
        %get3A_517 = tpu.vector_load %arg9[%get3A_515, %get3A_516] {strides = array<i32>} : memref<32x768xf32, #tpu.memory_space<vmem>>, vector<16xf32>,
        %get3A_518 = arith.constant 96 : index
        %get3A_519 = tpu.vector_load %arg10[%get3A_518] {strides = array<i32>} : memref<768xf32, #tpu.memory_space<vmem>>, vector<16xf32>,
        %get3A_520 = arith.constant 96 : index
        %get3A_521 = tpu.vector_load %arg11[%get3A_520] {strides = array<i32>} : memref<768xf32, #tpu.memory_space<vmem>>, vector<16xf32>,
        %sub3A_522 = vector.broadcast %mul3A_388 : f32 to vector<16xf32>
        %sub3A_523 = arith.subf %get3A_517, %sub3A_522 : vector<16xf32>
        %mul3A_524 = vector.broadcast %mul3A_419 : f32 to vector<16xf32>
        %mul3A_525 = arith.mulf %mul3A_524, %get3A_519 : vector<16xf32>
        %mul3A_526 = arith.mulf %sub3A_523, %mul3A_525 : vector<16xf32>
        %add3A_527 = arith.addf %mul3A_526, %get3A_521 : vector<16xf32>
        %swap3A_528 = arith.index_cast %scan3A_88 : i32 to index
        %swap3A_529 = arith.constant 96 : index
        %swap3A_530 = tpu.vector_load %arg9[%swap3A_528, %swap3A_529] {strides = array<i32>} : memref<32x768xf32, #tpu.memory_space<vmem>>, vector<16xf32>,
        tpu.vector_store %arg9[%swap3A_528, %swap3A_529], %add3A_527 {strides = array<i32>} : memref<32x768xf32, #tpu.memory_space<vmem>>, vector<16xf32>,
        %get3A_531 = arith.index_cast %scan3A_88 : i32 to index
        %get3A_532 = arith.constant 112 : index
        %get3A_533 = tpu.vector_load %arg9[%get3A_531, %get3A_532] {strides = array<i32>} : memref<32x768xf32, #tpu.memory_space<vmem>>, vector<16xf32>,
        %get3A_534 = arith.constant 112 : index
        %get3A_535 = tpu.vector_load %arg10[%get3A_534] {strides = array<i32>} : memref<768xf32, #tpu.memory_space<vmem>>, vector<16xf32>,
        %get3A_536 = arith.constant 112 : index
        %get3A_537 = tpu.vector_load %arg11[%get3A_536] {strides = array<i32>} : memref<768xf32, #tpu.memory_space<vmem>>, vector<16xf32>,
        %sub3A_538 = vector.broadcast %mul3A_388 : f32 to vector<16xf32>
        %sub3A_539 = arith.subf %get3A_533, %sub3A_538 : vector<16xf32>
        %mul3A_540 = vector.broadcast %mul3A_419 : f32 to vector<16xf32>
        %mul3A_541 = arith.mulf %mul3A_540, %get3A_535 : vector<16xf32>
        %mul3A_542 = arith.mulf %sub3A_539, %mul3A_541 : vector<16xf32>
        %add3A_543 = arith.addf %mul3A_542, %get3A_537 : vector<16xf32>
        %swap3A_544 = arith.index_cast %scan3A_88 : i32 to index
        %swap3A_545 = arith.constant 112 : index
        %swap3A_546 = tpu.vector_load %arg9[%swap3A_544, %swap3A_545] {strides = array<i32>} : memref<32x768xf32, #tpu.memory_space<vmem>>, vector<16xf32>,
        tpu.vector_store %arg9[%swap3A_544, %swap3A_545], %add3A_543 {strides = array<i32>} : memref<32x768xf32, #tpu.memory_space<vmem>>, vector<16xf32>,
        %get3A_547 = arith.index_cast %scan3A_88 : i32 to index
        %get3A_548 = arith.constant 128 : index
        %get3A_549 = tpu.vector_load %arg9[%get3A_547, %get3A_548] {strides = array<i32>} : memref<32x768xf32, #tpu.memory_space<vmem>>, vector<16xf32>,
        %get3A_550 = arith.constant 128 : index
        %get3A_551 = tpu.vector_load %arg10[%get3A_550] {strides = array<i32>} : memref<768xf32, #tpu.memory_space<vmem>>, vector<16xf32>,
        %get3A_552 = arith.constant 128 : index
        %get3A_553 = tpu.vector_load %arg11[%get3A_552] {strides = array<i32>} : memref<768xf32, #tpu.memory_space<vmem>>, vector<16xf32>,
        %sub3A_554 = vector.broadcast %mul3A_388 : f32 to vector<16xf32>
        %sub3A_555 = arith.subf %get3A_549, %sub3A_554 : vector<16xf32>
        %mul3A_556 = vector.broadcast %mul3A_419 : f32 to vector<16xf32>
        %mul3A_557 = arith.mulf %mul3A_556, %get3A_551 : vector<16xf32>
        %mul3A_558 = arith.mulf %sub3A_555, %mul3A_557 : vector<16xf32>
        %add3A_559 = arith.addf %mul3A_558, %get3A_553 : vector<16xf32>
        %swap3A_560 = arith.index_cast %scan3A_88 : i32 to index
        %swap3A_561 = arith.constant 128 : index
        %swap3A_562 = tpu.vector_load %arg9[%swap3A_560, %swap3A_561] {strides = array<i32>} : memref<32x768xf32, #tpu.memory_space<vmem>>, vector<16xf32>,
        tpu.vector_store %arg9[%swap3A_560, %swap3A_561], %add3A_559 {strides = array<i32>} : memref<32x768xf32, #tpu.memory_space<vmem>>, vector<16xf32>,
        %get3A_563 = arith.index_cast %scan3A_88 : i32 to index
        %get3A_564 = arith.constant 144 : index
        %get3A_565 = tpu.vector_load %arg9[%get3A_563, %get3A_564] {strides = array<i32>} : memref<32x768xf32, #tpu.memory_space<vmem>>, vector<16xf32>,
        %get3A_566 = arith.constant 144 : index
        %get3A_567 = tpu.vector_load %arg10[%get3A_566] {strides = array<i32>} : memref<768xf32, #tpu.memory_space<vmem>>, vector<16xf32>,
        %get3A_568 = arith.constant 144 : index
        %get3A_569 = tpu.vector_load %arg11[%get3A_568] {strides = array<i32>} : memref<768xf32, #tpu.memory_space<vmem>>, vector<16xf32>,
        %sub3A_570 = vector.broadcast %mul3A_388 : f32 to vector<16xf32>
        %sub3A_571 = arith.subf %get3A_565, %sub3A_570 : vector<16xf32>
        %mul3A_572 = vector.broadcast %mul3A_419 : f32 to vector<16xf32>
        %mul3A_573 = arith.mulf %mul3A_572, %get3A_567 : vector<16xf32>
        %mul3A_574 = arith.mulf %sub3A_571, %mul3A_573 : vector<16xf32>
        %add3A_575 = arith.addf %mul3A_574, %get3A_569 : vector<16xf32>
        %swap3A_576 = arith.index_cast %scan3A_88 : i32 to index
        %swap3A_577 = arith.constant 144 : index
        %swap3A_578 = tpu.vector_load %arg9[%swap3A_576, %swap3A_577] {strides = array<i32>} : memref<32x768xf32, #tpu.memory_space<vmem>>, vector<16xf32>,
        tpu.vector_store %arg9[%swap3A_576, %swap3A_577], %add3A_575 {strides = array<i32>} : memref<32x768xf32, #tpu.memory_space<vmem>>, vector<16xf32>,
        %get3A_579 = arith.index_cast %scan3A_88 : i32 to index
        %get3A_580 = arith.constant 160 : index
        %get3A_581 = tpu.vector_load %arg9[%get3A_579, %get3A_580] {strides = array<i32>} : memref<32x768xf32, #tpu.memory_space<vmem>>, vector<16xf32>,
        %get3A_582 = arith.constant 160 : index
        %get3A_583 = tpu.vector_load %arg10[%get3A_582] {strides = array<i32>} : memref<768xf32, #tpu.memory_space<vmem>>, vector<16xf32>,
        %get3A_584 = arith.constant 160 : index
        %get3A_585 = tpu.vector_load %arg11[%get3A_584] {strides = array<i32>} : memref<768xf32, #tpu.memory_space<vmem>>, vector<16xf32>,
        %sub3A_586 = vector.broadcast %mul3A_388 : f32 to vector<16xf32>
        %sub3A_587 = arith.subf %get3A_581, %sub3A_586 : vector<16xf32>
        %mul3A_588 = vector.broadcast %mul3A_419 : f32 to vector<16xf32>
        %mul3A_589 = arith.mulf %mul3A_588, %get3A_583 : vector<16xf32>
        %mul3A_590 = arith.mulf %sub3A_587, %mul3A_589 : vector<16xf32>
        %add3A_591 = arith.addf %mul3A_590, %get3A_585 : vector<16xf32>
        %swap3A_592 = arith.index_cast %scan3A_88 : i32 to index
        %swap3A_593 = arith.constant 160 : index
        %swap3A_594 = tpu.vector_load %arg9[%swap3A_592, %swap3A_593] {strides = array<i32>} : memref<32x768xf32, #tpu.memory_space<vmem>>, vector<16xf32>,
        tpu.vector_store %arg9[%swap3A_592, %swap3A_593], %add3A_591 {strides = array<i32>} : memref<32x768xf32, #tpu.memory_space<vmem>>, vector<16xf32>,
        %get3A_595 = arith.index_cast %scan3A_88 : i32 to index
        %get3A_596 = arith.constant 176 : index
        %get3A_597 = tpu.vector_load %arg9[%get3A_595, %get3A_596] {strides = array<i32>} : memref<32x768xf32, #tpu.memory_space<vmem>>, vector<16xf32>,
        %get3A_598 = arith.constant 176 : index
        %get3A_599 = tpu.vector_load %arg10[%get3A_598] {strides = array<i32>} : memref<768xf32, #tpu.memory_space<vmem>>, vector<16xf32>,
        %get3A_600 = arith.constant 176 : index
        %get3A_601 = tpu.vector_load %arg11[%get3A_600] {strides = array<i32>} : memref<768xf32, #tpu.memory_space<vmem>>, vector<16xf32>,
        %sub3A_602 = vector.broadcast %mul3A_388 : f32 to vector<16xf32>
        %sub3A_603 = arith.subf %get3A_597, %sub3A_602 : vector<16xf32>
        %mul3A_604 = vector.broadcast %mul3A_419 : f32 to vector<16xf32>
        %mul3A_605 = arith.mulf %mul3A_604, %get3A_599 : vector<16xf32>
        %mul3A_606 = arith.mulf %sub3A_603, %mul3A_605 : vector<16xf32>
        %add3A_607 = arith.addf %mul3A_606, %get3A_601 : vector<16xf32>
        %swap3A_608 = arith.index_cast %scan3A_88 : i32 to index
        %swap3A_609 = arith.constant 176 : index
        %swap3A_610 = tpu.vector_load %arg9[%swap3A_608, %swap3A_609] {strides = array<i32>} : memref<32x768xf32, #tpu.memory_space<vmem>>, vector<16xf32>,
        tpu.vector_store %arg9[%swap3A_608, %swap3A_609], %add3A_607 {strides = array<i32>} : memref<32x768xf32, #tpu.memory_space<vmem>>, vector<16xf32>,
        %get3A_611 = arith.index_cast %scan3A_88 : i32 to index
        %get3A_612 = arith.constant 192 : index
        %get3A_613 = tpu.vector_load %arg9[%get3A_611, %get3A_612] {strides = array<i32>} : memref<32x768xf32, #tpu.memory_space<vmem>>, vector<16xf32>,
        %get3A_614 = arith.constant 192 : index
        %get3A_615 = tpu.vector_load %arg10[%get3A_614] {strides = array<i32>} : memref<768xf32, #tpu.memory_space<vmem>>, vector<16xf32>,
        %get3A_616 = arith.constant 192 : index
        %get3A_617 = tpu.vector_load %arg11[%get3A_616] {strides = array<i32>} : memref<768xf32, #tpu.memory_space<vmem>>, vector<16xf32>,
        %sub3A_618 = vector.broadcast %mul3A_388 : f32 to vector<16xf32>
        %sub3A_619 = arith.subf %get3A_613, %sub3A_618 : vector<16xf32>
        %mul3A_620 = vector.broadcast %mul3A_419 : f32 to vector<16xf32>
        %mul3A_621 = arith.mulf %mul3A_620, %get3A_615 : vector<16xf32>
        %mul3A_622 = arith.mulf %sub3A_619, %mul3A_621 : vector<16xf32>
        %add3A_623 = arith.addf %mul3A_622, %get3A_617 : vector<16xf32>
        %swap3A_624 = arith.index_cast %scan3A_88 : i32 to index
        %swap3A_625 = arith.constant 192 : index
        %swap3A_626 = tpu.vector_load %arg9[%swap3A_624, %swap3A_625] {strides = array<i32>} : memref<32x768xf32, #tpu.memory_space<vmem>>, vector<16xf32>,
        tpu.vector_store %arg9[%swap3A_624, %swap3A_625], %add3A_623 {strides = array<i32>} : memref<32x768xf32, #tpu.memory_space<vmem>>, vector<16xf32>,
        %get3A_627 = arith.index_cast %scan3A_88 : i32 to index
        %get3A_628 = arith.constant 208 : index
        %get3A_629 = tpu.vector_load %arg9[%get3A_627, %get3A_628] {strides = array<i32>} : memref<32x768xf32, #tpu.memory_space<vmem>>, vector<16xf32>,
        %get3A_630 = arith.constant 208 : index
        %get3A_631 = tpu.vector_load %arg10[%get3A_630] {strides = array<i32>} : memref<768xf32, #tpu.memory_space<vmem>>, vector<16xf32>,
        %get3A_632 = arith.constant 208 : index
        %get3A_633 = tpu.vector_load %arg11[%get3A_632] {strides = array<i32>} : memref<768xf32, #tpu.memory_space<vmem>>, vector<16xf32>,
        %sub3A_634 = vector.broadcast %mul3A_388 : f32 to vector<16xf32>
        %sub3A_635 = arith.subf %get3A_629, %sub3A_634 : vector<16xf32>
        %mul3A_636 = vector.broadcast %mul3A_419 : f32 to vector<16xf32>
        %mul3A_637 = arith.mulf %mul3A_636, %get3A_631 : vector<16xf32>
        %mul3A_638 = arith.mulf %sub3A_635, %mul3A_637 : vector<16xf32>
        %add3A_639 = arith.addf %mul3A_638, %get3A_633 : vector<16xf32>
        %swap3A_640 = arith.index_cast %scan3A_88 : i32 to index
        %swap3A_641 = arith.constant 208 : index
        %swap3A_642 = tpu.vector_load %arg9[%swap3A_640, %swap3A_641] {strides = array<i32>} : memref<32x768xf32, #tpu.memory_space<vmem>>, vector<16xf32>,
        tpu.vector_store %arg9[%swap3A_640, %swap3A_641], %add3A_639 {strides = array<i32>} : memref<32x768xf32, #tpu.memory_space<vmem>>, vector<16xf32>,
        %get3A_643 = arith.index_cast %scan3A_88 : i32 to index
        %get3A_644 = arith.constant 224 : index
        %get3A_645 = tpu.vector_load %arg9[%get3A_643, %get3A_644] {strides = array<i32>} : memref<32x768xf32, #tpu.memory_space<vmem>>, vector<16xf32>,
        %get3A_646 = arith.constant 224 : index
        %get3A_647 = tpu.vector_load %arg10[%get3A_646] {strides = array<i32>} : memref<768xf32, #tpu.memory_space<vmem>>, vector<16xf32>,
        %get3A_648 = arith.constant 224 : index
        %get3A_649 = tpu.vector_load %arg11[%get3A_648] {strides = array<i32>} : memref<768xf32, #tpu.memory_space<vmem>>, vector<16xf32>,
        %sub3A_650 = vector.broadcast %mul3A_388 : f32 to vector<16xf32>
        %sub3A_651 = arith.subf %get3A_645, %sub3A_650 : vector<16xf32>
        %mul3A_652 = vector.broadcast %mul3A_419 : f32 to vector<16xf32>
        %mul3A_653 = arith.mulf %mul3A_652, %get3A_647 : vector<16xf32>
        %mul3A_654 = arith.mulf %sub3A_651, %mul3A_653 : vector<16xf32>
        %add3A_655 = arith.addf %mul3A_654, %get3A_649 : vector<16xf32>
        %swap3A_656 = arith.index_cast %scan3A_88 : i32 to index
        %swap3A_657 = arith.constant 224 : index
        %swap3A_658 = tpu.vector_load %arg9[%swap3A_656, %swap3A_657] {strides = array<i32>} : memref<32x768xf32, #tpu.memory_space<vmem>>, vector<16xf32>,
        tpu.vector_store %arg9[%swap3A_656, %swap3A_657], %add3A_655 {strides = array<i32>} : memref<32x768xf32, #tpu.memory_space<vmem>>, vector<16xf32>,
        %get3A_659 = arith.index_cast %scan3A_88 : i32 to index
        %get3A_660 = arith.constant 240 : index
        %get3A_661 = tpu.vector_load %arg9[%get3A_659, %get3A_660] {strides = array<i32>} : memref<32x768xf32, #tpu.memory_space<vmem>>, vector<16xf32>,
        %get3A_662 = arith.constant 240 : index
        %get3A_663 = tpu.vector_load %arg10[%get3A_662] {strides = array<i32>} : memref<768xf32, #tpu.memory_space<vmem>>, vector<16xf32>,
        %get3A_664 = arith.constant 240 : index
        %get3A_665 = tpu.vector_load %arg11[%get3A_664] {strides = array<i32>} : memref<768xf32, #tpu.memory_space<vmem>>, vector<16xf32>,
        %sub3A_666 = vector.broadcast %mul3A_388 : f32 to vector<16xf32>
        %sub3A_667 = arith.subf %get3A_661, %sub3A_666 : vector<16xf32>
        %mul3A_668 = vector.broadcast %mul3A_419 : f32 to vector<16xf32>
        %mul3A_669 = arith.mulf %mul3A_668, %get3A_663 : vector<16xf32>
        %mul3A_670 = arith.mulf %sub3A_667, %mul3A_669 : vector<16xf32>
        %add3A_671 = arith.addf %mul3A_670, %get3A_665 : vector<16xf32>
        %swap3A_672 = arith.index_cast %scan3A_88 : i32 to index
        %swap3A_673 = arith.constant 240 : index
        %swap3A_674 = tpu.vector_load %arg9[%swap3A_672, %swap3A_673] {strides = array<i32>} : memref<32x768xf32, #tpu.memory_space<vmem>>, vector<16xf32>,
        tpu.vector_store %arg9[%swap3A_672, %swap3A_673], %add3A_671 {strides = array<i32>} : memref<32x768xf32, #tpu.memory_space<vmem>>, vector<16xf32>,
        %get3A_675 = arith.index_cast %scan3A_88 : i32 to index
        %get3A_676 = arith.constant 256 : index
        %get3A_677 = tpu.vector_load %arg9[%get3A_675, %get3A_676] {strides = array<i32>} : memref<32x768xf32, #tpu.memory_space<vmem>>, vector<16xf32>,
        %get3A_678 = arith.constant 256 : index
        %get3A_679 = tpu.vector_load %arg10[%get3A_678] {strides = array<i32>} : memref<768xf32, #tpu.memory_space<vmem>>, vector<16xf32>,
        %get3A_680 = arith.constant 256 : index
        %get3A_681 = tpu.vector_load %arg11[%get3A_680] {strides = array<i32>} : memref<768xf32, #tpu.memory_space<vmem>>, vector<16xf32>,
        %sub3A_682 = vector.broadcast %mul3A_388 : f32 to vector<16xf32>
        %sub3A_683 = arith.subf %get3A_677, %sub3A_682 : vector<16xf32>
        %mul3A_684 = vector.broadcast %mul3A_419 : f32 to vector<16xf32>
        %mul3A_685 = arith.mulf %mul3A_684, %get3A_679 : vector<16xf32>
        %mul3A_686 = arith.mulf %sub3A_683, %mul3A_685 : vector<16xf32>
        %add3A_687 = arith.addf %mul3A_686, %get3A_681 : vector<16xf32>
        %swap3A_688 = arith.index_cast %scan3A_88 : i32 to index
        %swap3A_689 = arith.constant 256 : index
        %swap3A_690 = tpu.vector_load %arg9[%swap3A_688, %swap3A_689] {strides = array<i32>} : memref<32x768xf32, #tpu.memory_space<vmem>>, vector<16xf32>,
        tpu.vector_store %arg9[%swap3A_688, %swap3A_689], %add3A_687 {strides = array<i32>} : memref<32x768xf32, #tpu.memory_space<vmem>>, vector<16xf32>,
        %get3A_691 = arith.index_cast %scan3A_88 : i32 to index
        %get3A_692 = arith.constant 272 : index
        %get3A_693 = tpu.vector_load %arg9[%get3A_691, %get3A_692] {strides = array<i32>} : memref<32x768xf32, #tpu.memory_space<vmem>>, vector<16xf32>,
        %get3A_694 = arith.constant 272 : index
        %get3A_695 = tpu.vector_load %arg10[%get3A_694] {strides = array<i32>} : memref<768xf32, #tpu.memory_space<vmem>>, vector<16xf32>,
        %get3A_696 = arith.constant 272 : index
        %get3A_697 = tpu.vector_load %arg11[%get3A_696] {strides = array<i32>} : memref<768xf32, #tpu.memory_space<vmem>>, vector<16xf32>,
        %sub3A_698 = vector.broadcast %mul3A_388 : f32 to vector<16xf32>
        %sub3A_699 = arith.subf %get3A_693, %sub3A_698 : vector<16xf32>
        %mul3A_700 = vector.broadcast %mul3A_419 : f32 to vector<16xf32>
        %mul3A_701 = arith.mulf %mul3A_700, %get3A_695 : vector<16xf32>
        %mul3A_702 = arith.mulf %sub3A_699, %mul3A_701 : vector<16xf32>
        %add3A_703 = arith.addf %mul3A_702, %get3A_697 : vector<16xf32>
        %swap3A_704 = arith.index_cast %scan3A_88 : i32 to index
        %swap3A_705 = arith.constant 272 : index
        %swap3A_706 = tpu.vector_load %arg9[%swap3A_704, %swap3A_705] {strides = array<i32>} : memref<32x768xf32, #tpu.memory_space<vmem>>, vector<16xf32>,
        tpu.vector_store %arg9[%swap3A_704, %swap3A_705], %add3A_703 {strides = array<i32>} : memref<32x768xf32, #tpu.memory_space<vmem>>, vector<16xf32>,
        %get3A_707 = arith.index_cast %scan3A_88 : i32 to index
        %get3A_708 = arith.constant 288 : index
        %get3A_709 = tpu.vector_load %arg9[%get3A_707, %get3A_708] {strides = array<i32>} : memref<32x768xf32, #tpu.memory_space<vmem>>, vector<16xf32>,
        %get3A_710 = arith.constant 288 : index
        %get3A_711 = tpu.vector_load %arg10[%get3A_710] {strides = array<i32>} : memref<768xf32, #tpu.memory_space<vmem>>, vector<16xf32>,
        %get3A_712 = arith.constant 288 : index
        %get3A_713 = tpu.vector_load %arg11[%get3A_712] {strides = array<i32>} : memref<768xf32, #tpu.memory_space<vmem>>, vector<16xf32>,
        %sub3A_714 = vector.broadcast %mul3A_388 : f32 to vector<16xf32>
        %sub3A_715 = arith.subf %get3A_709, %sub3A_714 : vector<16xf32>
        %mul3A_716 = vector.broadcast %mul3A_419 : f32 to vector<16xf32>
        %mul3A_717 = arith.mulf %mul3A_716, %get3A_711 : vector<16xf32>
        %mul3A_718 = arith.mulf %sub3A_715, %mul3A_717 : vector<16xf32>
        %add3A_719 = arith.addf %mul3A_718, %get3A_713 : vector<16xf32>
        %swap3A_720 = arith.index_cast %scan3A_88 : i32 to index
        %swap3A_721 = arith.constant 288 : index
        %swap3A_722 = tpu.vector_load %arg9[%swap3A_720, %swap3A_721] {strides = array<i32>} : memref<32x768xf32, #tpu.memory_space<vmem>>, vector<16xf32>,
        tpu.vector_store %arg9[%swap3A_720, %swap3A_721], %add3A_719 {strides = array<i32>} : memref<32x768xf32, #tpu.memory_space<vmem>>, vector<16xf32>,
        %get3A_723 = arith.index_cast %scan3A_88 : i32 to index
        %get3A_724 = arith.constant 304 : index
        %get3A_725 = tpu.vector_load %arg9[%get3A_723, %get3A_724] {strides = array<i32>} : memref<32x768xf32, #tpu.memory_space<vmem>>, vector<16xf32>,
        %get3A_726 = arith.constant 304 : index
        %get3A_727 = tpu.vector_load %arg10[%get3A_726] {strides = array<i32>} : memref<768xf32, #tpu.memory_space<vmem>>, vector<16xf32>,
        %get3A_728 = arith.constant 304 : index
        %get3A_729 = tpu.vector_load %arg11[%get3A_728] {strides = array<i32>} : memref<768xf32, #tpu.memory_space<vmem>>, vector<16xf32>,
        %sub3A_730 = vector.broadcast %mul3A_388 : f32 to vector<16xf32>
        %sub3A_731 = arith.subf %get3A_725, %sub3A_730 : vector<16xf32>
        %mul3A_732 = vector.broadcast %mul3A_419 : f32 to vector<16xf32>
        %mul3A_733 = arith.mulf %mul3A_732, %get3A_727 : vector<16xf32>
        %mul3A_734 = arith.mulf %sub3A_731, %mul3A_733 : vector<16xf32>
        %add3A_735 = arith.addf %mul3A_734, %get3A_729 : vector<16xf32>
        %swap3A_736 = arith.index_cast %scan3A_88 : i32 to index
        %swap3A_737 = arith.constant 304 : index
        %swap3A_738 = tpu.vector_load %arg9[%swap3A_736, %swap3A_737] {strides = array<i32>} : memref<32x768xf32, #tpu.memory_space<vmem>>, vector<16xf32>,
        tpu.vector_store %arg9[%swap3A_736, %swap3A_737], %add3A_735 {strides = array<i32>} : memref<32x768xf32, #tpu.memory_space<vmem>>, vector<16xf32>,
        %get3A_739 = arith.index_cast %scan3A_88 : i32 to index
        %get3A_740 = arith.constant 320 : index
        %get3A_741 = tpu.vector_load %arg9[%get3A_739, %get3A_740] {strides = array<i32>} : memref<32x768xf32, #tpu.memory_space<vmem>>, vector<16xf32>,
        %get3A_742 = arith.constant 320 : index
        %get3A_743 = tpu.vector_load %arg10[%get3A_742] {strides = array<i32>} : memref<768xf32, #tpu.memory_space<vmem>>, vector<16xf32>,
        %get3A_744 = arith.constant 320 : index
        %get3A_745 = tpu.vector_load %arg11[%get3A_744] {strides = array<i32>} : memref<768xf32, #tpu.memory_space<vmem>>, vector<16xf32>,
        %sub3A_746 = vector.broadcast %mul3A_388 : f32 to vector<16xf32>
        %sub3A_747 = arith.subf %get3A_741, %sub3A_746 : vector<16xf32>
        %mul3A_748 = vector.broadcast %mul3A_419 : f32 to vector<16xf32>
        %mul3A_749 = arith.mulf %mul3A_748, %get3A_743 : vector<16xf32>
        %mul3A_750 = arith.mulf %sub3A_747, %mul3A_749 : vector<16xf32>
        %add3A_751 = arith.addf %mul3A_750, %get3A_745 : vector<16xf32>
        %swap3A_752 = arith.index_cast %scan3A_88 : i32 to index
        %swap3A_753 = arith.constant 320 : index
        %swap3A_754 = tpu.vector_load %arg9[%swap3A_752, %swap3A_753] {strides = array<i32>} : memref<32x768xf32, #tpu.memory_space<vmem>>, vector<16xf32>,
        tpu.vector_store %arg9[%swap3A_752, %swap3A_753], %add3A_751 {strides = array<i32>} : memref<32x768xf32, #tpu.memory_space<vmem>>, vector<16xf32>,
        %get3A_755 = arith.index_cast %scan3A_88 : i32 to index
        %get3A_756 = arith.constant 336 : index
        %get3A_757 = tpu.vector_load %arg9[%get3A_755, %get3A_756] {strides = array<i32>} : memref<32x768xf32, #tpu.memory_space<vmem>>, vector<16xf32>,
        %get3A_758 = arith.constant 336 : index
        %get3A_759 = tpu.vector_load %arg10[%get3A_758] {strides = array<i32>} : memref<768xf32, #tpu.memory_space<vmem>>, vector<16xf32>,
        %get3A_760 = arith.constant 336 : index
        %get3A_761 = tpu.vector_load %arg11[%get3A_760] {strides = array<i32>} : memref<768xf32, #tpu.memory_space<vmem>>, vector<16xf32>,
        %sub3A_762 = vector.broadcast %mul3A_388 : f32 to vector<16xf32>
        %sub3A_763 = arith.subf %get3A_757, %sub3A_762 : vector<16xf32>
        %mul3A_764 = vector.broadcast %mul3A_419 : f32 to vector<16xf32>
        %mul3A_765 = arith.mulf %mul3A_764, %get3A_759 : vector<16xf32>
        %mul3A_766 = arith.mulf %sub3A_763, %mul3A_765 : vector<16xf32>
        %add3A_767 = arith.addf %mul3A_766, %get3A_761 : vector<16xf32>
        %swap3A_768 = arith.index_cast %scan3A_88 : i32 to index
        %swap3A_769 = arith.constant 336 : index
        %swap3A_770 = tpu.vector_load %arg9[%swap3A_768, %swap3A_769] {strides = array<i32>} : memref<32x768xf32, #tpu.memory_space<vmem>>, vector<16xf32>,
        tpu.vector_store %arg9[%swap3A_768, %swap3A_769], %add3A_767 {strides = array<i32>} : memref<32x768xf32, #tpu.memory_space<vmem>>, vector<16xf32>,
        %get3A_771 = arith.index_cast %scan3A_88 : i32 to index
        %get3A_772 = arith.constant 352 : index
        %get3A_773 = tpu.vector_load %arg9[%get3A_771, %get3A_772] {strides = array<i32>} : memref<32x768xf32, #tpu.memory_space<vmem>>, vector<16xf32>,
        %get3A_774 = arith.constant 352 : index
        %get3A_775 = tpu.vector_load %arg10[%get3A_774] {strides = array<i32>} : memref<768xf32, #tpu.memory_space<vmem>>, vector<16xf32>,
        %get3A_776 = arith.constant 352 : index
        %get3A_777 = tpu.vector_load %arg11[%get3A_776] {strides = array<i32>} : memref<768xf32, #tpu.memory_space<vmem>>, vector<16xf32>,
        %sub3A_778 = vector.broadcast %mul3A_388 : f32 to vector<16xf32>
        %sub3A_779 = arith.subf %get3A_773, %sub3A_778 : vector<16xf32>
        %mul3A_780 = vector.broadcast %mul3A_419 : f32 to vector<16xf32>
        %mul3A_781 = arith.mulf %mul3A_780, %get3A_775 : vector<16xf32>
        %mul3A_782 = arith.mulf %sub3A_779, %mul3A_781 : vector<16xf32>
        %add3A_783 = arith.addf %mul3A_782, %get3A_777 : vector<16xf32>
        %swap3A_784 = arith.index_cast %scan3A_88 : i32 to index
        %swap3A_785 = arith.constant 352 : index
        %swap3A_786 = tpu.vector_load %arg9[%swap3A_784, %swap3A_785] {strides = array<i32>} : memref<32x768xf32, #tpu.memory_space<vmem>>, vector<16xf32>,
        tpu.vector_store %arg9[%swap3A_784, %swap3A_785], %add3A_783 {strides = array<i32>} : memref<32x768xf32, #tpu.memory_space<vmem>>, vector<16xf32>,
        %get3A_787 = arith.index_cast %scan3A_88 : i32 to index
        %get3A_788 = arith.constant 368 : index
        %get3A_789 = tpu.vector_load %arg9[%get3A_787, %get3A_788] {strides = array<i32>} : memref<32x768xf32, #tpu.memory_space<vmem>>, vector<16xf32>,
        %get3A_790 = arith.constant 368 : index
        %get3A_791 = tpu.vector_load %arg10[%get3A_790] {strides = array<i32>} : memref<768xf32, #tpu.memory_space<vmem>>, vector<16xf32>,
        %get3A_792 = arith.constant 368 : index
        %get3A_793 = tpu.vector_load %arg11[%get3A_792] {strides = array<i32>} : memref<768xf32, #tpu.memory_space<vmem>>, vector<16xf32>,
        %sub3A_794 = vector.broadcast %mul3A_388 : f32 to vector<16xf32>
        %sub3A_795 = arith.subf %get3A_789, %sub3A_794 : vector<16xf32>
        %mul3A_796 = vector.broadcast %mul3A_419 : f32 to vector<16xf32>
        %mul3A_797 = arith.mulf %mul3A_796, %get3A_791 : vector<16xf32>
        %mul3A_798 = arith.mulf %sub3A_795, %mul3A_797 : vector<16xf32>
        %add3A_799 = arith.addf %mul3A_798, %get3A_793 : vector<16xf32>
        %swap3A_800 = arith.index_cast %scan3A_88 : i32 to index
        %swap3A_801 = arith.constant 368 : index
        %swap3A_802 = tpu.vector_load %arg9[%swap3A_800, %swap3A_801] {strides = array<i32>} : memref<32x768xf32, #tpu.memory_space<vmem>>, vector<16xf32>,
        tpu.vector_store %arg9[%swap3A_800, %swap3A_801], %add3A_799 {strides = array<i32>} : memref<32x768xf32, #tpu.memory_space<vmem>>, vector<16xf32>,
        %get3A_803 = arith.index_cast %scan3A_88 : i32 to index
        %get3A_804 = arith.constant 384 : index
        %get3A_805 = tpu.vector_load %arg9[%get3A_803, %get3A_804] {strides = array<i32>} : memref<32x768xf32, #tpu.memory_space<vmem>>, vector<16xf32>,
        %get3A_806 = arith.constant 384 : index
        %get3A_807 = tpu.vector_load %arg10[%get3A_806] {strides = array<i32>} : memref<768xf32, #tpu.memory_space<vmem>>, vector<16xf32>,
        %get3A_808 = arith.constant 384 : index
        %get3A_809 = tpu.vector_load %arg11[%get3A_808] {strides = array<i32>} : memref<768xf32, #tpu.memory_space<vmem>>, vector<16xf32>,
        %sub3A_810 = vector.broadcast %mul3A_388 : f32 to vector<16xf32>
        %sub3A_811 = arith.subf %get3A_805, %sub3A_810 : vector<16xf32>
        %mul3A_812 = vector.broadcast %mul3A_419 : f32 to vector<16xf32>
        %mul3A_813 = arith.mulf %mul3A_812, %get3A_807 : vector<16xf32>
        %mul3A_814 = arith.mulf %sub3A_811, %mul3A_813 : vector<16xf32>
        %add3A_815 = arith.addf %mul3A_814, %get3A_809 : vector<16xf32>
        %swap3A_816 = arith.index_cast %scan3A_88 : i32 to index
        %swap3A_817 = arith.constant 384 : index
        %swap3A_818 = tpu.vector_load %arg9[%swap3A_816, %swap3A_817] {strides = array<i32>} : memref<32x768xf32, #tpu.memory_space<vmem>>, vector<16xf32>,
        tpu.vector_store %arg9[%swap3A_816, %swap3A_817], %add3A_815 {strides = array<i32>} : memref<32x768xf32, #tpu.memory_space<vmem>>, vector<16xf32>,
        %get3A_819 = arith.index_cast %scan3A_88 : i32 to index
        %get3A_820 = arith.constant 400 : index
        %get3A_821 = tpu.vector_load %arg9[%get3A_819, %get3A_820] {strides = array<i32>} : memref<32x768xf32, #tpu.memory_space<vmem>>, vector<16xf32>,
        %get3A_822 = arith.constant 400 : index
        %get3A_823 = tpu.vector_load %arg10[%get3A_822] {strides = array<i32>} : memref<768xf32, #tpu.memory_space<vmem>>, vector<16xf32>,
        %get3A_824 = arith.constant 400 : index
        %get3A_825 = tpu.vector_load %arg11[%get3A_824] {strides = array<i32>} : memref<768xf32, #tpu.memory_space<vmem>>, vector<16xf32>,
        %sub3A_826 = vector.broadcast %mul3A_388 : f32 to vector<16xf32>
        %sub3A_827 = arith.subf %get3A_821, %sub3A_826 : vector<16xf32>
        %mul3A_828 = vector.broadcast %mul3A_419 : f32 to vector<16xf32>
        %mul3A_829 = arith.mulf %mul3A_828, %get3A_823 : vector<16xf32>
        %mul3A_830 = arith.mulf %sub3A_827, %mul3A_829 : vector<16xf32>
        %add3A_831 = arith.addf %mul3A_830, %get3A_825 : vector<16xf32>
        %swap3A_832 = arith.index_cast %scan3A_88 : i32 to index
        %swap3A_833 = arith.constant 400 : index
        %swap3A_834 = tpu.vector_load %arg9[%swap3A_832, %swap3A_833] {strides = array<i32>} : memref<32x768xf32, #tpu.memory_space<vmem>>, vector<16xf32>,
        tpu.vector_store %arg9[%swap3A_832, %swap3A_833], %add3A_831 {strides = array<i32>} : memref<32x768xf32, #tpu.memory_space<vmem>>, vector<16xf32>,
        %get3A_835 = arith.index_cast %scan3A_88 : i32 to index
        %get3A_836 = arith.constant 416 : index
        %get3A_837 = tpu.vector_load %arg9[%get3A_835, %get3A_836] {strides = array<i32>} : memref<32x768xf32, #tpu.memory_space<vmem>>, vector<16xf32>,
        %get3A_838 = arith.constant 416 : index
        %get3A_839 = tpu.vector_load %arg10[%get3A_838] {strides = array<i32>} : memref<768xf32, #tpu.memory_space<vmem>>, vector<16xf32>,
        %get3A_840 = arith.constant 416 : index
        %get3A_841 = tpu.vector_load %arg11[%get3A_840] {strides = array<i32>} : memref<768xf32, #tpu.memory_space<vmem>>, vector<16xf32>,
        %sub3A_842 = vector.broadcast %mul3A_388 : f32 to vector<16xf32>
        %sub3A_843 = arith.subf %get3A_837, %sub3A_842 : vector<16xf32>
        %mul3A_844 = vector.broadcast %mul3A_419 : f32 to vector<16xf32>
        %mul3A_845 = arith.mulf %mul3A_844, %get3A_839 : vector<16xf32>
        %mul3A_846 = arith.mulf %sub3A_843, %mul3A_845 : vector<16xf32>
        %add3A_847 = arith.addf %mul3A_846, %get3A_841 : vector<16xf32>
        %swap3A_848 = arith.index_cast %scan3A_88 : i32 to index
        %swap3A_849 = arith.constant 416 : index
        %swap3A_850 = tpu.vector_load %arg9[%swap3A_848, %swap3A_849] {strides = array<i32>} : memref<32x768xf32, #tpu.memory_space<vmem>>, vector<16xf32>,
        tpu.vector_store %arg9[%swap3A_848, %swap3A_849], %add3A_847 {strides = array<i32>} : memref<32x768xf32, #tpu.memory_space<vmem>>, vector<16xf32>,
        %get3A_851 = arith.index_cast %scan3A_88 : i32 to index
        %get3A_852 = arith.constant 432 : index
        %get3A_853 = tpu.vector_load %arg9[%get3A_851, %get3A_852] {strides = array<i32>} : memref<32x768xf32, #tpu.memory_space<vmem>>, vector<16xf32>,
        %get3A_854 = arith.constant 432 : index
        %get3A_855 = tpu.vector_load %arg10[%get3A_854] {strides = array<i32>} : memref<768xf32, #tpu.memory_space<vmem>>, vector<16xf32>,
        %get3A_856 = arith.constant 432 : index
        %get3A_857 = tpu.vector_load %arg11[%get3A_856] {strides = array<i32>} : memref<768xf32, #tpu.memory_space<vmem>>, vector<16xf32>,
        %sub3A_858 = vector.broadcast %mul3A_388 : f32 to vector<16xf32>
        %sub3A_859 = arith.subf %get3A_853, %sub3A_858 : vector<16xf32>
        %mul3A_860 = vector.broadcast %mul3A_419 : f32 to vector<16xf32>
        %mul3A_861 = arith.mulf %mul3A_860, %get3A_855 : vector<16xf32>
        %mul3A_862 = arith.mulf %sub3A_859, %mul3A_861 : vector<16xf32>
        %add3A_863 = arith.addf %mul3A_862, %get3A_857 : vector<16xf32>
        %swap3A_864 = arith.index_cast %scan3A_88 : i32 to index
        %swap3A_865 = arith.constant 432 : index
        %swap3A_866 = tpu.vector_load %arg9[%swap3A_864, %swap3A_865] {strides = array<i32>} : memref<32x768xf32, #tpu.memory_space<vmem>>, vector<16xf32>,
        tpu.vector_store %arg9[%swap3A_864, %swap3A_865], %add3A_863 {strides = array<i32>} : memref<32x768xf32, #tpu.memory_space<vmem>>, vector<16xf32>,
        %get3A_867 = arith.index_cast %scan3A_88 : i32 to index
        %get3A_868 = arith.constant 448 : index
        %get3A_869 = tpu.vector_load %arg9[%get3A_867, %get3A_868] {strides = array<i32>} : memref<32x768xf32, #tpu.memory_space<vmem>>, vector<16xf32>,
        %get3A_870 = arith.constant 448 : index
        %get3A_871 = tpu.vector_load %arg10[%get3A_870] {strides = array<i32>} : memref<768xf32, #tpu.memory_space<vmem>>, vector<16xf32>,
        %get3A_872 = arith.constant 448 : index
        %get3A_873 = tpu.vector_load %arg11[%get3A_872] {strides = array<i32>} : memref<768xf32, #tpu.memory_space<vmem>>, vector<16xf32>,
        %sub3A_874 = vector.broadcast %mul3A_388 : f32 to vector<16xf32>
        %sub3A_875 = arith.subf %get3A_869, %sub3A_874 : vector<16xf32>
        %mul3A_876 = vector.broadcast %mul3A_419 : f32 to vector<16xf32>
        %mul3A_877 = arith.mulf %mul3A_876, %get3A_871 : vector<16xf32>
        %mul3A_878 = arith.mulf %sub3A_875, %mul3A_877 : vector<16xf32>
        %add3A_879 = arith.addf %mul3A_878, %get3A_873 : vector<16xf32>
        %swap3A_880 = arith.index_cast %scan3A_88 : i32 to index
        %swap3A_881 = arith.constant 448 : index
        %swap3A_882 = tpu.vector_load %arg9[%swap3A_880, %swap3A_881] {strides = array<i32>} : memref<32x768xf32, #tpu.memory_space<vmem>>, vector<16xf32>,
        tpu.vector_store %arg9[%swap3A_880, %swap3A_881], %add3A_879 {strides = array<i32>} : memref<32x768xf32, #tpu.memory_space<vmem>>, vector<16xf32>,
        %get3A_883 = arith.index_cast %scan3A_88 : i32 to index
        %get3A_884 = arith.constant 464 : index
        %get3A_885 = tpu.vector_load %arg9[%get3A_883, %get3A_884] {strides = array<i32>} : memref<32x768xf32, #tpu.memory_space<vmem>>, vector<16xf32>,
        %get3A_886 = arith.constant 464 : index
        %get3A_887 = tpu.vector_load %arg10[%get3A_886] {strides = array<i32>} : memref<768xf32, #tpu.memory_space<vmem>>, vector<16xf32>,
        %get3A_888 = arith.constant 464 : index
        %get3A_889 = tpu.vector_load %arg11[%get3A_888] {strides = array<i32>} : memref<768xf32, #tpu.memory_space<vmem>>, vector<16xf32>,
        %sub3A_890 = vector.broadcast %mul3A_388 : f32 to vector<16xf32>
        %sub3A_891 = arith.subf %get3A_885, %sub3A_890 : vector<16xf32>
        %mul3A_892 = vector.broadcast %mul3A_419 : f32 to vector<16xf32>
        %mul3A_893 = arith.mulf %mul3A_892, %get3A_887 : vector<16xf32>
        %mul3A_894 = arith.mulf %sub3A_891, %mul3A_893 : vector<16xf32>
        %add3A_895 = arith.addf %mul3A_894, %get3A_889 : vector<16xf32>
        %swap3A_896 = arith.index_cast %scan3A_88 : i32 to index
        %swap3A_897 = arith.constant 464 : index
        %swap3A_898 = tpu.vector_load %arg9[%swap3A_896, %swap3A_897] {strides = array<i32>} : memref<32x768xf32, #tpu.memory_space<vmem>>, vector<16xf32>,
        tpu.vector_store %arg9[%swap3A_896, %swap3A_897], %add3A_895 {strides = array<i32>} : memref<32x768xf32, #tpu.memory_space<vmem>>, vector<16xf32>,
        %get3A_899 = arith.index_cast %scan3A_88 : i32 to index
        %get3A_900 = arith.constant 480 : index
        %get3A_901 = tpu.vector_load %arg9[%get3A_899, %get3A_900] {strides = array<i32>} : memref<32x768xf32, #tpu.memory_space<vmem>>, vector<16xf32>,
        %get3A_902 = arith.constant 480 : index
        %get3A_903 = tpu.vector_load %arg10[%get3A_902] {strides = array<i32>} : memref<768xf32, #tpu.memory_space<vmem>>, vector<16xf32>,
        %get3A_904 = arith.constant 480 : index
        %get3A_905 = tpu.vector_load %arg11[%get3A_904] {strides = array<i32>} : memref<768xf32, #tpu.memory_space<vmem>>, vector<16xf32>,
        %sub3A_906 = vector.broadcast %mul3A_388 : f32 to vector<16xf32>
        %sub3A_907 = arith.subf %get3A_901, %sub3A_906 : vector<16xf32>
        %mul3A_908 = vector.broadcast %mul3A_419 : f32 to vector<16xf32>
        %mul3A_909 = arith.mulf %mul3A_908, %get3A_903 : vector<16xf32>
        %mul3A_910 = arith.mulf %sub3A_907, %mul3A_909 : vector<16xf32>
        %add3A_911 = arith.addf %mul3A_910, %get3A_905 : vector<16xf32>
        %swap3A_912 = arith.index_cast %scan3A_88 : i32 to index
        %swap3A_913 = arith.constant 480 : index
        %swap3A_914 = tpu.vector_load %arg9[%swap3A_912, %swap3A_913] {strides = array<i32>} : memref<32x768xf32, #tpu.memory_space<vmem>>, vector<16xf32>,
        tpu.vector_store %arg9[%swap3A_912, %swap3A_913], %add3A_911 {strides = array<i32>} : memref<32x768xf32, #tpu.memory_space<vmem>>, vector<16xf32>,
        %get3A_915 = arith.index_cast %scan3A_88 : i32 to index
        %get3A_916 = arith.constant 496 : index
        %get3A_917 = tpu.vector_load %arg9[%get3A_915, %get3A_916] {strides = array<i32>} : memref<32x768xf32, #tpu.memory_space<vmem>>, vector<16xf32>,
        %get3A_918 = arith.constant 496 : index
        %get3A_919 = tpu.vector_load %arg10[%get3A_918] {strides = array<i32>} : memref<768xf32, #tpu.memory_space<vmem>>, vector<16xf32>,
        %get3A_920 = arith.constant 496 : index
        %get3A_921 = tpu.vector_load %arg11[%get3A_920] {strides = array<i32>} : memref<768xf32, #tpu.memory_space<vmem>>, vector<16xf32>,
        %sub3A_922 = vector.broadcast %mul3A_388 : f32 to vector<16xf32>
        %sub3A_923 = arith.subf %get3A_917, %sub3A_922 : vector<16xf32>
        %mul3A_924 = vector.broadcast %mul3A_419 : f32 to vector<16xf32>
        %mul3A_925 = arith.mulf %mul3A_924, %get3A_919 : vector<16xf32>
        %mul3A_926 = arith.mulf %sub3A_923, %mul3A_925 : vector<16xf32>
        %add3A_927 = arith.addf %mul3A_926, %get3A_921 : vector<16xf32>
        %swap3A_928 = arith.index_cast %scan3A_88 : i32 to index
        %swap3A_929 = arith.constant 496 : index
        %swap3A_930 = tpu.vector_load %arg9[%swap3A_928, %swap3A_929] {strides = array<i32>} : memref<32x768xf32, #tpu.memory_space<vmem>>, vector<16xf32>,
        tpu.vector_store %arg9[%swap3A_928, %swap3A_929], %add3A_927 {strides = array<i32>} : memref<32x768xf32, #tpu.memory_space<vmem>>, vector<16xf32>,
        %get3A_931 = arith.index_cast %scan3A_88 : i32 to index
        %get3A_932 = arith.constant 512 : index
        %get3A_933 = tpu.vector_load %arg9[%get3A_931, %get3A_932] {strides = array<i32>} : memref<32x768xf32, #tpu.memory_space<vmem>>, vector<16xf32>,
        %get3A_934 = arith.constant 512 : index
        %get3A_935 = tpu.vector_load %arg10[%get3A_934] {strides = array<i32>} : memref<768xf32, #tpu.memory_space<vmem>>, vector<16xf32>,
        %get3A_936 = arith.constant 512 : index
        %get3A_937 = tpu.vector_load %arg11[%get3A_936] {strides = array<i32>} : memref<768xf32, #tpu.memory_space<vmem>>, vector<16xf32>,
        %sub3A_938 = vector.broadcast %mul3A_388 : f32 to vector<16xf32>
        %sub3A_939 = arith.subf %get3A_933, %sub3A_938 : vector<16xf32>
        %mul3A_940 = vector.broadcast %mul3A_419 : f32 to vector<16xf32>
        %mul3A_941 = arith.mulf %mul3A_940, %get3A_935 : vector<16xf32>
        %mul3A_942 = arith.mulf %sub3A_939, %mul3A_941 : vector<16xf32>
        %add3A_943 = arith.addf %mul3A_942, %get3A_937 : vector<16xf32>
        %swap3A_944 = arith.index_cast %scan3A_88 : i32 to index
        %swap3A_945 = arith.constant 512 : index
        %swap3A_946 = tpu.vector_load %arg9[%swap3A_944, %swap3A_945] {strides = array<i32>} : memref<32x768xf32, #tpu.memory_space<vmem>>, vector<16xf32>,
        tpu.vector_store %arg9[%swap3A_944, %swap3A_945], %add3A_943 {strides = array<i32>} : memref<32x768xf32, #tpu.memory_space<vmem>>, vector<16xf32>,
        %get3A_947 = arith.index_cast %scan3A_88 : i32 to index
        %get3A_948 = arith.constant 528 : index
        %get3A_949 = tpu.vector_load %arg9[%get3A_947, %get3A_948] {strides = array<i32>} : memref<32x768xf32, #tpu.memory_space<vmem>>, vector<16xf32>,
        %get3A_950 = arith.constant 528 : index
        %get3A_951 = tpu.vector_load %arg10[%get3A_950] {strides = array<i32>} : memref<768xf32, #tpu.memory_space<vmem>>, vector<16xf32>,
        %get3A_952 = arith.constant 528 : index
        %get3A_953 = tpu.vector_load %arg11[%get3A_952] {strides = array<i32>} : memref<768xf32, #tpu.memory_space<vmem>>, vector<16xf32>,
        %sub3A_954 = vector.broadcast %mul3A_388 : f32 to vector<16xf32>
        %sub3A_955 = arith.subf %get3A_949, %sub3A_954 : vector<16xf32>
        %mul3A_956 = vector.broadcast %mul3A_419 : f32 to vector<16xf32>
        %mul3A_957 = arith.mulf %mul3A_956, %get3A_951 : vector<16xf32>
        %mul3A_958 = arith.mulf %sub3A_955, %mul3A_957 : vector<16xf32>
        %add3A_959 = arith.addf %mul3A_958, %get3A_953 : vector<16xf32>
        %swap3A_960 = arith.index_cast %scan3A_88 : i32 to index
        %swap3A_961 = arith.constant 528 : index
        %swap3A_962 = tpu.vector_load %arg9[%swap3A_960, %swap3A_961] {strides = array<i32>} : memref<32x768xf32, #tpu.memory_space<vmem>>, vector<16xf32>,
        tpu.vector_store %arg9[%swap3A_960, %swap3A_961], %add3A_959 {strides = array<i32>} : memref<32x768xf32, #tpu.memory_space<vmem>>, vector<16xf32>,
        %get3A_963 = arith.index_cast %scan3A_88 : i32 to index
        %get3A_964 = arith.constant 544 : index
        %get3A_965 = tpu.vector_load %arg9[%get3A_963, %get3A_964] {strides = array<i32>} : memref<32x768xf32, #tpu.memory_space<vmem>>, vector<16xf32>,
        %get3A_966 = arith.constant 544 : index
        %get3A_967 = tpu.vector_load %arg10[%get3A_966] {strides = array<i32>} : memref<768xf32, #tpu.memory_space<vmem>>, vector<16xf32>,
        %get3A_968 = arith.constant 544 : index
        %get3A_969 = tpu.vector_load %arg11[%get3A_968] {strides = array<i32>} : memref<768xf32, #tpu.memory_space<vmem>>, vector<16xf32>,
        %sub3A_970 = vector.broadcast %mul3A_388 : f32 to vector<16xf32>
        %sub3A_971 = arith.subf %get3A_965, %sub3A_970 : vector<16xf32>
        %mul3A_972 = vector.broadcast %mul3A_419 : f32 to vector<16xf32>
        %mul3A_973 = arith.mulf %mul3A_972, %get3A_967 : vector<16xf32>
        %mul3A_974 = arith.mulf %sub3A_971, %mul3A_973 : vector<16xf32>
        %add3A_975 = arith.addf %mul3A_974, %get3A_969 : vector<16xf32>
        %swap3A_976 = arith.index_cast %scan3A_88 : i32 to index
        %swap3A_977 = arith.constant 544 : index
        %swap3A_978 = tpu.vector_load %arg9[%swap3A_976, %swap3A_977] {strides = array<i32>} : memref<32x768xf32, #tpu.memory_space<vmem>>, vector<16xf32>,
        tpu.vector_store %arg9[%swap3A_976, %swap3A_977], %add3A_975 {strides = array<i32>} : memref<32x768xf32, #tpu.memory_space<vmem>>, vector<16xf32>,
        %get3A_979 = arith.index_cast %scan3A_88 : i32 to index
        %get3A_980 = arith.constant 560 : index
        %get3A_981 = tpu.vector_load %arg9[%get3A_979, %get3A_980] {strides = array<i32>} : memref<32x768xf32, #tpu.memory_space<vmem>>, vector<16xf32>,
        %get3A_982 = arith.constant 560 : index
        %get3A_983 = tpu.vector_load %arg10[%get3A_982] {strides = array<i32>} : memref<768xf32, #tpu.memory_space<vmem>>, vector<16xf32>,
        %get3A_984 = arith.constant 560 : index
        %get3A_985 = tpu.vector_load %arg11[%get3A_984] {strides = array<i32>} : memref<768xf32, #tpu.memory_space<vmem>>, vector<16xf32>,
        %sub3A_986 = vector.broadcast %mul3A_388 : f32 to vector<16xf32>
        %sub3A_987 = arith.subf %get3A_981, %sub3A_986 : vector<16xf32>
        %mul3A_988 = vector.broadcast %mul3A_419 : f32 to vector<16xf32>
        %mul3A_989 = arith.mulf %mul3A_988, %get3A_983 : vector<16xf32>
        %mul3A_990 = arith.mulf %sub3A_987, %mul3A_989 : vector<16xf32>
        %add3A_991 = arith.addf %mul3A_990, %get3A_985 : vector<16xf32>
        %swap3A_992 = arith.index_cast %scan3A_88 : i32 to index
        %swap3A_993 = arith.constant 560 : index
        %swap3A_994 = tpu.vector_load %arg9[%swap3A_992, %swap3A_993] {strides = array<i32>} : memref<32x768xf32, #tpu.memory_space<vmem>>, vector<16xf32>,
        tpu.vector_store %arg9[%swap3A_992, %swap3A_993], %add3A_991 {strides = array<i32>} : memref<32x768xf32, #tpu.memory_space<vmem>>, vector<16xf32>,
        %get3A_995 = arith.index_cast %scan3A_88 : i32 to index
        %get3A_996 = arith.constant 576 : index
        %get3A_997 = tpu.vector_load %arg9[%get3A_995, %get3A_996] {strides = array<i32>} : memref<32x768xf32, #tpu.memory_space<vmem>>, vector<16xf32>,
        %get3A_998 = arith.constant 576 : index
        %get3A_999 = tpu.vector_load %arg10[%get3A_998] {strides = array<i32>} : memref<768xf32, #tpu.memory_space<vmem>>, vector<16xf32>,
        %get3A_1000 = arith.constant 576 : index
        %get3A_1001 = tpu.vector_load %arg11[%get3A_1000] {strides = array<i32>} : memref<768xf32, #tpu.memory_space<vmem>>, vector<16xf32>,
        %sub3A_1002 = vector.broadcast %mul3A_388 : f32 to vector<16xf32>
        %sub3A_1003 = arith.subf %get3A_997, %sub3A_1002 : vector<16xf32>
        %mul3A_1004 = vector.broadcast %mul3A_419 : f32 to vector<16xf32>
        %mul3A_1005 = arith.mulf %mul3A_1004, %get3A_999 : vector<16xf32>
        %mul3A_1006 = arith.mulf %sub3A_1003, %mul3A_1005 : vector<16xf32>
        %add3A_1007 = arith.addf %mul3A_1006, %get3A_1001 : vector<16xf32>
        %swap3A_1008 = arith.index_cast %scan3A_88 : i32 to index
        %swap3A_1009 = arith.constant 576 : index
        %swap3A_1010 = tpu.vector_load %arg9[%swap3A_1008, %swap3A_1009] {strides = array<i32>} : memref<32x768xf32, #tpu.memory_space<vmem>>, vector<16xf32>,
        tpu.vector_store %arg9[%swap3A_1008, %swap3A_1009], %add3A_1007 {strides = array<i32>} : memref<32x768xf32, #tpu.memory_space<vmem>>, vector<16xf32>,
        %get3A_1011 = arith.index_cast %scan3A_88 : i32 to index
        %get3A_1012 = arith.constant 592 : index
        %get3A_1013 = tpu.vector_load %arg9[%get3A_1011, %get3A_1012] {strides = array<i32>} : memref<32x768xf32, #tpu.memory_space<vmem>>, vector<16xf32>,
        %get3A_1014 = arith.constant 592 : index
        %get3A_1015 = tpu.vector_load %arg10[%get3A_1014] {strides = array<i32>} : memref<768xf32, #tpu.memory_space<vmem>>, vector<16xf32>,
        %get3A_1016 = arith.constant 592 : index
        %get3A_1017 = tpu.vector_load %arg11[%get3A_1016] {strides = array<i32>} : memref<768xf32, #tpu.memory_space<vmem>>, vector<16xf32>,
        %sub3A_1018 = vector.broadcast %mul3A_388 : f32 to vector<16xf32>
        %sub3A_1019 = arith.subf %get3A_1013, %sub3A_1018 : vector<16xf32>
        %mul3A_1020 = vector.broadcast %mul3A_419 : f32 to vector<16xf32>
        %mul3A_1021 = arith.mulf %mul3A_1020, %get3A_1015 : vector<16xf32>
        %mul3A_1022 = arith.mulf %sub3A_1019, %mul3A_1021 : vector<16xf32>
        %add3A_1023 = arith.addf %mul3A_1022, %get3A_1017 : vector<16xf32>
        %swap3A_1024 = arith.index_cast %scan3A_88 : i32 to index
        %swap3A_1025 = arith.constant 592 : index
        %swap3A_1026 = tpu.vector_load %arg9[%swap3A_1024, %swap3A_1025] {strides = array<i32>} : memref<32x768xf32, #tpu.memory_space<vmem>>, vector<16xf32>,
        tpu.vector_store %arg9[%swap3A_1024, %swap3A_1025], %add3A_1023 {strides = array<i32>} : memref<32x768xf32, #tpu.memory_space<vmem>>, vector<16xf32>,
        %get3A_1027 = arith.index_cast %scan3A_88 : i32 to index
        %get3A_1028 = arith.constant 608 : index
        %get3A_1029 = tpu.vector_load %arg9[%get3A_1027, %get3A_1028] {strides = array<i32>} : memref<32x768xf32, #tpu.memory_space<vmem>>, vector<16xf32>,
        %get3A_1030 = arith.constant 608 : index
        %get3A_1031 = tpu.vector_load %arg10[%get3A_1030] {strides = array<i32>} : memref<768xf32, #tpu.memory_space<vmem>>, vector<16xf32>,
        %get3A_1032 = arith.constant 608 : index
        %get3A_1033 = tpu.vector_load %arg11[%get3A_1032] {strides = array<i32>} : memref<768xf32, #tpu.memory_space<vmem>>, vector<16xf32>,
        %sub3A_1034 = vector.broadcast %mul3A_388 : f32 to vector<16xf32>
        %sub3A_1035 = arith.subf %get3A_1029, %sub3A_1034 : vector<16xf32>
        %mul3A_1036 = vector.broadcast %mul3A_419 : f32 to vector<16xf32>
        %mul3A_1037 = arith.mulf %mul3A_1036, %get3A_1031 : vector<16xf32>
        %mul3A_1038 = arith.mulf %sub3A_1035, %mul3A_1037 : vector<16xf32>
        %add3A_1039 = arith.addf %mul3A_1038, %get3A_1033 : vector<16xf32>
        %swap3A_1040 = arith.index_cast %scan3A_88 : i32 to index
        %swap3A_1041 = arith.constant 608 : index
        %swap3A_1042 = tpu.vector_load %arg9[%swap3A_1040, %swap3A_1041] {strides = array<i32>} : memref<32x768xf32, #tpu.memory_space<vmem>>, vector<16xf32>,
        tpu.vector_store %arg9[%swap3A_1040, %swap3A_1041], %add3A_1039 {strides = array<i32>} : memref<32x768xf32, #tpu.memory_space<vmem>>, vector<16xf32>,
        %get3A_1043 = arith.index_cast %scan3A_88 : i32 to index
        %get3A_1044 = arith.constant 624 : index
        %get3A_1045 = tpu.vector_load %arg9[%get3A_1043, %get3A_1044] {strides = array<i32>} : memref<32x768xf32, #tpu.memory_space<vmem>>, vector<16xf32>,
        %get3A_1046 = arith.constant 624 : index
        %get3A_1047 = tpu.vector_load %arg10[%get3A_1046] {strides = array<i32>} : memref<768xf32, #tpu.memory_space<vmem>>, vector<16xf32>,
        %get3A_1048 = arith.constant 624 : index
        %get3A_1049 = tpu.vector_load %arg11[%get3A_1048] {strides = array<i32>} : memref<768xf32, #tpu.memory_space<vmem>>, vector<16xf32>,
        %sub3A_1050 = vector.broadcast %mul3A_388 : f32 to vector<16xf32>
        %sub3A_1051 = arith.subf %get3A_1045, %sub3A_1050 : vector<16xf32>
        %mul3A_1052 = vector.broadcast %mul3A_419 : f32 to vector<16xf32>
        %mul3A_1053 = arith.mulf %mul3A_1052, %get3A_1047 : vector<16xf32>
        %mul3A_1054 = arith.mulf %sub3A_1051, %mul3A_1053 : vector<16xf32>
        %add3A_1055 = arith.addf %mul3A_1054, %get3A_1049 : vector<16xf32>
        %swap3A_1056 = arith.index_cast %scan3A_88 : i32 to index
        %swap3A_1057 = arith.constant 624 : index
        %swap3A_1058 = tpu.vector_load %arg9[%swap3A_1056, %swap3A_1057] {strides = array<i32>} : memref<32x768xf32, #tpu.memory_space<vmem>>, vector<16xf32>,
        tpu.vector_store %arg9[%swap3A_1056, %swap3A_1057], %add3A_1055 {strides = array<i32>} : memref<32x768xf32, #tpu.memory_space<vmem>>, vector<16xf32>,
        %get3A_1059 = arith.index_cast %scan3A_88 : i32 to index
        %get3A_1060 = arith.constant 640 : index
        %get3A_1061 = tpu.vector_load %arg9[%get3A_1059, %get3A_1060] {strides = array<i32>} : memref<32x768xf32, #tpu.memory_space<vmem>>, vector<16xf32>,
        %get3A_1062 = arith.constant 640 : index
        %get3A_1063 = tpu.vector_load %arg10[%get3A_1062] {strides = array<i32>} : memref<768xf32, #tpu.memory_space<vmem>>, vector<16xf32>,
        %get3A_1064 = arith.constant 640 : index
        %get3A_1065 = tpu.vector_load %arg11[%get3A_1064] {strides = array<i32>} : memref<768xf32, #tpu.memory_space<vmem>>, vector<16xf32>,
        %sub3A_1066 = vector.broadcast %mul3A_388 : f32 to vector<16xf32>
        %sub3A_1067 = arith.subf %get3A_1061, %sub3A_1066 : vector<16xf32>
        %mul3A_1068 = vector.broadcast %mul3A_419 : f32 to vector<16xf32>
        %mul3A_1069 = arith.mulf %mul3A_1068, %get3A_1063 : vector<16xf32>
        %mul3A_1070 = arith.mulf %sub3A_1067, %mul3A_1069 : vector<16xf32>
        %add3A_1071 = arith.addf %mul3A_1070, %get3A_1065 : vector<16xf32>
        %swap3A_1072 = arith.index_cast %scan3A_88 : i32 to index
        %swap3A_1073 = arith.constant 640 : index
        %swap3A_1074 = tpu.vector_load %arg9[%swap3A_1072, %swap3A_1073] {strides = array<i32>} : memref<32x768xf32, #tpu.memory_space<vmem>>, vector<16xf32>,
        tpu.vector_store %arg9[%swap3A_1072, %swap3A_1073], %add3A_1071 {strides = array<i32>} : memref<32x768xf32, #tpu.memory_space<vmem>>, vector<16xf32>,
        %get3A_1075 = arith.index_cast %scan3A_88 : i32 to index
        %get3A_1076 = arith.constant 656 : index
        %get3A_1077 = tpu.vector_load %arg9[%get3A_1075, %get3A_1076] {strides = array<i32>} : memref<32x768xf32, #tpu.memory_space<vmem>>, vector<16xf32>,
        %get3A_1078 = arith.constant 656 : index
        %get3A_1079 = tpu.vector_load %arg10[%get3A_1078] {strides = array<i32>} : memref<768xf32, #tpu.memory_space<vmem>>, vector<16xf32>,
        %get3A_1080 = arith.constant 656 : index
        %get3A_1081 = tpu.vector_load %arg11[%get3A_1080] {strides = array<i32>} : memref<768xf32, #tpu.memory_space<vmem>>, vector<16xf32>,
        %sub3A_1082 = vector.broadcast %mul3A_388 : f32 to vector<16xf32>
        %sub3A_1083 = arith.subf %get3A_1077, %sub3A_1082 : vector<16xf32>
        %mul3A_1084 = vector.broadcast %mul3A_419 : f32 to vector<16xf32>
        %mul3A_1085 = arith.mulf %mul3A_1084, %get3A_1079 : vector<16xf32>
        %mul3A_1086 = arith.mulf %sub3A_1083, %mul3A_1085 : vector<16xf32>
        %add3A_1087 = arith.addf %mul3A_1086, %get3A_1081 : vector<16xf32>
        %swap3A_1088 = arith.index_cast %scan3A_88 : i32 to index
        %swap3A_1089 = arith.constant 656 : index
        %swap3A_1090 = tpu.vector_load %arg9[%swap3A_1088, %swap3A_1089] {strides = array<i32>} : memref<32x768xf32, #tpu.memory_space<vmem>>, vector<16xf32>,
        tpu.vector_store %arg9[%swap3A_1088, %swap3A_1089], %add3A_1087 {strides = array<i32>} : memref<32x768xf32, #tpu.memory_space<vmem>>, vector<16xf32>,
        %get3A_1091 = arith.index_cast %scan3A_88 : i32 to index
        %get3A_1092 = arith.constant 672 : index
        %get3A_1093 = tpu.vector_load %arg9[%get3A_1091, %get3A_1092] {strides = array<i32>} : memref<32x768xf32, #tpu.memory_space<vmem>>, vector<16xf32>,
        %get3A_1094 = arith.constant 672 : index
        %get3A_1095 = tpu.vector_load %arg10[%get3A_1094] {strides = array<i32>} : memref<768xf32, #tpu.memory_space<vmem>>, vector<16xf32>,
        %get3A_1096 = arith.constant 672 : index
        %get3A_1097 = tpu.vector_load %arg11[%get3A_1096] {strides = array<i32>} : memref<768xf32, #tpu.memory_space<vmem>>, vector<16xf32>,
        %sub3A_1098 = vector.broadcast %mul3A_388 : f32 to vector<16xf32>
        %sub3A_1099 = arith.subf %get3A_1093, %sub3A_1098 : vector<16xf32>
        %mul3A_1100 = vector.broadcast %mul3A_419 : f32 to vector<16xf32>
        %mul3A_1101 = arith.mulf %mul3A_1100, %get3A_1095 : vector<16xf32>
        %mul3A_1102 = arith.mulf %sub3A_1099, %mul3A_1101 : vector<16xf32>
        %add3A_1103 = arith.addf %mul3A_1102, %get3A_1097 : vector<16xf32>
        %swap3A_1104 = arith.index_cast %scan3A_88 : i32 to index
        %swap3A_1105 = arith.constant 672 : index
        %swap3A_1106 = tpu.vector_load %arg9[%swap3A_1104, %swap3A_1105] {strides = array<i32>} : memref<32x768xf32, #tpu.memory_space<vmem>>, vector<16xf32>,
        tpu.vector_store %arg9[%swap3A_1104, %swap3A_1105], %add3A_1103 {strides = array<i32>} : memref<32x768xf32, #tpu.memory_space<vmem>>, vector<16xf32>,
        %get3A_1107 = arith.index_cast %scan3A_88 : i32 to index
        %get3A_1108 = arith.constant 688 : index
        %get3A_1109 = tpu.vector_load %arg9[%get3A_1107, %get3A_1108] {strides = array<i32>} : memref<32x768xf32, #tpu.memory_space<vmem>>, vector<16xf32>,
        %get3A_1110 = arith.constant 688 : index
        %get3A_1111 = tpu.vector_load %arg10[%get3A_1110] {strides = array<i32>} : memref<768xf32, #tpu.memory_space<vmem>>, vector<16xf32>,
        %get3A_1112 = arith.constant 688 : index
        %get3A_1113 = tpu.vector_load %arg11[%get3A_1112] {strides = array<i32>} : memref<768xf32, #tpu.memory_space<vmem>>, vector<16xf32>,
        %sub3A_1114 = vector.broadcast %mul3A_388 : f32 to vector<16xf32>
        %sub3A_1115 = arith.subf %get3A_1109, %sub3A_1114 : vector<16xf32>
        %mul3A_1116 = vector.broadcast %mul3A_419 : f32 to vector<16xf32>
        %mul3A_1117 = arith.mulf %mul3A_1116, %get3A_1111 : vector<16xf32>
        %mul3A_1118 = arith.mulf %sub3A_1115, %mul3A_1117 : vector<16xf32>
        %add3A_1119 = arith.addf %mul3A_1118, %get3A_1113 : vector<16xf32>
        %swap3A_1120 = arith.index_cast %scan3A_88 : i32 to index
        %swap3A_1121 = arith.constant 688 : index
        %swap3A_1122 = tpu.vector_load %arg9[%swap3A_1120, %swap3A_1121] {strides = array<i32>} : memref<32x768xf32, #tpu.memory_space<vmem>>, vector<16xf32>,
        tpu.vector_store %arg9[%swap3A_1120, %swap3A_1121], %add3A_1119 {strides = array<i32>} : memref<32x768xf32, #tpu.memory_space<vmem>>, vector<16xf32>,
        %get3A_1123 = arith.index_cast %scan3A_88 : i32 to index
        %get3A_1124 = arith.constant 704 : index
        %get3A_1125 = tpu.vector_load %arg9[%get3A_1123, %get3A_1124] {strides = array<i32>} : memref<32x768xf32, #tpu.memory_space<vmem>>, vector<16xf32>,
        %get3A_1126 = arith.constant 704 : index
        %get3A_1127 = tpu.vector_load %arg10[%get3A_1126] {strides = array<i32>} : memref<768xf32, #tpu.memory_space<vmem>>, vector<16xf32>,
        %get3A_1128 = arith.constant 704 : index
        %get3A_1129 = tpu.vector_load %arg11[%get3A_1128] {strides = array<i32>} : memref<768xf32, #tpu.memory_space<vmem>>, vector<16xf32>,
        %sub3A_1130 = vector.broadcast %mul3A_388 : f32 to vector<16xf32>
        %sub3A_1131 = arith.subf %get3A_1125, %sub3A_1130 : vector<16xf32>
        %mul3A_1132 = vector.broadcast %mul3A_419 : f32 to vector<16xf32>
        %mul3A_1133 = arith.mulf %mul3A_1132, %get3A_1127 : vector<16xf32>
        %mul3A_1134 = arith.mulf %sub3A_1131, %mul3A_1133 : vector<16xf32>
        %add3A_1135 = arith.addf %mul3A_1134, %get3A_1129 : vector<16xf32>
        %swap3A_1136 = arith.index_cast %scan3A_88 : i32 to index
        %swap3A_1137 = arith.constant 704 : index
        %swap3A_1138 = tpu.vector_load %arg9[%swap3A_1136, %swap3A_1137] {strides = array<i32>} : memref<32x768xf32, #tpu.memory_space<vmem>>, vector<16xf32>,
        tpu.vector_store %arg9[%swap3A_1136, %swap3A_1137], %add3A_1135 {strides = array<i32>} : memref<32x768xf32, #tpu.memory_space<vmem>>, vector<16xf32>,
        %get3A_1139 = arith.index_cast %scan3A_88 : i32 to index
        %get3A_1140 = arith.constant 720 : index
        %get3A_1141 = tpu.vector_load %arg9[%get3A_1139, %get3A_1140] {strides = array<i32>} : memref<32x768xf32, #tpu.memory_space<vmem>>, vector<16xf32>,
        %get3A_1142 = arith.constant 720 : index
        %get3A_1143 = tpu.vector_load %arg10[%get3A_1142] {strides = array<i32>} : memref<768xf32, #tpu.memory_space<vmem>>, vector<16xf32>,
        %get3A_1144 = arith.constant 720 : index
        %get3A_1145 = tpu.vector_load %arg11[%get3A_1144] {strides = array<i32>} : memref<768xf32, #tpu.memory_space<vmem>>, vector<16xf32>,
        %sub3A_1146 = vector.broadcast %mul3A_388 : f32 to vector<16xf32>
        %sub3A_1147 = arith.subf %get3A_1141, %sub3A_1146 : vector<16xf32>
        %mul3A_1148 = vector.broadcast %mul3A_419 : f32 to vector<16xf32>
        %mul3A_1149 = arith.mulf %mul3A_1148, %get3A_1143 : vector<16xf32>
        %mul3A_1150 = arith.mulf %sub3A_1147, %mul3A_1149 : vector<16xf32>
        %add3A_1151 = arith.addf %mul3A_1150, %get3A_1145 : vector<16xf32>
        %swap3A_1152 = arith.index_cast %scan3A_88 : i32 to index
        %swap3A_1153 = arith.constant 720 : index
        %swap3A_1154 = tpu.vector_load %arg9[%swap3A_1152, %swap3A_1153] {strides = array<i32>} : memref<32x768xf32, #tpu.memory_space<vmem>>, vector<16xf32>,
        tpu.vector_store %arg9[%swap3A_1152, %swap3A_1153], %add3A_1151 {strides = array<i32>} : memref<32x768xf32, #tpu.memory_space<vmem>>, vector<16xf32>,
        %get3A_1155 = arith.index_cast %scan3A_88 : i32 to index
        %get3A_1156 = arith.constant 736 : index
        %get3A_1157 = tpu.vector_load %arg9[%get3A_1155, %get3A_1156] {strides = array<i32>} : memref<32x768xf32, #tpu.memory_space<vmem>>, vector<16xf32>,
        %get3A_1158 = arith.constant 736 : index
        %get3A_1159 = tpu.vector_load %arg10[%get3A_1158] {strides = array<i32>} : memref<768xf32, #tpu.memory_space<vmem>>, vector<16xf32>,
        %get3A_1160 = arith.constant 736 : index
        %get3A_1161 = tpu.vector_load %arg11[%get3A_1160] {strides = array<i32>} : memref<768xf32, #tpu.memory_space<vmem>>, vector<16xf32>,
        %sub3A_1162 = vector.broadcast %mul3A_388 : f32 to vector<16xf32>
        %sub3A_1163 = arith.subf %get3A_1157, %sub3A_1162 : vector<16xf32>
        %mul3A_1164 = vector.broadcast %mul3A_419 : f32 to vector<16xf32>
        %mul3A_1165 = arith.mulf %mul3A_1164, %get3A_1159 : vector<16xf32>
        %mul3A_1166 = arith.mulf %sub3A_1163, %mul3A_1165 : vector<16xf32>
        %add3A_1167 = arith.addf %mul3A_1166, %get3A_1161 : vector<16xf32>
        %swap3A_1168 = arith.index_cast %scan3A_88 : i32 to index
        %swap3A_1169 = arith.constant 736 : index
        %swap3A_1170 = tpu.vector_load %arg9[%swap3A_1168, %swap3A_1169] {strides = array<i32>} : memref<32x768xf32, #tpu.memory_space<vmem>>, vector<16xf32>,
        tpu.vector_store %arg9[%swap3A_1168, %swap3A_1169], %add3A_1167 {strides = array<i32>} : memref<32x768xf32, #tpu.memory_space<vmem>>, vector<16xf32>,
        %get3A_1171 = arith.index_cast %scan3A_88 : i32 to index
        %get3A_1172 = arith.constant 752 : index
        %get3A_1173 = tpu.vector_load %arg9[%get3A_1171, %get3A_1172] {strides = array<i32>} : memref<32x768xf32, #tpu.memory_space<vmem>>, vector<16xf32>,
        %get3A_1174 = arith.constant 752 : index
        %get3A_1175 = tpu.vector_load %arg10[%get3A_1174] {strides = array<i32>} : memref<768xf32, #tpu.memory_space<vmem>>, vector<16xf32>,
        %get3A_1176 = arith.constant 752 : index
        %get3A_1177 = tpu.vector_load %arg11[%get3A_1176] {strides = array<i32>} : memref<768xf32, #tpu.memory_space<vmem>>, vector<16xf32>,
        %sub3A_1178 = vector.broadcast %mul3A_388 : f32 to vector<16xf32>
        %sub3A_1179 = arith.subf %get3A_1173, %sub3A_1178 : vector<16xf32>
        %mul3A_1180 = vector.broadcast %mul3A_419 : f32 to vector<16xf32>
        %mul3A_1181 = arith.mulf %mul3A_1180, %get3A_1175 : vector<16xf32>
        %mul3A_1182 = arith.mulf %sub3A_1179, %mul3A_1181 : vector<16xf32>
        %add3A_1183 = arith.addf %mul3A_1182, %get3A_1177 : vector<16xf32>
        %swap3A_1184 = arith.index_cast %scan3A_88 : i32 to index
        %swap3A_1185 = arith.constant 752 : index
        %swap3A_1186 = tpu.vector_load %arg9[%swap3A_1184, %swap3A_1185] {strides = array<i32>} : memref<32x768xf32, #tpu.memory_space<vmem>>, vector<16xf32>,
        tpu.vector_store %arg9[%swap3A_1184, %swap3A_1185], %add3A_1183 {strides = array<i32>} : memref<32x768xf32, #tpu.memory_space<vmem>>, vector<16xf32>,
        scf.yield %scan3A_88 : i32
      }
      %scan3A_80 = arith.constant 32 : i32
      %mul3A_81 = arith.constant 32 : i32
      %mul3A_82 = arith.muli %add3A_55, %mul3A_81 : i32
      %add3A_83 = arith.addi %mul3A_2, %mul3A_82 : i32
      %dma_start3A_84 = arith.constant 0 : i32
      %dma_start3A_85 = tpu.memref_slice %arg6[%add3A_83, %dma_start3A_84] : memref<32768x768xf32, #tpu.memory_space<hbm>> -> memref<32x768xf32, #tpu.memory_space<hbm>>
      %dma_start3A_86 = arith.constant 0 : i32
      %dma_start3A_87 = tpu.memref_slice %arg6[%add3A_83, %dma_start3A_86] : memref<32768x768xf32, #tpu.memory_space<hbm>> -> memref<32x768xf32, #tpu.memory_space<hbm>>
      tpu.enqueue_dma source(%arg9 : memref<32x768xf32, #tpu.memory_space<vmem>>) target(%dma_start3A_87 : memref<32x768xf32, #tpu.memory_space<hbm>>) target_semaphore(%arg15 : memref<!tpu.dma_semaphore, #tpu.memory_space<semaphore_mem>>)
    }
    %scan3A_11 = arith.constant 16 : i32
    %add3A_12 = arith.constant 992 : i32
    %add3A_13 = arith.addi %mul3A_2, %add3A_12 : i32
    %dma_wait3A = arith.constant 0 : i32
    %dma_wait3A_14 = tpu.memref_slice %arg6[%add3A_13, %dma_wait3A] : memref<32768x768xf32, #tpu.memory_space<hbm>> -> memref<32x768xf32, #tpu.memory_space<hbm>>
    %dma_wait3A_15 = arith.constant 0 : i32
    %dma_wait3A_16 = tpu.memref_slice %arg6[%add3A_13, %dma_wait3A_15] : memref<32768x768xf32, #tpu.memory_space<hbm>> -> memref<32x768xf32, #tpu.memory_space<hbm>>
    tpu.wait_dma2 semaphore(%arg15 : memref<!tpu.dma_semaphore, #tpu.memory_space<semaphore_mem>>) src(%arg9 : memref<32x768xf32, #tpu.memory_space<vmem>>) dst(%dma_wait3A_16 : memref<32x768xf32, #tpu.memory_space<hbm>>)
    return
  }
}

</mosaic_0001>

<sc_bundles>
// kernel: kernel.3.cloned.1.call-start
scs
__scs_entry_jumppad:
0x0: {  	(pc) =	sbr.rel $0x88, $3  }
0x1: {  	(tag) =	ssettag $0x0;
	lr =	simm.s32 $0x1  }
0x2: {  	[smem:$0x3F9D] =	sst lr;
	_ =	strace $0xD0000000  }
0x3: {  	_ = 	snop  }
0x4: {  	_ = 	snop  }
0x5: {  	_ = 	snop  }
0x6: {  	_ = 	snop  }
0x7: {  	_ = 	snop  }
__scs_overlays_trampoline_lowered:
0x8: {  	[smem:$0x3FAC] =	sst s0  }
0x9: {  	[smem:$0x3FAD] =	sst s1  }
0xa: {  	[smem:$0x3FAE] =	sst s2  }
0xb: {  	[smem:$0x3FAF] =	sst s3  }
0xc: {  	[smem:$0x3FB0] =	sst s4  }
0xd: {  	[smem:$0x3FB1] =	sst s5  }
0xe: {  	[smem:$0x3FB2] =	sst s6  }
0xf: {  	[smem:$0x3FB3] =	sst s7  }
0x10: {  	[smem:$0x3FB4] =	sst s8  }
0x11: {  	[smem:$0x3FB5] =	sst s9;
	s0 =	simm.s32 @!p0 $0x0  }
0x12: {  	s1 =	sld [smem:$0x3F9B];
	s0 =	simm.s32 @p0 $0x1  }
0x13: {  	[smem:$0x3FB6] =	sst s0;
	s0 =	simm.s32 @!p1 $0x0  }
0x14: {  	s2 =	sld [smem:$0x3F9A];
	s0 =	simm.s32 @p1 $0x1  }
0x15: {  	[smem:$0x3FB7] =	sst s0;
	s0 =	simm.s32 @!p2 $0x0  }
0x16: {  	s3 =	sld [smem:$0x3FDB];
	s0 =	simm.s32 @p2 $0x1  }
0x17: {  	s4 =	simm.s32 $0x1BF5;
	[smem:$0x3FB9] =	sst s0  }
0x18: {  	s0 =	sld [smem:$0x3F9C];
	_ =	swait.ge [sflag:s4], $0x0  }
0x19: {  	s7 =	sld [smem:$0x3F9D]  }
0x1a: {  	s8 =	sadd.s32 $0xFFFFE003, lr  }
0x1b: {  	s9 =	sadd.s32 $0xFFFFFEF7, lr;
	s5 =	simm.s32 $0xFFFFFFFF;
	p2 =	slt.u32 s8, $0xFFFFF086  }
0x1c: {  	p1 =	slt.u32 s9, $0xF7A;
	s5 =	simm.s32 @!p2 $0x0  }
0x1d: {  	s5 =	simm.s32 @p1 $0x1;
	p0 =	seq.s32 s7, s2  }
0x1e: {  	s7 =	smul.u32 @!p0 $0xF7A, s2;
	p2 =	seq.s32 @!p0 s5, $0x0  }
0x1f: {  	s9 =	smul.u32 $0xF7A, s1;
	s8 =	simm.s32 @!p0 $0x1BF5;
	p2 =	por !p2, p0  }
0x20: {  	[sflag:s8] =	ssyncset.s32 @!p0 $0xFFFFF086;
	s6 =	sadd.s32 @!p0 s3, s7;
	s7 =	simm.s32 @!p0 $0x108  }
0x21: {  	s3 =	sadd.s32 s3, s9;
	s6 =	sadd.s32 @!p0 $0x88, s6;
	s7 =	simm.s32 @p2 $0x1082  }
0x22: {  	[simem:s7], [sflag:s8] =	dma.local @!p0 [hbm:s6], $0xF7A  }
0x23: {  	s9 =	sor.u32 $0xD0000000, s2;
	s6 =	simm.s32 $0x108;
	_ =	swait.ge @!p0 [sflag:s8], $0x0  }
0x24: {  	s3 =	sadd.s32 $0x88, s3;
	s6 =	simm.s32 @!p1 $0x1082;
	[sflag:s4] =	ssyncset.s32 $0xFFFFF086  }
0x25: {  	[simem:s6], [sflag:s4] =	dma.local [hbm:s3], $0xF7A  }
0x26: {  	[smem:$0x3F9D] =	sst s1;
	(tag) =	ssettag s2;
	_ =	strace s9  }
0x27: {  	s1 =	sld [smem:$0x3FAD]  }
0x28: {  	s2 =	sld [smem:$0x3FAE]  }
0x29: {  	s4 =	sld [smem:$0x3FB0]  }
0x2a: {  	p0 =	seq.s32 s5, $0x0;
	s5 =	sld [smem:$0x3FB1]  }
0x2b: {  	s6 =	sld [smem:$0x3FB2]  }
0x2c: {  	s7 =	sld [smem:$0x3FB3]  }
0x2d: {  	s3 =	simm.s32 $0x108;
	s8 =	sld [smem:$0x3FB4]  }
0x2e: {  	s3 =	simm.s32 @!p0 $0x1082;
	s9 =	sld [smem:$0x3FB5]  }
0x2f: {  	lr =	sadd.s32 s0, s3;
	s0 =	sld [smem:$0x3FAC]  }
0x30: {  	s3 =	sld [smem:$0x3FAF]  }
0x31: {  	[smem:$0x3FB8] =	sst s10  }
0x32: {  	s10 =	sld [smem:$0x3FB6];
	_ =	sdelay $0x3  }
0x33: {  	p0 =	seq.s32 s10, $0x1;
	s10 =	sld [smem:$0x3FB8];
	_ =	sdelay $0x3  }
0x34: {  	[smem:$0x3FB8] =	sst s10  }
0x35: {  	s10 =	sld [smem:$0x3FB7];
	_ =	sdelay $0x3  }
0x36: {  	p1 =	seq.s32 s10, $0x1;
	s10 =	sld [smem:$0x3FB8];
	_ =	sdelay $0x3  }
0x37: {  	[smem:$0x3FB8] =	sst s10  }
0x38: {  	s10 =	sld [smem:$0x3FB9]  }
0x39: {  	_ = 	snop;
	(pc) =	sbr.ind lr, $3  }
0x3a: {  	_ = 	snop  }
0x3b: {  	_ = 	snop  }
0x3c: {  	p2 =	seq.s32 s10, $0x1;
	s10 =	sld [smem:$0x3FB8]  }
0x3d: {  	_ =	shalt  }
0x3e: {  	_ =	shalt  }
0x3f: {  	_ =	shalt  }
0x40: {  	_ =	shalt  }
0x41: {  	_ =	shalt  }
0x42: {  	_ =	shalt  }
0x43: {  	_ =	shalt  }
0x44: {  	_ =	shalt  }
0x45: {  	_ =	shalt  }
0x46: {  	_ =	shalt  }
0x47: {  	_ =	shalt  }
0x48: {  	_ =	shalt  }
0x49: {  	_ =	shalt  }
0x4a: {  	_ =	shalt  }
0x4b: {  	_ =	shalt  }
0x4c: {  	_ =	shalt  }
0x4d: {  	_ =	shalt  }
0x4e: {  	_ =	shalt  }
0x4f: {  	_ =	shalt  }
0x50: {  	_ =	shalt  }
0x51: {  	_ =	shalt  }
0x52: {  	_ =	shalt  }
0x53: {  	_ =	shalt  }
0x54: {  	_ =	shalt  }
0x55: {  	_ =	shalt  }
0x56: {  	_ =	shalt  }
0x57: {  	_ =	shalt  }
0x58: {  	_ =	shalt  }
0x59: {  	_ =	shalt  }
0x5a: {  	_ =	shalt  }
0x5b: {  	_ =	shalt  }
0x5c: {  	_ =	shalt  }
0x5d: {  	_ =	shalt  }
0x5e: {  	_ =	shalt  }
0x5f: {  	_ =	shalt  }
0x60: {  	_ =	shalt  }
0x61: {  	_ =	shalt  }
0x62: {  	_ =	shalt  }
0x63: {  	_ =	shalt  }
0x64: {  	_ =	shalt  }
0x65: {  	_ =	shalt  }
0x66: {  	_ =	shalt  }
0x67: {  	_ =	shalt  }
0x68: {  	_ =	shalt  }
0x69: {  	_ =	shalt  }
0x6a: {  	_ =	shalt  }
0x6b: {  	_ =	shalt  }
0x6c: {  	_ =	shalt  }
0x6d: {  	_ =	shalt  }
0x6e: {  	_ =	shalt  }
0x6f: {  	_ =	shalt  }
0x70: {  	_ =	shalt  }
0x71: {  	_ =	shalt  }
0x72: {  	_ =	shalt  }
0x73: {  	_ =	shalt  }
0x74: {  	_ =	shalt  }
0x75: {  	_ =	shalt  }
0x76: {  	_ =	shalt  }
0x77: {  	_ =	shalt  }
0x78: {  	_ =	shalt  }
0x79: {  	_ =	shalt  }
0x7a: {  	_ =	shalt  }
0x7b: {  	_ =	shalt  }
0x7c: {  	_ =	shalt  }
0x7d: {  	_ =	shalt  }
0x7e: {  	_ =	shalt  }
0x7f: {  	_ =	shalt  }
0x80: {  	_ =	shalt  }
0x81: {  	_ =	shalt  }
0x82: {  	_ =	shalt  }
0x83: {  	_ =	shalt  }
0x84: {  	_ =	shalt  }
0x85: {  	_ =	shalt  }
0x86: {  	_ =	shalt  }
0x87: {  	_ =	shalt  }
.Lfunc_end0:
.L_simem_size_0:
called_computation_lowered:
.L_overlay_start_0:
0x88: {  	s2 =	sld [smem:$0x3FD9]  }
0x89: {  	s3 =	sld [smem:$0x3FFE];
	_ =	sdelay $0x1  }
0x8a: {  	s1 =	srdreg.scid  }
0x8b: {  	s0 =	sand.u32 $0x1, s1  }
0x8c: {  	s17 =	sshll.u32 s0, $0xA;
	s2 =	sadd.s32 s3, s2  }
0x8d: {  	s2 =	sadd.s32 s2, s17  }
0x8e: {  	[smem:$0x3FC4] =	sst s2  }
0x8f: {  	_ = 	snop  }
0x90: {  	s2 =	sld [smem:$0x3FC8]  }
0x91: {  	s18 =	sld [smem:$0x3FC7]  }
0x92: {  	s4 =	sld [smem:$0x3FC6]  }
0x93: {  	s5 =	sld [smem:$0x3FD0];
	(tm) =	ssettm $0x1  }
0x94: {  	s6 =	sld [smem:$0x3FFB];
	_ =	sdelay $0x3  }
0x95: {  	_ =	strace s6  }
0x96: {  	s6 =	sld [smem:$0x3FFC];
	_ =	sdelay $0x3  }
0x97: {  	_ =	strace s6  }
0x98: {  	s6 =	sld [smem:$0x3FFD];
	_ =	sdelay $0x3  }
0x99: {  	_ =	strace s6  }
0x9a: {  	_ =	strace $0x8FFFFFFF  }
0x9b: {  	s19 =	sld [smem:$0x3FDB];
	_ =	sdelay $0x1  }
0x9c: {  	s7 =	simm.s32 $_scs_section_size  }
0x9d: {  	s8 =	simm.s32 $_size__tile_overlayer_lowered;
	s9 =	simm.s32 $_tile_overlayer_lowered  }
0x9e: {  	s22 =	simm.s32 $0x1BFF;
	s21 =	sshll.u32 s9, $0x1;
	s6 =	sadd.s32 s7, s19  }
0x9f: {  	s10 =	simm.s32 $0x0;
	s20 =	sshll.u32 s8, $0x1;
	s8 =	sadd.s32 s21, s6  }
0xa0: {  	[timem:s10], [sflag:s22] =	dma.local [hbm:s8], s20  }
0xa1: {  	_ =	swait.ge [sflag:s22], s20  }
0xa2: {  	s7 =	ssub.s32 $0x0, s20;
	[sflag:s22] =	ssyncset.done $0x0  }
0xa3: {  	[sflag:s22] =	ssyncadd.s32 s7;
	_ =	sdelay $0x1  }
0xa4: {  	s23 =	simm.s32 $0x1B8B  }
0xa5: {  	_ =	swait.ge [sflag:s23], $0x1  }
0xa6: {  	[sflag:s23] =	ssyncset.done $0x0  }
0xa7: {  	s25 =	simm.s32 $0x1B8E;
	s24 =	sld [smem:$0x3FFE];
	[sflag:s23] =	ssyncadd.s32 $0xFFFFFFFF  }
0xa8: {  	s26 =	simm.s32 $execute0_lowered;
	[smem:$0x3FD2] =	sst s25  }
0xa9: {  	s8 =	sshll.u32 s26, $0x1;
	_ =	strace $0x80000046;
	[dreg:$0x1] =	wrdreg $0xFFFFFFFF  }
0xaa: {  	s28 =	simm.s32 $_size_execute0_lowered;
	s6 =	sadd.s32 s6, s8;
	[dreg:$0x0] =	wrdreg $0x0  }
0xab: {  	s8 =	sshll.u32 s28, $0x1;
	[dreg:$0x2] =	wrdreg s6  }
0xac: {  	[dreg:$0x3] =	wrdreg s8  }
0xad: {  	[dreg:$0x4] =	wrdreg $0xC0  }
0xae: {  	_ =	task [dreg:s10], $0x5FFFF  }
0xaf: {  	[dreg:$0x1] =	wrdreg $0xFFFFFFFF  }
0xb0: {  	[dreg:$0x0] =	wrdreg $0x60  }
0xb1: {  	[dreg:$0x2] =	wrdreg s24  }
0xb2: {  	[dreg:$0x3] =	wrdreg s2  }
0xb3: {  	[dreg:$0x4] =	wrdreg s18  }
0xb4: {  	[dreg:$0x5] =	wrdreg s4  }
0xb5: {  	[dreg:$0x6] =	wrdreg s5  }
0xb6: {  	[dreg:$0x7] =	wrdreg $0x9  }
0xb7: {  	_ =	task.clear_ibuf [dreg:s10], $0x8FFFF;
	_ =	strace $0x90000046  }
0xb8: {  	s29 =	simm.s32 $0x9;
	_ =	strace $0x80000048  }
0xb9: {  	_ =	swait.ge [sflag:s29], $0x1  }
0xba: {  	[sflag:s29] =	ssyncadd.s32 $0xFFFFFFFF  }
0xbb: {  	_ =	strace $0x90000048  }
0xbc: {  	_ =	sfence  }
0xbd: {  	s30 =	sld [smem:$0x0];
	_ =	sdelay $0x2  }
0xbe: {  	s31 =	sshll.u32 s1, $0xD;
	s1 =	sshrl.u32 s1, $0x2  }
0xbf: {  	s3 =	sand.u32 $0x4000, s31;
	s1 =	sadd.s32 s1, s30  }
0xc0: {  	s0 =	sor.u32 s3, s0;
	s1 =	sshll.u32 s1, $0x11  }
0xc1: {  	s0 =	sor.u32 s1, s0  }
0xc2: {  	s0 =	sadd.s32 $0x8F2B, s0  }
0xc3: {  	[sflag:s0] =	ssyncadd.remote.s32 $0x1  }
0xc4: {  	_ =	sfence.sel $0xFFFF  }
0xc5: {  	[dreg:$0x0] =	wrdreg $0xFFFFFFFF;
	(pc) =	sbr.abs _section_cstart, $3  }
0xc6: {  	[dreg:$0x1] =	wrdreg $0xFFFFFFFF  }
0xc7: {  	_ =	task.clear_ibuf [dreg:s10], $0x2FFFF;
	_ =	strace $0x9FFFFFFF  }
0xc8: {  	(tm) =	ssettm $0x7FFFFFFF  }
0xc9: {  	_ =	shalt  }
tec
execute0_lowered:
.L_overlay_start_1:
0x0: {  	(tag) =	ssettag $0x1  }
0x1: {  	s1 =	rddreg [dreg:$0x0]  }
0x2: {  	s0 =	rddreg [dreg:$0x1];
	s2 =	srdreg.scid  }
0x3: {  	s5 =	rddreg [dreg:$0x4];
	s3 =	stileid.u32;
	s6 =	simm.s32 $0x0  }
0x4: {  	s15 =	simm.s32 $0x400;
	s28 =	simm.s32 $0x6400;
	s30 =	simm.s32 $0x7400  }
0x5: {  	s31 =	simm.s32 $0x7C00;
	s13 =	simm.s32 $0xA400;
	s14 =	simm.s32 $0xAC00  }
0x6: {  	s16 =	simm.s32 $0xB400;
	s17 =	simm.s32 $0xBC00;
	s18 =	simm.s32 $0x1  }
0x7: {  	s19 =	simm.s32 $0x3;
	s20 =	simm.s32 $0x2;
	s12 =	simm.s32 $0x0  }
0x8: {  	s2 =	sand.u32 $0x1, s2;
	s3 =	sshll.u32 s3, $0xB;
	[smem:$0x7FF] =	sst s6  }
0x9: {  	s9 =	sadd.s32 $0x100, s0;
	s4 =	sshll.u32 s2, $0xA;
	s2 =	ssub.s32 $0x2, s2  }
0xa: {  	s10 =	sadd.s32 $0x200, s0;
	s7 =	sor.u32 s4, s3;
	s26 =	sshrl.u32 s2, $0x1  }
0xb: {  	_ =	strace $0x80000047;
	s3 =	sshrl.u32 s7, $0x3;
	s2 =	ssub.s32 s2, s26  }
0xc: {  	v2 =	vlaneseq.u32;
	s4 =	simm.s32 $0x9C00;
	s1 =	sadd.s32 s3, s1;
	s29 =	smax.u32 s2, $0x1  }
0xd: {  	vm0 =	vmmov $0xffff;
	v1 =	vshrl.u32 v2, $0x3;
	s2 =	simm.s32 $0x8C00;
	s1 =	sadd.s32 $0x400, s1;
	[dreg:$0x7] =	wrdreg s29  }
0xe: {  	v0 =	vand.u32 $0x7, v2;
	v2 =	vor.u32 $0x8, v2;
	v1 =	vmul.u32 $0x8, v1;
	s3 =	simm.s32 $0x9400;
	[dreg:$0x6] =	wrdreg s1;
	s1 =	simm.s32 $0x8400  }
.LBB2_1:
0xf: {  	[dreg:$0x8] =	wrdreg s12  }
0x10: {  	s8 =	rddreg [dreg:$0x6];
	s11 =	simm.s32 $0x5  }
0x11: {  	[tilespmem:s6], [sflag:$0x5] =	stream.linear.gather [hbm4b:s8+s6], $0x400, $0x38;
	[tilespmem:$0xCA00] =	vst v63  }
0x12: {  	_ =	swait.ge [sflag:s11], $0x400  }
0x13: {  	[sflag:s11] =	ssyncset.done $0x0  }
0x14: {  	[sflag:s11] =	ssyncadd.s32 $0xFFFFFC00  }
0x15: {  	s23 =	simm.s32 $0xC400;
	s22 =	rddreg [dreg:$0x2]  }
0x16: {  	[tilespmem:s23], [sflag:$0x5] =	stream.linear.gather [hbm4b:s22+s6], $0x300, $0x38;
	[tilespmem:$0xCA00] =	vst v63  }
0x17: {  	_ =	swait.ge [sflag:s11], $0x300  }
0x18: {  	[sflag:s11] =	ssyncset.done $0x0  }
0x19: {  	[sflag:s11] =	ssyncadd.s32 $0xFFFFFD00  }
0x1a: {  	s25 =	simm.s32 $0xC700;
	s24 =	rddreg [dreg:$0x3]  }
0x1b: {  	[tilespmem:s25], [sflag:$0x5] =	stream.linear.gather [hbm4b:s24+s6], $0x300, $0x38;
	[tilespmem:$0xCA00] =	vst v63  }
0x1c: {  	_ =	swait.ge [sflag:s11], $0x300  }
0x1d: {  	[sflag:s11] =	ssyncset.done $0x0  }
0x1e: {  	[sflag:s11] =	ssyncadd.s32 $0xFFFFFD00  }
0x1f: {  	v3 =	vld [tilespmem:$0x0];
	_ =	sdelay $0x4  }
0x20: {  	v4 =	vshrl.u32 v3, $0x3  }
0x21: {  	v4 =	vmul.u32 $0x30, v4  }
0x22: {  	v3 =	vand.u32 $0x7, v3  }
0x23: {  	v3 =	vor.u32 v3, v4  }
0x24: {  	v4 =	vperm.xlane v3, v0;
	_ =	sdelay $0x1  }
0x25: {  	v4 =	vadd.s32 v1, v4;
	_ =	sdelay $0x3  }
0x26: {  	v3 =	vperm.xlane v3, v2  }
0x27: {  	[tilespmem:s15], [sflag:$0x1] =	stream.indirect_vreg.gather [hbm4b:s0+s6], $0x80, v4, vm0, $0xb8;
	[tilespmem:$0xCA00] =	vst v63  }
0x28: {  	s26 =	simm.s32 $0xC00;
	v3 =	vadd.s32 v1, v3  }
0x29: {  	[tilespmem:s26], [sflag:$0x1] =	stream.indirect_vreg.gather [hbm4b:s9+s6], $0x80, v4, vm0, $0xb8;
	[tilespmem:$0xCA00] =	vst v63  }
0x2a: {  	s29 =	simm.s32 $0x1400  }
0x2b: {  	[tilespmem:s29], [sflag:$0x1] =	stream.indirect_vreg.gather [hbm4b:s10+s6], $0x80, v4, vm0, $0xb8;
	[tilespmem:$0xCA00] =	vst v63  }
0x2c: {  	s11 =	simm.s32 $0x1C00  }
0x2d: {  	[tilespmem:s11], [sflag:$0x1] =	stream.indirect_vreg.gather [hbm4b:s0+s6], $0x80, v3, vm0, $0xb8;
	[tilespmem:$0xCA00] =	vst v63  }
0x2e: {  	s12 =	simm.s32 $0x2400  }
0x2f: {  	[tilespmem:s12], [sflag:$0x1] =	stream.indirect_vreg.gather [hbm4b:s9+s6], $0x80, v3, vm0, $0xb8;
	[tilespmem:$0xCA00] =	vst v63  }
0x30: {  	s21 =	simm.s32 $0x2C00  }
0x31: {  	[tilespmem:s21], [sflag:$0x1] =	stream.indirect_vreg.gather [hbm4b:s10+s6], $0x80, v3, vm0, $0xb8;
	[tilespmem:$0xCA00] =	vst v63  }
0x32: {  	v3 =	vld [tilespmem:$0x10];
	_ =	sdelay $0x4  }
0x33: {  	v63 =	vshrl.u32 v3, $0x3  }
0x34: {  	v4 =	vmul.u32 $0x30, v63  }
0x35: {  	v3 =	vand.u32 $0x7, v3  }
0x36: {  	v3 =	vor.u32 v3, v4  }
0x37: {  	v4 =	vperm.xlane v3, v0;
	_ =	sdelay $0x1  }
0x38: {  	v4 =	vadd.s32 v1, v4;
	_ =	sdelay $0x3  }
0x39: {  	s22 =	simm.s32 $0x3400;
	v3 =	vperm.xlane v3, v2  }
0x3a: {  	[tilespmem:s22], [sflag:$0x1] =	stream.indirect_vreg.gather [hbm4b:s0+s6], $0x80, v4, vm0, $0xb8;
	[tilespmem:$0xCA00] =	vst v63  }
0x3b: {  	s23 =	simm.s32 $0x3C00;
	v3 =	vadd.s32 v1, v3  }
0x3c: {  	[tilespmem:s23], [sflag:$0x1] =	stream.indirect_vreg.gather [hbm4b:s9+s6], $0x80, v4, vm0, $0xb8;
	[tilespmem:$0xCA00] =	vst v63  }
0x3d: {  	s24 =	simm.s32 $0x4400  }
0x3e: {  	[tilespmem:s24], [sflag:$0x1] =	stream.indirect_vreg.gather [hbm4b:s10+s6], $0x80, v4, vm0, $0xb8;
	[tilespmem:$0xCA00] =	vst v63  }
0x3f: {  	s25 =	simm.s32 $0x4C00  }
0x40: {  	[tilespmem:s25], [sflag:$0x1] =	stream.indirect_vreg.gather [hbm4b:s0+s6], $0x80, v3, vm0, $0xb8;
	[tilespmem:$0xCA00] =	vst v63  }
0x41: {  	s26 =	simm.s32 $0x5400  }
0x42: {  	[tilespmem:s26], [sflag:$0x1] =	stream.indirect_vreg.gather [hbm4b:s9+s6], $0x80, v3, vm0, $0xb8;
	[tilespmem:$0xCA00] =	vst v63  }
0x43: {  	s29 =	simm.s32 $0x5C00;
	s23 =	simm.s32 $0x0  }
0x44: {  	[tilespmem:s29], [sflag:$0x1] =	stream.indirect_vreg.gather [hbm4b:s10+s6], $0x80, v3, vm0, $0xb8;
	[tilespmem:$0xCA00] =	vst v63  }
.LBB2_2:
0x45: {  	p0 =	seq.s32 s23, $0x0  }
0x46: {  	s8 =	simm.s32 @!p0 $0x4  }
0x47: {  	_ =	swait.ge @!p0 [sflag:s8], $0x6000  }
0x48: {  	[sflag:s8] =	ssyncset.done @!p0 $0x0  }
0x49: {  	s25 =	sshll.u32 s23, $0x6;
	[sflag:s8] =	ssyncadd.s32 @!p0 $0xFFFFA000  }
0x4a: {  	v3 =	vld [tilespmem:s25+$0x20];
	_ =	sdelay $0x4  }
0x4b: {  	v4 =	vshrl.u32 v3, $0x3  }
0x4c: {  	v4 =	vmul.u32 $0x30, v4  }
0x4d: {  	v3 =	vand.u32 $0x7, v3  }
0x4e: {  	v3 =	vor.u32 v3, v4  }
0x4f: {  	v4 =	vperm.xlane v3, v0;
	_ =	sdelay $0x1  }
0x50: {  	v4 =	vadd.s32 v1, v4;
	_ =	sdelay $0x3  }
0x51: {  	s26 =	simm.s32 $0x0;
	v3 =	vperm.xlane v3, v2  }
0x52: {  	[tilespmem:s28], [sflag:$0x2] =	stream.indirect_vreg.gather [hbm4b:s0+s26], $0x80, v4, vm0, $0xb8;
	[tilespmem:$0xCA00] =	vst v63  }
0x53: {  	s29 =	simm.s32 $0x6C00;
	v3 =	vadd.s32 v1, v3  }
0x54: {  	[tilespmem:s29], [sflag:$0x2] =	stream.indirect_vreg.gather [hbm4b:s9+s26], $0x80, v4, vm0, $0xb8;
	[tilespmem:$0xCA00] =	vst v63  }
0x55: {  	_ = 	snop  }
0x56: {  	[tilespmem:s30], [sflag:$0x2] =	stream.indirect_vreg.gather [hbm4b:s10+s26], $0x80, v4, vm0, $0xb8;
	[tilespmem:$0xCA00] =	vst v63  }
0x57: {  	_ = 	snop  }
0x58: {  	[tilespmem:s31], [sflag:$0x2] =	stream.indirect_vreg.gather [hbm4b:s0+s26], $0x80, v3, vm0, $0xb8;
	[tilespmem:$0xCA00] =	vst v63  }
0x59: {  	_ = 	snop  }
0x5a: {  	[tilespmem:s1], [sflag:$0x2] =	stream.indirect_vreg.gather [hbm4b:s9+s26], $0x80, v3, vm0, $0xb8;
	[tilespmem:$0xCA00] =	vst v63  }
0x5b: {  	_ = 	snop  }
0x5c: {  	[tilespmem:s2], [sflag:$0x2] =	stream.indirect_vreg.gather [hbm4b:s10+s26], $0x80, v3, vm0, $0xb8;
	[tilespmem:$0xCA00] =	vst v63  }
0x5d: {  	v3 =	vld [tilespmem:s25+$0x30];
	_ =	sdelay $0x4  }
0x5e: {  	v63 =	vshrl.u32 v3, $0x3  }
0x5f: {  	v4 =	vmul.u32 $0x30, v63  }
0x60: {  	v3 =	vand.u32 $0x7, v3  }
0x61: {  	v3 =	vor.u32 v3, v4  }
0x62: {  	v4 =	vperm.xlane v3, v0;
	_ =	sdelay $0x1  }
0x63: {  	v4 =	vadd.s32 v1, v4;
	_ =	sdelay $0x3  }
0x64: {  	v3 =	vperm.xlane v3, v2  }
0x65: {  	[tilespmem:s3], [sflag:$0x2] =	stream.indirect_vreg.gather [hbm4b:s0+s26], $0x80, v4, vm0, $0xb8;
	[tilespmem:$0xCA00] =	vst v63  }
0x66: {  	v3 =	vadd.s32 v1, v3  }
0x67: {  	[tilespmem:s4], [sflag:$0x2] =	stream.indirect_vreg.gather [hbm4b:s9+s26], $0x80, v4, vm0, $0xb8;
	[tilespmem:$0xCA00] =	vst v63  }
0x68: {  	_ = 	snop  }
0x69: {  	[tilespmem:s13], [sflag:$0x2] =	stream.indirect_vreg.gather [hbm4b:s10+s26], $0x80, v4, vm0, $0xb8;
	[tilespmem:$0xCA00] =	vst v63  }
0x6a: {  	_ = 	snop  }
0x6b: {  	[tilespmem:s14], [sflag:$0x2] =	stream.indirect_vreg.gather [hbm4b:s0+s26], $0x80, v3, vm0, $0xb8;
	[tilespmem:$0xCA00] =	vst v63  }
0x6c: {  	_ = 	snop  }
0x6d: {  	[tilespmem:s16], [sflag:$0x2] =	stream.indirect_vreg.gather [hbm4b:s9+s26], $0x80, v3, vm0, $0xb8;
	[tilespmem:$0xCA00] =	vst v63  }
0x6e: {  	_ = 	snop  }
0x6f: {  	[tilespmem:s17], [sflag:$0x2] =	stream.indirect_vreg.gather [hbm4b:s10+s26], $0x80, v3, vm0, $0xb8;
	[tilespmem:$0xCA00] =	vst v63  }
0x70: {  	_ =	swait.ge [sflag:s18], $0x6000  }
0x71: {  	[sflag:s18] =	ssyncset.done $0x0  }
0x72: {  	s24 =	sor.u32 $0x20, s25;
	s8 =	simm.s32 $0x0;
	[sflag:s18] =	ssyncadd.s32 $0xFFFFA000  }
.LBB2_3:
0x73: {  	s11 =	sshrl.u32 s8, $0x3  }
0x74: {  	s11 =	smul.u32 $0x6000, s11;
	_ =	sdelay $0x1  }
0x75: {  	s21 =	sand.u32 $0x380, s26;
	s11 =	sshra.s32 s11, $0x2  }
0x76: {  	s11 =	sor.u32 s21, s11  }
0x77: {  	v19 =	vld [tilespmem:s11+$0x400]  }
0x78: {  	v18 =	vld [tilespmem:s11+$0x410];
	_ =	sdelay $0x1  }
0x79: {  	v17 =	vld [tilespmem:s11+$0x420];
	_ =	sdelay $0x1  }
0x7a: {  	v16 =	vld [tilespmem:s11+$0x430];
	v3 =	vadd.f32 $0.0e+00, v19  }
0x7b: {  	v4 =	vmul.f32 v19, v19;
	v5 =	vmul.f32 v18, v18  }
0x7c: {  	v15 =	vld [tilespmem:s11+$0x440];
	v3 =	vadd.f32 v18, v3  }
0x7d: {  	v52 =	vmul.f32 v17, v17;
	v4 =	vadd.f32 v5, v4  }
0x7e: {  	v14 =	vld [tilespmem:s11+$0x450];
	v3 =	vadd.f32 v17, v3  }
0x7f: {  	v53 =	vmul.f32 v16, v16;
	v4 =	vadd.f32 v52, v4  }
0x80: {  	v13 =	vld [tilespmem:s11+$0x460];
	v3 =	vadd.f32 v16, v3  }
0x81: {  	v54 =	vmul.f32 v15, v15;
	v4 =	vadd.f32 v53, v4  }
0x82: {  	v12 =	vld [tilespmem:s11+$0x470];
	v3 =	vadd.f32 v15, v3  }
0x83: {  	v55 =	vmul.f32 v14, v14;
	v4 =	vadd.f32 v54, v4  }
0x84: {  	v11 =	vld [tilespmem:s11+$0x800];
	v3 =	vadd.f32 v14, v3  }
0x85: {  	v56 =	vmul.f32 v13, v13;
	v4 =	vadd.f32 v55, v4  }
0x86: {  	v10 =	vld [tilespmem:s11+$0x810];
	v3 =	vadd.f32 v13, v3  }
0x87: {  	v57 =	vmul.f32 v12, v12;
	v4 =	vadd.f32 v56, v4  }
0x88: {  	v9 =	vld [tilespmem:s11+$0x820];
	v3 =	vadd.f32 v12, v3  }
0x89: {  	v58 =	vmul.f32 v11, v11;
	v4 =	vadd.f32 v57, v4  }
0x8a: {  	v8 =	vld [tilespmem:s11+$0x830];
	v3 =	vadd.f32 v11, v3  }
0x8b: {  	v59 =	vmul.f32 v10, v10;
	v4 =	vadd.f32 v58, v4  }
0x8c: {  	v7 =	vld [tilespmem:s11+$0x840];
	v3 =	vadd.f32 v10, v3  }
0x8d: {  	v60 =	vmul.f32 v9, v9;
	v4 =	vadd.f32 v59, v4  }
0x8e: {  	v6 =	vld [tilespmem:s11+$0x850];
	v3 =	vadd.f32 v9, v3  }
0x8f: {  	v20 =	vmul.f32 v8, v8;
	v4 =	vadd.f32 v60, v4  }
0x90: {  	v5 =	vld [tilespmem:s11+$0x860];
	v3 =	vadd.f32 v8, v3  }
0x91: {  	v21 =	vmul.f32 v7, v7;
	v20 =	vadd.f32 v20, v4  }
0x92: {  	v4 =	vld [tilespmem:s11+$0x870];
	v3 =	vadd.f32 v7, v3  }
0x93: {  	v61 =	vmul.f32 v6, v6;
	v20 =	vadd.f32 v21, v20  }
0x94: {  	v22 =	vld [tilespmem:s11+$0xC00];
	v3 =	vadd.f32 v6, v3  }
0x95: {  	v62 =	vmul.f32 v5, v5;
	v20 =	vadd.f32 v61, v20  }
0x96: {  	v23 =	vld [tilespmem:s11+$0xC10];
	v3 =	vadd.f32 v5, v3  }
0x97: {  	v63 =	vmul.f32 v4, v4;
	v20 =	vadd.f32 v62, v20  }
0x98: {  	v24 =	vld [tilespmem:s11+$0xC20];
	v3 =	vadd.f32 v4, v3  }
0x99: {  	v28 =	vmul.f32 v22, v22;
	v20 =	vadd.f32 v63, v20  }
0x9a: {  	v29 =	vld [tilespmem:s11+$0xC30];
	v3 =	vadd.f32 v22, v3  }
0x9b: {  	v30 =	vmul.f32 v23, v23;
	v20 =	vadd.f32 v28, v20  }
0x9c: {  	v31 =	vld [tilespmem:s11+$0xC40];
	v3 =	vadd.f32 v23, v3  }
0x9d: {  	v32 =	vmul.f32 v24, v24;
	v20 =	vadd.f32 v30, v20  }
0x9e: {  	v33 =	vld [tilespmem:s11+$0xC50];
	v3 =	vadd.f32 v24, v3  }
0x9f: {  	v34 =	vmul.f32 v29, v29;
	v20 =	vadd.f32 v32, v20  }
0xa0: {  	v35 =	vld [tilespmem:s11+$0xC60];
	v3 =	vadd.f32 v29, v3  }
0xa1: {  	v36 =	vmul.f32 v31, v31;
	v20 =	vadd.f32 v34, v20  }
0xa2: {  	v37 =	vld [tilespmem:s11+$0xC70];
	v3 =	vadd.f32 v31, v3  }
0xa3: {  	v38 =	vmul.f32 v33, v33;
	v20 =	vadd.f32 v36, v20  }
0xa4: {  	v39 =	vld [tilespmem:s11+$0x1000];
	v3 =	vadd.f32 v33, v3  }
0xa5: {  	v40 =	vmul.f32 v35, v35;
	v20 =	vadd.f32 v38, v20  }
0xa6: {  	v41 =	vld [tilespmem:s11+$0x1010];
	v3 =	vadd.f32 v35, v3  }
0xa7: {  	v42 =	vmul.f32 v37, v37;
	v20 =	vadd.f32 v40, v20  }
0xa8: {  	v43 =	vld [tilespmem:s11+$0x1020];
	v3 =	vadd.f32 v37, v3  }
0xa9: {  	v44 =	vmul.f32 v39, v39;
	v20 =	vadd.f32 v42, v20  }
0xaa: {  	v45 =	vld [tilespmem:s11+$0x1030];
	v3 =	vadd.f32 v39, v3  }
0xab: {  	v46 =	vmul.f32 v41, v41;
	v20 =	vadd.f32 v44, v20  }
0xac: {  	v47 =	vld [tilespmem:s11+$0x1040];
	v3 =	vadd.f32 v41, v3  }
0xad: {  	v48 =	vmul.f32 v43, v43;
	v20 =	vadd.f32 v46, v20  }
0xae: {  	v49 =	vld [tilespmem:s11+$0x1050];
	v3 =	vadd.f32 v43, v3  }
0xaf: {  	v50 =	vmul.f32 v45, v45;
	v20 =	vadd.f32 v48, v20  }
0xb0: {  	v51 =	vld [tilespmem:s11+$0x1060];
	v3 =	vadd.f32 v45, v3  }
0xb1: {  	v52 =	vmul.f32 v47, v47;
	v20 =	vadd.f32 v50, v20  }
0xb2: {  	v53 =	vld [tilespmem:s11+$0x1070];
	v3 =	vadd.f32 v47, v3  }
0xb3: {  	v54 =	vmul.f32 v49, v49;
	v20 =	vadd.f32 v52, v20  }
0xb4: {  	v55 =	vld [tilespmem:s11+$0x1400];
	v3 =	vadd.f32 v49, v3  }
0xb5: {  	v56 =	vmul.f32 v51, v51;
	v20 =	vadd.f32 v54, v20  }
0xb6: {  	v57 =	vld [tilespmem:s11+$0x1410];
	v3 =	vadd.f32 v51, v3  }
0xb7: {  	v58 =	vmul.f32 v53, v53;
	v20 =	vadd.f32 v56, v20  }
0xb8: {  	v59 =	vld [tilespmem:s11+$0x1420];
	v3 =	vadd.f32 v53, v3  }
0xb9: {  	v60 =	vmul.f32 v55, v55;
	v20 =	vadd.f32 v58, v20  }
0xba: {  	v61 =	vld [tilespmem:s11+$0x1430];
	v3 =	vadd.f32 v55, v3  }
0xbb: {  	v62 =	vmul.f32 v57, v57;
	v20 =	vadd.f32 v60, v20  }
0xbc: {  	v63 =	vld [tilespmem:s11+$0x1440];
	v3 =	vadd.f32 v57, v3  }
0xbd: {  	v28 =	vmul.f32 v59, v59;
	v20 =	vadd.f32 v62, v20  }
0xbe: {  	v29 =	vld [tilespmem:s11+$0x1450];
	v3 =	vadd.f32 v59, v3  }
0xbf: {  	v30 =	vmul.f32 v61, v61;
	v20 =	vadd.f32 v28, v20  }
0xc0: {  	v31 =	vld [tilespmem:s11+$0x1460];
	v3 =	vadd.f32 v61, v3  }
0xc1: {  	v32 =	vmul.f32 v63, v63;
	v20 =	vadd.f32 v30, v20  }
0xc2: {  	v33 =	vld [tilespmem:s11+$0x1470];
	v3 =	vadd.f32 v63, v3  }
0xc3: {  	v34 =	vmul.f32 v29, v29;
	v20 =	vadd.f32 v32, v20  }
0xc4: {  	v35 =	vld [tilespmem:s11+$0x1800];
	v3 =	vadd.f32 v29, v3  }
0xc5: {  	v36 =	vmul.f32 v31, v31;
	v20 =	vadd.f32 v34, v20  }
0xc6: {  	v37 =	vld [tilespmem:s11+$0x1810];
	v3 =	vadd.f32 v31, v3  }
0xc7: {  	v38 =	vmul.f32 v33, v33;
	v20 =	vadd.f32 v36, v20  }
0xc8: {  	v39 =	vld [tilespmem:s11+$0x1820];
	v3 =	vadd.f32 v33, v3  }
0xc9: {  	v40 =	vmul.f32 v35, v35;
	v20 =	vadd.f32 v38, v20  }
0xca: {  	v41 =	vld [tilespmem:s11+$0x1830];
	v3 =	vadd.f32 v35, v3  }
0xcb: {  	v42 =	vmul.f32 v37, v37;
	v20 =	vadd.f32 v40, v20  }
0xcc: {  	v43 =	vld [tilespmem:s11+$0x1840];
	v3 =	vadd.f32 v37, v3  }
0xcd: {  	v44 =	vmul.f32 v39, v39;
	v20 =	vadd.f32 v42, v20  }
0xce: {  	v45 =	vld [tilespmem:s11+$0x1850];
	v3 =	vadd.f32 v39, v3  }
0xcf: {  	v46 =	vmul.f32 v41, v41;
	v20 =	vadd.f32 v44, v20  }
0xd0: {  	v47 =	vld [tilespmem:s11+$0x1860];
	v3 =	vadd.f32 v41, v3  }
0xd1: {  	v48 =	vmul.f32 v43, v43;
	v20 =	vadd.f32 v46, v20  }
0xd2: {  	v49 =	vld [tilespmem:s11+$0x1870];
	v3 =	vadd.f32 v43, v3  }
0xd3: {  	v50 =	vmul.f32 v45, v45;
	v20 =	vadd.f32 v48, v20  }
0xd4: {  	v3 =	vadd.f32 v45, v3  }
0xd5: {  	v51 =	vmul.f32 v47, v47;
	v20 =	vadd.f32 v50, v20  }
0xd6: {  	v3 =	vadd.f32 v47, v3  }
0xd7: {  	v52 =	vmul.f32 v49, v49;
	v20 =	vadd.f32 v51, v20  }
0xd8: {  	v3 =	vadd.f32 v49, v3  }
0xd9: {  	v20 =	vadd.f32 v52, v20  }
0xda: {  	(xrf2) =	vadd.scan.msk.f32 $0xffff, v3  }
0xdb: {  	(xrf2) =	vadd.scan.msk.f32 $0xffff, v20;
	_ =	sdelay $0x8  }
0xdc: {  	v3, _, _ =	vpop (xrf2)  }
0xdd: {  	(v2sf) =	vpush v3, $0xF;
	v3, _, _ =	vpop (xrf2)  }
0xde: {  	(v2sf) =	vpush v3, $0xF;
	_ =	sdelay $0xd  }
0xdf: {  	s22 =	spop (v2sf)  }
0xe0: {  	s12 =	spop (v2sf);
	s22 =	smul.f32 $1.302083370e-03, s22  }
0xe1: {  	s12 =	smul.f32 $1.302083370e-03, s12  }
0xe2: {  	s21 =	smul.f32 s22, s22;
	_ =	sdelay $0x1  }
0xe3: {  	s12 =	ssub.f32 s12, s21;
	_ =	sdelay $0x1  }
0xe4: {  	s12 =	sadd.f32 $9.999999740e-06, s12;
	_ =	sdelay $0x1  }
0xe5: {  	s29 =	sshrl.u32 s12, $0x1;
	s12 =	smul.f32 $5.000000000e-01, s12  }
0xe6: {  	s21 =	ssub.s32 $0x5F3759DF, s29  }
0xe7: {  	s29 =	smul.f32 s21, s12;
	_ =	sdelay $0x1  }
0xe8: {  	s29 =	smul.f32 s21, s29;
	_ =	sdelay $0x1  }
0xe9: {  	s29 =	ssub.f32 $1.500000000e+00, s29;
	_ =	sdelay $0x1  }
0xea: {  	s21 =	smul.f32 s21, s29;
	_ =	sdelay $0x1  }
0xeb: {  	s29 =	smul.f32 s21, s12;
	_ =	sdelay $0x1  }
0xec: {  	s29 =	smul.f32 s29, s21;
	_ =	sdelay $0x1  }
0xed: {  	s29 =	ssub.f32 $1.500000000e+00, s29;
	_ =	sdelay $0x1  }
0xee: {  	s21 =	smul.f32 s29, s21;
	_ =	sdelay $0x1  }
0xef: {  	s12 =	smul.f32 s21, s12;
	_ =	sdelay $0x1  }
0xf0: {  	s12 =	smul.f32 s12, s21  }
0xf1: {  	v53 =	vld [tilespmem:$0xC400]  }
0xf2: {  	s12 =	ssub.f32 $1.500000000e+00, s12;
	_ =	sdelay $0x1  }
0xf3: {  	s21 =	smul.f32 s12, s21  }
0xf4: {  	v54 =	vld [tilespmem:$0xC700];
	v3 =	vmov s22  }
0xf5: {  	v19 =	vsub.f32 v19, v3;
	v20 =	vmul.f32 s21, v53;
	_ =	sdelay $0x1  }
0xf6: {  	v19 =	vmul.f32 v20, v19;
	_ =	sdelay $0x1  }
0xf7: {  	v19 =	vadd.f32 v19, v54;
	_ =	sdelay $0x1  }
0xf8: {  	[tilespmem:s11+$0x400] =	vst v19  }
0xf9: {  	v19 =	vld [tilespmem:$0xC410];
	_ =	sdelay $0x3  }
0xfa: {  	v55 =	vld [tilespmem:$0xC710]  }
0xfb: {  	v18 =	vsub.f32 v18, v3;
	v19 =	vmul.f32 s21, v19;
	_ =	sdelay $0x1  }
0xfc: {  	v18 =	vmul.f32 v19, v18;
	_ =	sdelay $0x1  }
0xfd: {  	v18 =	vadd.f32 v18, v55;
	_ =	sdelay $0x1  }
0xfe: {  	[tilespmem:s11+$0x410] =	vst v18  }
0xff: {  	v18 =	vld [tilespmem:$0xC420];
	_ =	sdelay $0x3  }
0x100: {  	v56 =	vld [tilespmem:$0xC720]  }
0x101: {  	v17 =	vsub.f32 v17, v3;
	v18 =	vmul.f32 s21, v18;
	_ =	sdelay $0x1  }
0x102: {  	v17 =	vmul.f32 v18, v17;
	_ =	sdelay $0x1  }
0x103: {  	v17 =	vadd.f32 v17, v56;
	_ =	sdelay $0x1  }
0x104: {  	[tilespmem:s11+$0x420] =	vst v17  }
0x105: {  	v17 =	vld [tilespmem:$0xC430];
	_ =	sdelay $0x3  }
0x106: {  	v57 =	vld [tilespmem:$0xC730]  }
0x107: {  	v16 =	vsub.f32 v16, v3;
	v17 =	vmul.f32 s21, v17;
	_ =	sdelay $0x1  }
0x108: {  	v16 =	vmul.f32 v17, v16;
	_ =	sdelay $0x1  }
0x109: {  	v16 =	vadd.f32 v16, v57;
	_ =	sdelay $0x1  }
0x10a: {  	[tilespmem:s11+$0x430] =	vst v16  }
0x10b: {  	v16 =	vld [tilespmem:$0xC440];
	_ =	sdelay $0x3  }
0x10c: {  	v58 =	vld [tilespmem:$0xC740]  }
0x10d: {  	v15 =	vsub.f32 v15, v3;
	v16 =	vmul.f32 s21, v16;
	_ =	sdelay $0x1  }
0x10e: {  	v15 =	vmul.f32 v16, v15;
	_ =	sdelay $0x1  }
0x10f: {  	v15 =	vadd.f32 v15, v58;
	_ =	sdelay $0x1  }
0x110: {  	[tilespmem:s11+$0x440] =	vst v15  }
0x111: {  	v15 =	vld [tilespmem:$0xC450];
	_ =	sdelay $0x3  }
0x112: {  	v59 =	vld [tilespmem:$0xC750]  }
0x113: {  	v14 =	vsub.f32 v14, v3;
	v15 =	vmul.f32 s21, v15;
	_ =	sdelay $0x1  }
0x114: {  	v14 =	vmul.f32 v15, v14;
	_ =	sdelay $0x1  }
0x115: {  	v14 =	vadd.f32 v14, v59;
	_ =	sdelay $0x1  }
0x116: {  	[tilespmem:s11+$0x450] =	vst v14  }
0x117: {  	v14 =	vld [tilespmem:$0xC460];
	_ =	sdelay $0x3  }
0x118: {  	v60 =	vld [tilespmem:$0xC760]  }
0x119: {  	v13 =	vsub.f32 v13, v3;
	v14 =	vmul.f32 s21, v14;
	_ =	sdelay $0x1  }
0x11a: {  	v13 =	vmul.f32 v14, v13;
	_ =	sdelay $0x1  }
0x11b: {  	v13 =	vadd.f32 v13, v60;
	_ =	sdelay $0x1  }
0x11c: {  	[tilespmem:s11+$0x460] =	vst v13  }
0x11d: {  	v13 =	vld [tilespmem:$0xC470];
	_ =	sdelay $0x3  }
0x11e: {  	v61 =	vld [tilespmem:$0xC770]  }
0x11f: {  	v12 =	vsub.f32 v12, v3;
	v13 =	vmul.f32 s21, v13;
	_ =	sdelay $0x1  }
0x120: {  	v12 =	vmul.f32 v13, v12;
	_ =	sdelay $0x1  }
0x121: {  	v12 =	vadd.f32 v12, v61;
	_ =	sdelay $0x1  }
0x122: {  	[tilespmem:s11+$0x470] =	vst v12  }
0x123: {  	v12 =	vld [tilespmem:$0xC480];
	_ =	sdelay $0x3  }
0x124: {  	v62 =	vld [tilespmem:$0xC780]  }
0x125: {  	v11 =	vsub.f32 v11, v3;
	v12 =	vmul.f32 s21, v12;
	_ =	sdelay $0x1  }
0x126: {  	v11 =	vmul.f32 v12, v11;
	_ =	sdelay $0x1  }
0x127: {  	v11 =	vadd.f32 v11, v62;
	_ =	sdelay $0x1  }
0x128: {  	[tilespmem:s11+$0x800] =	vst v11  }
0x129: {  	v11 =	vld [tilespmem:$0xC490];
	_ =	sdelay $0x3  }
0x12a: {  	v63 =	vld [tilespmem:$0xC790]  }
0x12b: {  	v10 =	vsub.f32 v10, v3;
	v11 =	vmul.f32 s21, v11;
	_ =	sdelay $0x1  }
0x12c: {  	v10 =	vmul.f32 v11, v10;
	_ =	sdelay $0x1  }
0x12d: {  	v10 =	vadd.f32 v10, v63;
	_ =	sdelay $0x1  }
0x12e: {  	[tilespmem:s11+$0x810] =	vst v10  }
0x12f: {  	v10 =	vld [tilespmem:$0xC4A0];
	_ =	sdelay $0x3  }
0x130: {  	v16 =	vld [tilespmem:$0xC7A0]  }
0x131: {  	v9 =	vsub.f32 v9, v3;
	v10 =	vmul.f32 s21, v10;
	_ =	sdelay $0x1  }
0x132: {  	v9 =	vmul.f32 v10, v9;
	_ =	sdelay $0x1  }
0x133: {  	v9 =	vadd.f32 v9, v16;
	_ =	sdelay $0x1  }
0x134: {  	[tilespmem:s11+$0x820] =	vst v9  }
0x135: {  	v9 =	vld [tilespmem:$0xC4B0];
	_ =	sdelay $0x3  }
0x136: {  	v17 =	vld [tilespmem:$0xC7B0]  }
0x137: {  	v8 =	vsub.f32 v8, v3;
	v9 =	vmul.f32 s21, v9;
	_ =	sdelay $0x1  }
0x138: {  	v8 =	vmul.f32 v9, v8;
	_ =	sdelay $0x1  }
0x139: {  	v8 =	vadd.f32 v8, v17;
	_ =	sdelay $0x1  }
0x13a: {  	[tilespmem:s11+$0x830] =	vst v8  }
0x13b: {  	v8 =	vld [tilespmem:$0xC4C0];
	_ =	sdelay $0x3  }
0x13c: {  	v18 =	vld [tilespmem:$0xC7C0]  }
0x13d: {  	v7 =	vsub.f32 v7, v3;
	v8 =	vmul.f32 s21, v8;
	_ =	sdelay $0x1  }
0x13e: {  	v7 =	vmul.f32 v8, v7;
	_ =	sdelay $0x1  }
0x13f: {  	v7 =	vadd.f32 v7, v18;
	_ =	sdelay $0x1  }
0x140: {  	[tilespmem:s11+$0x840] =	vst v7  }
0x141: {  	v7 =	vld [tilespmem:$0xC4D0];
	_ =	sdelay $0x3  }
0x142: {  	v19 =	vld [tilespmem:$0xC7D0]  }
0x143: {  	v6 =	vsub.f32 v6, v3;
	v7 =	vmul.f32 s21, v7;
	_ =	sdelay $0x1  }
0x144: {  	v6 =	vmul.f32 v7, v6;
	_ =	sdelay $0x1  }
0x145: {  	v6 =	vadd.f32 v6, v19;
	_ =	sdelay $0x1  }
0x146: {  	[tilespmem:s11+$0x850] =	vst v6  }
0x147: {  	v6 =	vld [tilespmem:$0xC4E0];
	_ =	sdelay $0x3  }
0x148: {  	v20 =	vld [tilespmem:$0xC7E0]  }
0x149: {  	v5 =	vsub.f32 v5, v3;
	v6 =	vmul.f32 s21, v6;
	_ =	sdelay $0x1  }
0x14a: {  	v5 =	vmul.f32 v6, v5;
	_ =	sdelay $0x1  }
0x14b: {  	v5 =	vadd.f32 v5, v20;
	_ =	sdelay $0x1  }
0x14c: {  	[tilespmem:s11+$0x860] =	vst v5  }
0x14d: {  	v5 =	vld [tilespmem:$0xC4F0];
	_ =	sdelay $0x3  }
0x14e: {  	v21 =	vld [tilespmem:$0xC7F0]  }
0x14f: {  	v4 =	vsub.f32 v4, v3;
	v5 =	vmul.f32 s21, v5;
	_ =	sdelay $0x1  }
0x150: {  	v4 =	vmul.f32 v5, v4;
	_ =	sdelay $0x1  }
0x151: {  	v4 =	vadd.f32 v4, v21;
	_ =	sdelay $0x1  }
0x152: {  	v22 =	vld [tilespmem:s11+$0xC00];
	[tilespmem:s11+$0x870] =	vst v4  }
0x153: {  	v23 =	vld [tilespmem:$0xC500];
	_ =	sdelay $0x3  }
0x154: {  	v24 =	vld [tilespmem:$0xC800]  }
0x155: {  	v4 =	vsub.f32 v22, v3;
	v5 =	vmul.f32 s21, v23;
	_ =	sdelay $0x1  }
0x156: {  	v4 =	vmul.f32 v5, v4;
	_ =	sdelay $0x1  }
0x157: {  	v4 =	vadd.f32 v4, v24;
	_ =	sdelay $0x1  }
0x158: {  	v25 =	vld [tilespmem:s11+$0xC10];
	[tilespmem:s11+$0xC00] =	vst v4  }
0x159: {  	v26 =	vld [tilespmem:$0xC510];
	_ =	sdelay $0x3  }
0x15a: {  	v27 =	vld [tilespmem:$0xC810]  }
0x15b: {  	v4 =	vsub.f32 v25, v3;
	v5 =	vmul.f32 s21, v26;
	_ =	sdelay $0x1  }
0x15c: {  	v4 =	vmul.f32 v5, v4;
	_ =	sdelay $0x1  }
0x15d: {  	v4 =	vadd.f32 v4, v27;
	_ =	sdelay $0x1  }
0x15e: {  	v28 =	vld [tilespmem:s11+$0xC20];
	[tilespmem:s11+$0xC10] =	vst v4  }
0x15f: {  	v29 =	vld [tilespmem:$0xC520];
	_ =	sdelay $0x3  }
0x160: {  	v30 =	vld [tilespmem:$0xC820]  }
0x161: {  	v4 =	vsub.f32 v28, v3;
	v5 =	vmul.f32 s21, v29;
	_ =	sdelay $0x1  }
0x162: {  	v4 =	vmul.f32 v5, v4;
	_ =	sdelay $0x1  }
0x163: {  	v4 =	vadd.f32 v4, v30;
	_ =	sdelay $0x1  }
0x164: {  	v31 =	vld [tilespmem:s11+$0xC30];
	[tilespmem:s11+$0xC20] =	vst v4  }
0x165: {  	v32 =	vld [tilespmem:$0xC530];
	_ =	sdelay $0x3  }
0x166: {  	v33 =	vld [tilespmem:$0xC830]  }
0x167: {  	v4 =	vsub.f32 v31, v3;
	v5 =	vmul.f32 s21, v32;
	_ =	sdelay $0x1  }
0x168: {  	v4 =	vmul.f32 v5, v4;
	_ =	sdelay $0x1  }
0x169: {  	v4 =	vadd.f32 v4, v33;
	_ =	sdelay $0x1  }
0x16a: {  	v34 =	vld [tilespmem:s11+$0xC40];
	[tilespmem:s11+$0xC30] =	vst v4  }
0x16b: {  	v35 =	vld [tilespmem:$0xC540];
	_ =	sdelay $0x3  }
0x16c: {  	v36 =	vld [tilespmem:$0xC840]  }
0x16d: {  	v4 =	vsub.f32 v34, v3;
	v5 =	vmul.f32 s21, v35;
	_ =	sdelay $0x1  }
0x16e: {  	v4 =	vmul.f32 v5, v4;
	_ =	sdelay $0x1  }
0x16f: {  	v4 =	vadd.f32 v4, v36;
	_ =	sdelay $0x1  }
0x170: {  	v37 =	vld [tilespmem:s11+$0xC50];
	[tilespmem:s11+$0xC40] =	vst v4  }
0x171: {  	v38 =	vld [tilespmem:$0xC550];
	_ =	sdelay $0x3  }
0x172: {  	v39 =	vld [tilespmem:$0xC850]  }
0x173: {  	v4 =	vsub.f32 v37, v3;
	v5 =	vmul.f32 s21, v38;
	_ =	sdelay $0x1  }
0x174: {  	v4 =	vmul.f32 v5, v4;
	_ =	sdelay $0x1  }
0x175: {  	v4 =	vadd.f32 v4, v39;
	_ =	sdelay $0x1  }
0x176: {  	v40 =	vld [tilespmem:s11+$0xC60];
	[tilespmem:s11+$0xC50] =	vst v4  }
0x177: {  	v41 =	vld [tilespmem:$0xC560];
	_ =	sdelay $0x3  }
0x178: {  	v42 =	vld [tilespmem:$0xC860]  }
0x179: {  	v4 =	vsub.f32 v40, v3;
	v5 =	vmul.f32 s21, v41;
	_ =	sdelay $0x1  }
0x17a: {  	v4 =	vmul.f32 v5, v4;
	_ =	sdelay $0x1  }
0x17b: {  	v4 =	vadd.f32 v4, v42;
	_ =	sdelay $0x1  }
0x17c: {  	v43 =	vld [tilespmem:s11+$0xC70];
	[tilespmem:s11+$0xC60] =	vst v4  }
0x17d: {  	v44 =	vld [tilespmem:$0xC570];
	_ =	sdelay $0x3  }
0x17e: {  	v45 =	vld [tilespmem:$0xC870]  }
0x17f: {  	v4 =	vsub.f32 v43, v3;
	v5 =	vmul.f32 s21, v44;
	_ =	sdelay $0x1  }
0x180: {  	v4 =	vmul.f32 v5, v4;
	_ =	sdelay $0x1  }
0x181: {  	v4 =	vadd.f32 v4, v45;
	_ =	sdelay $0x1  }
0x182: {  	v46 =	vld [tilespmem:s11+$0x1000];
	[tilespmem:s11+$0xC70] =	vst v4  }
0x183: {  	v47 =	vld [tilespmem:$0xC580];
	_ =	sdelay $0x3  }
0x184: {  	v48 =	vld [tilespmem:$0xC880]  }
0x185: {  	v4 =	vsub.f32 v46, v3;
	v5 =	vmul.f32 s21, v47;
	_ =	sdelay $0x1  }
0x186: {  	v4 =	vmul.f32 v5, v4;
	_ =	sdelay $0x1  }
0x187: {  	v4 =	vadd.f32 v4, v48;
	_ =	sdelay $0x1  }
0x188: {  	v49 =	vld [tilespmem:s11+$0x1010];
	[tilespmem:s11+$0x1000] =	vst v4  }
0x189: {  	v50 =	vld [tilespmem:$0xC590];
	_ =	sdelay $0x3  }
0x18a: {  	v51 =	vld [tilespmem:$0xC890]  }
0x18b: {  	v4 =	vsub.f32 v49, v3;
	v5 =	vmul.f32 s21, v50;
	_ =	sdelay $0x1  }
0x18c: {  	v4 =	vmul.f32 v5, v4;
	_ =	sdelay $0x1  }
0x18d: {  	v4 =	vadd.f32 v4, v51;
	_ =	sdelay $0x1  }
0x18e: {  	v52 =	vld [tilespmem:s11+$0x1020];
	[tilespmem:s11+$0x1010] =	vst v4  }
0x18f: {  	v53 =	vld [tilespmem:$0xC5A0];
	_ =	sdelay $0x3  }
0x190: {  	v54 =	vld [tilespmem:$0xC8A0]  }
0x191: {  	v4 =	vsub.f32 v52, v3;
	v5 =	vmul.f32 s21, v53;
	_ =	sdelay $0x1  }
0x192: {  	v4 =	vmul.f32 v5, v4;
	_ =	sdelay $0x1  }
0x193: {  	v4 =	vadd.f32 v4, v54;
	_ =	sdelay $0x1  }
0x194: {  	v55 =	vld [tilespmem:s11+$0x1030];
	[tilespmem:s11+$0x1020] =	vst v4  }
0x195: {  	v56 =	vld [tilespmem:$0xC5B0];
	_ =	sdelay $0x3  }
0x196: {  	v57 =	vld [tilespmem:$0xC8B0]  }
0x197: {  	v4 =	vsub.f32 v55, v3;
	v5 =	vmul.f32 s21, v56;
	_ =	sdelay $0x1  }
0x198: {  	v4 =	vmul.f32 v5, v4;
	_ =	sdelay $0x1  }
0x199: {  	v4 =	vadd.f32 v4, v57;
	_ =	sdelay $0x1  }
0x19a: {  	v58 =	vld [tilespmem:s11+$0x1040];
	[tilespmem:s11+$0x1030] =	vst v4  }
0x19b: {  	v59 =	vld [tilespmem:$0xC5C0];
	_ =	sdelay $0x3  }
0x19c: {  	v60 =	vld [tilespmem:$0xC8C0]  }
0x19d: {  	v4 =	vsub.f32 v58, v3;
	v5 =	vmul.f32 s21, v59;
	_ =	sdelay $0x1  }
0x19e: {  	v4 =	vmul.f32 v5, v4;
	_ =	sdelay $0x1  }
0x19f: {  	v4 =	vadd.f32 v4, v60;
	_ =	sdelay $0x1  }
0x1a0: {  	v61 =	vld [tilespmem:s11+$0x1050];
	[tilespmem:s11+$0x1040] =	vst v4  }
0x1a1: {  	v62 =	vld [tilespmem:$0xC5D0];
	_ =	sdelay $0x3  }
0x1a2: {  	v63 =	vld [tilespmem:$0xC8D0]  }
0x1a3: {  	v4 =	vsub.f32 v61, v3;
	v5 =	vmul.f32 s21, v62;
	_ =	sdelay $0x1  }
0x1a4: {  	v4 =	vmul.f32 v5, v4;
	_ =	sdelay $0x1  }
0x1a5: {  	v4 =	vadd.f32 v4, v63;
	_ =	sdelay $0x1  }
0x1a6: {  	v9 =	vld [tilespmem:s11+$0x1060];
	[tilespmem:s11+$0x1050] =	vst v4  }
0x1a7: {  	v10 =	vld [tilespmem:$0xC5E0];
	_ =	sdelay $0x3  }
0x1a8: {  	v11 =	vld [tilespmem:$0xC8E0]  }
0x1a9: {  	v4 =	vsub.f32 v9, v3;
	v5 =	vmul.f32 s21, v10;
	_ =	sdelay $0x1  }
0x1aa: {  	v4 =	vmul.f32 v5, v4;
	_ =	sdelay $0x1  }
0x1ab: {  	v4 =	vadd.f32 v4, v11;
	_ =	sdelay $0x1  }
0x1ac: {  	v12 =	vld [tilespmem:s11+$0x1070];
	[tilespmem:s11+$0x1060] =	vst v4  }
0x1ad: {  	v13 =	vld [tilespmem:$0xC5F0];
	_ =	sdelay $0x3  }
0x1ae: {  	v14 =	vld [tilespmem:$0xC8F0]  }
0x1af: {  	v4 =	vsub.f32 v12, v3;
	v5 =	vmul.f32 s21, v13;
	_ =	sdelay $0x1  }
0x1b0: {  	v4 =	vmul.f32 v5, v4;
	_ =	sdelay $0x1  }
0x1b1: {  	v4 =	vadd.f32 v4, v14;
	_ =	sdelay $0x1  }
0x1b2: {  	v15 =	vld [tilespmem:s11+$0x1400];
	[tilespmem:s11+$0x1070] =	vst v4  }
0x1b3: {  	v16 =	vld [tilespmem:$0xC600];
	_ =	sdelay $0x3  }
0x1b4: {  	v17 =	vld [tilespmem:$0xC900]  }
0x1b5: {  	v4 =	vsub.f32 v15, v3;
	v5 =	vmul.f32 s21, v16;
	_ =	sdelay $0x1  }
0x1b6: {  	v4 =	vmul.f32 v5, v4;
	_ =	sdelay $0x1  }
0x1b7: {  	v4 =	vadd.f32 v4, v17;
	_ =	sdelay $0x1  }
0x1b8: {  	v18 =	vld [tilespmem:s11+$0x1410];
	[tilespmem:s11+$0x1400] =	vst v4  }
0x1b9: {  	v19 =	vld [tilespmem:$0xC610];
	_ =	sdelay $0x3  }
0x1ba: {  	v20 =	vld [tilespmem:$0xC910]  }
0x1bb: {  	v4 =	vsub.f32 v18, v3;
	v5 =	vmul.f32 s21, v19;
	_ =	sdelay $0x1  }
0x1bc: {  	v4 =	vmul.f32 v5, v4;
	_ =	sdelay $0x1  }
0x1bd: {  	v4 =	vadd.f32 v4, v20;
	_ =	sdelay $0x1  }
0x1be: {  	v21 =	vld [tilespmem:s11+$0x1420];
	[tilespmem:s11+$0x1410] =	vst v4  }
0x1bf: {  	v22 =	vld [tilespmem:$0xC620];
	_ =	sdelay $0x3  }
0x1c0: {  	v23 =	vld [tilespmem:$0xC920]  }
0x1c1: {  	v4 =	vsub.f32 v21, v3;
	v5 =	vmul.f32 s21, v22;
	_ =	sdelay $0x1  }
0x1c2: {  	v4 =	vmul.f32 v5, v4;
	_ =	sdelay $0x1  }
0x1c3: {  	v4 =	vadd.f32 v4, v23;
	_ =	sdelay $0x1  }
0x1c4: {  	v24 =	vld [tilespmem:s11+$0x1430];
	[tilespmem:s11+$0x1420] =	vst v4  }
0x1c5: {  	v25 =	vld [tilespmem:$0xC630];
	_ =	sdelay $0x3  }
0x1c6: {  	v26 =	vld [tilespmem:$0xC930]  }
0x1c7: {  	v4 =	vsub.f32 v24, v3;
	v5 =	vmul.f32 s21, v25;
	_ =	sdelay $0x1  }
0x1c8: {  	v4 =	vmul.f32 v5, v4;
	_ =	sdelay $0x1  }
0x1c9: {  	v4 =	vadd.f32 v4, v26;
	_ =	sdelay $0x1  }
0x1ca: {  	v27 =	vld [tilespmem:s11+$0x1440];
	[tilespmem:s11+$0x1430] =	vst v4  }
0x1cb: {  	v28 =	vld [tilespmem:$0xC640];
	_ =	sdelay $0x3  }
0x1cc: {  	v29 =	vld [tilespmem:$0xC940]  }
0x1cd: {  	v4 =	vsub.f32 v27, v3;
	v5 =	vmul.f32 s21, v28;
	_ =	sdelay $0x1  }
0x1ce: {  	v4 =	vmul.f32 v5, v4;
	_ =	sdelay $0x1  }
0x1cf: {  	v4 =	vadd.f32 v4, v29;
	_ =	sdelay $0x1  }
0x1d0: {  	v30 =	vld [tilespmem:s11+$0x1450];
	[tilespmem:s11+$0x1440] =	vst v4  }
0x1d1: {  	v31 =	vld [tilespmem:$0xC650];
	_ =	sdelay $0x3  }
0x1d2: {  	v32 =	vld [tilespmem:$0xC950]  }
0x1d3: {  	v4 =	vsub.f32 v30, v3;
	v5 =	vmul.f32 s21, v31;
	_ =	sdelay $0x1  }
0x1d4: {  	v4 =	vmul.f32 v5, v4;
	_ =	sdelay $0x1  }
0x1d5: {  	v4 =	vadd.f32 v4, v32;
	_ =	sdelay $0x1  }
0x1d6: {  	v33 =	vld [tilespmem:s11+$0x1460];
	[tilespmem:s11+$0x1450] =	vst v4  }
0x1d7: {  	v34 =	vld [tilespmem:$0xC660];
	_ =	sdelay $0x3  }
0x1d8: {  	v35 =	vld [tilespmem:$0xC960]  }
0x1d9: {  	v4 =	vsub.f32 v33, v3;
	v5 =	vmul.f32 s21, v34;
	_ =	sdelay $0x1  }
0x1da: {  	v4 =	vmul.f32 v5, v4;
	_ =	sdelay $0x1  }
0x1db: {  	v4 =	vadd.f32 v4, v35;
	_ =	sdelay $0x1  }
0x1dc: {  	v36 =	vld [tilespmem:s11+$0x1470];
	[tilespmem:s11+$0x1460] =	vst v4  }
0x1dd: {  	v37 =	vld [tilespmem:$0xC670];
	_ =	sdelay $0x3  }
0x1de: {  	v38 =	vld [tilespmem:$0xC970]  }
0x1df: {  	v4 =	vsub.f32 v36, v3;
	v5 =	vmul.f32 s21, v37;
	_ =	sdelay $0x1  }
0x1e0: {  	v4 =	vmul.f32 v5, v4;
	_ =	sdelay $0x1  }
0x1e1: {  	v4 =	vadd.f32 v4, v38;
	_ =	sdelay $0x1  }
0x1e2: {  	v39 =	vld [tilespmem:s11+$0x1800];
	[tilespmem:s11+$0x1470] =	vst v4  }
0x1e3: {  	v40 =	vld [tilespmem:$0xC680];
	_ =	sdelay $0x3  }
0x1e4: {  	v41 =	vld [tilespmem:$0xC980]  }
0x1e5: {  	v4 =	vsub.f32 v39, v3;
	v5 =	vmul.f32 s21, v40;
	_ =	sdelay $0x1  }
0x1e6: {  	v4 =	vmul.f32 v5, v4;
	_ =	sdelay $0x1  }
0x1e7: {  	v4 =	vadd.f32 v4, v41;
	_ =	sdelay $0x1  }
0x1e8: {  	v42 =	vld [tilespmem:s11+$0x1810];
	[tilespmem:s11+$0x1800] =	vst v4  }
0x1e9: {  	v43 =	vld [tilespmem:$0xC690];
	_ =	sdelay $0x3  }
0x1ea: {  	v44 =	vld [tilespmem:$0xC990]  }
0x1eb: {  	v4 =	vsub.f32 v42, v3;
	v5 =	vmul.f32 s21, v43;
	_ =	sdelay $0x1  }
0x1ec: {  	v4 =	vmul.f32 v5, v4;
	_ =	sdelay $0x1  }
0x1ed: {  	v4 =	vadd.f32 v4, v44;
	_ =	sdelay $0x1  }
0x1ee: {  	v45 =	vld [tilespmem:s11+$0x1820];
	[tilespmem:s11+$0x1810] =	vst v4  }
0x1ef: {  	v46 =	vld [tilespmem:$0xC6A0];
	_ =	sdelay $0x3  }
0x1f0: {  	v47 =	vld [tilespmem:$0xC9A0]  }
0x1f1: {  	v4 =	vsub.f32 v45, v3;
	v5 =	vmul.f32 s21, v46;
	_ =	sdelay $0x1  }
0x1f2: {  	v4 =	vmul.f32 v5, v4;
	_ =	sdelay $0x1  }
0x1f3: {  	v4 =	vadd.f32 v4, v47;
	_ =	sdelay $0x1  }
0x1f4: {  	v48 =	vld [tilespmem:s11+$0x1830];
	[tilespmem:s11+$0x1820] =	vst v4  }
0x1f5: {  	v49 =	vld [tilespmem:$0xC6B0];
	_ =	sdelay $0x3  }
0x1f6: {  	v50 =	vld [tilespmem:$0xC9B0]  }
0x1f7: {  	v4 =	vsub.f32 v48, v3;
	v5 =	vmul.f32 s21, v49;
	_ =	sdelay $0x1  }
0x1f8: {  	v4 =	vmul.f32 v5, v4;
	_ =	sdelay $0x1  }
0x1f9: {  	v4 =	vadd.f32 v4, v50;
	_ =	sdelay $0x1  }
0x1fa: {  	v51 =	vld [tilespmem:s11+$0x1840];
	[tilespmem:s11+$0x1830] =	vst v4  }
0x1fb: {  	v52 =	vld [tilespmem:$0xC6C0];
	_ =	sdelay $0x3  }
0x1fc: {  	v53 =	vld [tilespmem:$0xC9C0]  }
0x1fd: {  	v4 =	vsub.f32 v51, v3;
	v5 =	vmul.f32 s21, v52;
	_ =	sdelay $0x1  }
0x1fe: {  	v4 =	vmul.f32 v5, v4;
	_ =	sdelay $0x1  }
0x1ff: {  	v4 =	vadd.f32 v4, v53;
	_ =	sdelay $0x1  }
0x200: {  	v54 =	vld [tilespmem:s11+$0x1850];
	[tilespmem:s11+$0x1840] =	vst v4  }
0x201: {  	v55 =	vld [tilespmem:$0xC6D0];
	_ =	sdelay $0x3  }
0x202: {  	v56 =	vld [tilespmem:$0xC9D0]  }
0x203: {  	v4 =	vsub.f32 v54, v3;
	v5 =	vmul.f32 s21, v55;
	_ =	sdelay $0x1  }
0x204: {  	v4 =	vmul.f32 v5, v4;
	_ =	sdelay $0x1  }
0x205: {  	v4 =	vadd.f32 v4, v56;
	_ =	sdelay $0x1  }
0x206: {  	v57 =	vld [tilespmem:s11+$0x1860];
	[tilespmem:s11+$0x1850] =	vst v4  }
0x207: {  	v58 =	vld [tilespmem:$0xC6E0];
	_ =	sdelay $0x3  }
0x208: {  	v59 =	vld [tilespmem:$0xC9E0]  }
0x209: {  	v4 =	vsub.f32 v57, v3;
	v5 =	vmul.f32 s21, v58;
	_ =	sdelay $0x1  }
0x20a: {  	v4 =	vmul.f32 v5, v4;
	_ =	sdelay $0x1  }
0x20b: {  	v4 =	vadd.f32 v4, v59;
	_ =	sdelay $0x1  }
0x20c: {  	v60 =	vld [tilespmem:s11+$0x1870];
	[tilespmem:s11+$0x1860] =	vst v4  }
0x20d: {  	v61 =	vld [tilespmem:$0xC6F0];
	_ =	sdelay $0x3  }
0x20e: {  	v62 =	vld [tilespmem:$0xC9F0]  }
0x20f: {  	v3 =	vsub.f32 v60, v3;
	v63 =	vmul.f32 s21, v61  }
0x210: {  	p0 =	sne.s32 s8, $0x1F  }
.Ltmp0:
0x211: {  	v3 =	vmul.f32 v63, v3;
	(pc) =	sbr.rel @p0 .LBB2_3-.Ltmp0, $3  }
0x212: {  	_ = 	snop  }
0x213: {  	v3 =	vadd.f32 v3, v62;
	_ =	sdelay $0x1  }
0x214: {  	s26 =	sadd.s32 $0x80, s26;
	s8 =	sadd.s32 $0x1, s8;
	[tilespmem:s11+$0x1870] =	vst v3  }
0x215: {  	s8 =	sor.u32 s7, s25  }
0x216: {  	s8 =	sshrl.u32 s8, $0x3  }
0x217: {  	s8 =	smul.u32 $0x300, s8;
	_ =	sdelay $0x1  }
0x218: {  	s8 =	sadd.s32 s5, s8  }
0x219: {  	[hbm4b:s8+s6] =	stream.linear.scatter [tilespmem:s15], [sflag:$0x3], $0x6000, $0x38;
	[tilespmem:$0xCA00] =	vst v63  }
0x21a: {  	p0 =	seq.s32 s23, $0xF;
	_ =	swait.ge [sflag:s19], $0x6000  }
0x21b: {  	s8 =	sshll.u32 @!p0 s23, $0x6;
	[sflag:s19] =	ssyncset.done $0x0  }
0x21c: {  	s8 =	sand.u32 @!p0 $0x3FFFFFC0, s8;
	[sflag:s19] =	ssyncadd.s32 $0xFFFFA000  }
0x21d: {  	v3 =	vld @!p0 [tilespmem:s8+$0x40];
	_ =	sdelay $0x4  }
0x21e: {  	v4 =	vshrl.u32 @!p0 v3, $0x3  }
0x21f: {  	v4 =	vmul.u32 @!p0 $0x30, v4  }
0x220: {  	v5 =	vlaneseq.u32 @!p0;
	v3 =	vand.u32 @!p0 $0x7, v3  }
0x221: {  	v6 =	vshrl.u32 @!p0 v5, $0x3;
	v3 =	vor.u32 @!p0 v3, v4;
	v4 =	vand.u32 @!p0 $0x7, v5  }
0x222: {  	v6 =	vmul.u32 @!p0 $0x8, v6;
	v7 =	vperm.xlane @!p0 v3, v4;
	_ =	sdelay $0x1  }
0x223: {  	v7 =	vadd.s32 @!p0 v6, v7;
	_ =	sdelay $0x2  }
0x224: {  	v5 =	vor.u32 @!p0 $0x8, v5  }
0x225: {  	vm1 =	vmmov @!p0 $0xffff;
	s11 =	simm.s32 @!p0 $0x0;
	s12 =	simm.s32 @!p0 $0x400;
	v3 =	vperm.xlane @!p0 v3, v5  }
0x226: {  	[tilespmem:s12], [sflag:$0x1] =	stream.indirect_vreg.gather @!p0 [hbm4b:s0+s11], $0x80, v7, vm1, $0xb8;
	[tilespmem:$0xCA00] =	vst v63  }
0x227: {  	v3 =	vadd.s32 @!p0 v6, v3;
	s12 =	simm.s32 @!p0 $0xC00  }
0x228: {  	[tilespmem:s12], [sflag:$0x1] =	stream.indirect_vreg.gather @!p0 [hbm4b:s9+s11], $0x80, v7, vm1, $0xb8;
	[tilespmem:$0xCA00] =	vst v63  }
0x229: {  	s12 =	simm.s32 @!p0 $0x1400  }
0x22a: {  	[tilespmem:s12], [sflag:$0x1] =	stream.indirect_vreg.gather @!p0 [hbm4b:s10+s11], $0x80, v7, vm1, $0xb8;
	[tilespmem:$0xCA00] =	vst v63  }
0x22b: {  	s12 =	simm.s32 @!p0 $0x1C00  }
0x22c: {  	[tilespmem:s12], [sflag:$0x1] =	stream.indirect_vreg.gather @!p0 [hbm4b:s0+s11], $0x80, v3, vm1, $0xb8;
	[tilespmem:$0xCA00] =	vst v63  }
0x22d: {  	s12 =	simm.s32 @!p0 $0x2400  }
0x22e: {  	[tilespmem:s12], [sflag:$0x1] =	stream.indirect_vreg.gather @!p0 [hbm4b:s9+s11], $0x80, v3, vm1, $0xb8;
	[tilespmem:$0xCA00] =	vst v63  }
0x22f: {  	s12 =	simm.s32 @!p0 $0x2C00  }
0x230: {  	[tilespmem:s12], [sflag:$0x1] =	stream.indirect_vreg.gather @!p0 [hbm4b:s10+s11], $0x80, v3, vm1, $0xb8;
	[tilespmem:$0xCA00] =	vst v63  }
0x231: {  	v3 =	vld @!p0 [tilespmem:s8+$0x50];
	_ =	sdelay $0x4  }
0x232: {  	v7 =	vshrl.u32 @!p0 v3, $0x3  }
0x233: {  	v7 =	vmul.u32 @!p0 $0x30, v7  }
0x234: {  	v3 =	vand.u32 @!p0 $0x7, v3  }
0x235: {  	v3 =	vor.u32 @!p0 v3, v7  }
0x236: {  	v4 =	vperm.xlane @!p0 v3, v4;
	_ =	sdelay $0x1  }
0x237: {  	v4 =	vadd.s32 @!p0 v6, v4;
	_ =	sdelay $0x3  }
0x238: {  	s8 =	simm.s32 @!p0 $0x3400;
	v3 =	vperm.xlane @!p0 v3, v5  }
0x239: {  	[tilespmem:s8], [sflag:$0x1] =	stream.indirect_vreg.gather @!p0 [hbm4b:s0+s11], $0x80, v4, vm1, $0xb8;
	[tilespmem:$0xCA00] =	vst v63  }
0x23a: {  	v3 =	vadd.s32 @!p0 v6, v3;
	s8 =	simm.s32 @!p0 $0x3C00  }
0x23b: {  	[tilespmem:s8], [sflag:$0x1] =	stream.indirect_vreg.gather @!p0 [hbm4b:s9+s11], $0x80, v4, vm1, $0xb8;
	[tilespmem:$0xCA00] =	vst v63  }
0x23c: {  	s8 =	simm.s32 @!p0 $0x4400  }
0x23d: {  	[tilespmem:s8], [sflag:$0x1] =	stream.indirect_vreg.gather @!p0 [hbm4b:s10+s11], $0x80, v4, vm1, $0xb8;
	[tilespmem:$0xCA00] =	vst v63  }
0x23e: {  	s8 =	simm.s32 @!p0 $0x4C00  }
0x23f: {  	[tilespmem:s8], [sflag:$0x1] =	stream.indirect_vreg.gather @!p0 [hbm4b:s0+s11], $0x80, v3, vm1, $0xb8;
	[tilespmem:$0xCA00] =	vst v63  }
0x240: {  	s8 =	simm.s32 @!p0 $0x5400  }
0x241: {  	[tilespmem:s8], [sflag:$0x1] =	stream.indirect_vreg.gather @!p0 [hbm4b:s9+s11], $0x80, v3, vm1, $0xb8;
	[tilespmem:$0xCA00] =	vst v63  }
0x242: {  	s8 =	simm.s32 @!p0 $0x5C00  }
0x243: {  	[tilespmem:s8], [sflag:$0x1] =	stream.indirect_vreg.gather @!p0 [hbm4b:s10+s11], $0x80, v3, vm1, $0xb8;
	[tilespmem:$0xCA00] =	vst v63  }
0x244: {  	_ =	swait.ge [sflag:s20], $0x6000  }
0x245: {  	[sflag:s20] =	ssyncset.done $0x0  }
0x246: {  	s25 =	simm.s32 $0x0;
	s8 =	simm.s32 $0x0;
	[sflag:s20] =	ssyncadd.s32 $0xFFFFA000  }
.LBB2_5:
0x247: {  	s11 =	sshrl.u32 s8, $0x3  }
0x248: {  	s11 =	smul.u32 $0x6000, s11;
	_ =	sdelay $0x1  }
0x249: {  	s12 =	sand.u32 $0x380, s25;
	s11 =	sshra.s32 s11, $0x2  }
0x24a: {  	s11 =	sor.u32 s12, s11  }
0x24b: {  	v19 =	vld [tilespmem:s11+$0x6400]  }
0x24c: {  	v18 =	vld [tilespmem:s11+$0x6410];
	_ =	sdelay $0x1  }
0x24d: {  	v17 =	vld [tilespmem:s11+$0x6420];
	_ =	sdelay $0x1  }
0x24e: {  	v16 =	vld [tilespmem:s11+$0x6430];
	v3 =	vadd.f32 $0.0e+00, v19  }
0x24f: {  	v4 =	vmul.f32 v19, v19;
	v5 =	vmul.f32 v18, v18  }
0x250: {  	v15 =	vld [tilespmem:s11+$0x6440];
	v3 =	vadd.f32 v18, v3  }
0x251: {  	v52 =	vmul.f32 v17, v17;
	v4 =	vadd.f32 v5, v4  }
0x252: {  	v14 =	vld [tilespmem:s11+$0x6450];
	v3 =	vadd.f32 v17, v3  }
0x253: {  	v53 =	vmul.f32 v16, v16;
	v4 =	vadd.f32 v52, v4  }
0x254: {  	v13 =	vld [tilespmem:s11+$0x6460];
	v3 =	vadd.f32 v16, v3  }
0x255: {  	v54 =	vmul.f32 v15, v15;
	v4 =	vadd.f32 v53, v4  }
0x256: {  	v12 =	vld [tilespmem:s11+$0x6470];
	v3 =	vadd.f32 v15, v3  }
0x257: {  	v55 =	vmul.f32 v14, v14;
	v4 =	vadd.f32 v54, v4  }
0x258: {  	v11 =	vld [tilespmem:s11+$0x6800];
	v3 =	vadd.f32 v14, v3  }
0x259: {  	v56 =	vmul.f32 v13, v13;
	v4 =	vadd.f32 v55, v4  }
0x25a: {  	v10 =	vld [tilespmem:s11+$0x6810];
	v3 =	vadd.f32 v13, v3  }
0x25b: {  	v57 =	vmul.f32 v12, v12;
	v4 =	vadd.f32 v56, v4  }
0x25c: {  	v9 =	vld [tilespmem:s11+$0x6820];
	v3 =	vadd.f32 v12, v3  }
0x25d: {  	v58 =	vmul.f32 v11, v11;
	v4 =	vadd.f32 v57, v4  }
0x25e: {  	v8 =	vld [tilespmem:s11+$0x6830];
	v3 =	vadd.f32 v11, v3  }
0x25f: {  	v59 =	vmul.f32 v10, v10;
	v4 =	vadd.f32 v58, v4  }
0x260: {  	v7 =	vld [tilespmem:s11+$0x6840];
	v3 =	vadd.f32 v10, v3  }
0x261: {  	v60 =	vmul.f32 v9, v9;
	v4 =	vadd.f32 v59, v4  }
0x262: {  	v6 =	vld [tilespmem:s11+$0x6850];
	v3 =	vadd.f32 v9, v3  }
0x263: {  	v20 =	vmul.f32 v8, v8;
	v4 =	vadd.f32 v60, v4  }
0x264: {  	v5 =	vld [tilespmem:s11+$0x6860];
	v3 =	vadd.f32 v8, v3  }
0x265: {  	v21 =	vmul.f32 v7, v7;
	v20 =	vadd.f32 v20, v4  }
0x266: {  	v4 =	vld [tilespmem:s11+$0x6870];
	v3 =	vadd.f32 v7, v3  }
0x267: {  	v61 =	vmul.f32 v6, v6;
	v20 =	vadd.f32 v21, v20  }
0x268: {  	v22 =	vld [tilespmem:s11+$0x6C00];
	v3 =	vadd.f32 v6, v3  }
0x269: {  	v62 =	vmul.f32 v5, v5;
	v20 =	vadd.f32 v61, v20  }
0x26a: {  	v23 =	vld [tilespmem:s11+$0x6C10];
	v3 =	vadd.f32 v5, v3  }
0x26b: {  	v63 =	vmul.f32 v4, v4;
	v20 =	vadd.f32 v62, v20  }
0x26c: {  	v24 =	vld [tilespmem:s11+$0x6C20];
	v3 =	vadd.f32 v4, v3  }
0x26d: {  	v28 =	vmul.f32 v22, v22;
	v20 =	vadd.f32 v63, v20  }
0x26e: {  	v29 =	vld [tilespmem:s11+$0x6C30];
	v3 =	vadd.f32 v22, v3  }
0x26f: {  	v30 =	vmul.f32 v23, v23;
	v20 =	vadd.f32 v28, v20  }
0x270: {  	v31 =	vld [tilespmem:s11+$0x6C40];
	v3 =	vadd.f32 v23, v3  }
0x271: {  	v32 =	vmul.f32 v24, v24;
	v20 =	vadd.f32 v30, v20  }
0x272: {  	v33 =	vld [tilespmem:s11+$0x6C50];
	v3 =	vadd.f32 v24, v3  }
0x273: {  	v34 =	vmul.f32 v29, v29;
	v20 =	vadd.f32 v32, v20  }
0x274: {  	v35 =	vld [tilespmem:s11+$0x6C60];
	v3 =	vadd.f32 v29, v3  }
0x275: {  	v36 =	vmul.f32 v31, v31;
	v20 =	vadd.f32 v34, v20  }
0x276: {  	v37 =	vld [tilespmem:s11+$0x6C70];
	v3 =	vadd.f32 v31, v3  }
0x277: {  	v38 =	vmul.f32 v33, v33;
	v20 =	vadd.f32 v36, v20  }
0x278: {  	v39 =	vld [tilespmem:s11+$0x7000];
	v3 =	vadd.f32 v33, v3  }
0x279: {  	v40 =	vmul.f32 v35, v35;
	v20 =	vadd.f32 v38, v20  }
0x27a: {  	v41 =	vld [tilespmem:s11+$0x7010];
	v3 =	vadd.f32 v35, v3  }
0x27b: {  	v42 =	vmul.f32 v37, v37;
	v20 =	vadd.f32 v40, v20  }
0x27c: {  	v43 =	vld [tilespmem:s11+$0x7020];
	v3 =	vadd.f32 v37, v3  }
0x27d: {  	v44 =	vmul.f32 v39, v39;
	v20 =	vadd.f32 v42, v20  }
0x27e: {  	v45 =	vld [tilespmem:s11+$0x7030];
	v3 =	vadd.f32 v39, v3  }
0x27f: {  	v46 =	vmul.f32 v41, v41;
	v20 =	vadd.f32 v44, v20  }
0x280: {  	v47 =	vld [tilespmem:s11+$0x7040];
	v3 =	vadd.f32 v41, v3  }
0x281: {  	v48 =	vmul.f32 v43, v43;
	v20 =	vadd.f32 v46, v20  }
0x282: {  	v49 =	vld [tilespmem:s11+$0x7050];
	v3 =	vadd.f32 v43, v3  }
0x283: {  	v50 =	vmul.f32 v45, v45;
	v20 =	vadd.f32 v48, v20  }
0x284: {  	v51 =	vld [tilespmem:s11+$0x7060];
	v3 =	vadd.f32 v45, v3  }
0x285: {  	v52 =	vmul.f32 v47, v47;
	v20 =	vadd.f32 v50, v20  }
0x286: {  	v53 =	vld [tilespmem:s11+$0x7070];
	v3 =	vadd.f32 v47, v3  }
0x287: {  	v54 =	vmul.f32 v49, v49;
	v20 =	vadd.f32 v52, v20  }
0x288: {  	v55 =	vld [tilespmem:s11+$0x7400];
	v3 =	vadd.f32 v49, v3  }
0x289: {  	v56 =	vmul.f32 v51, v51;
	v20 =	vadd.f32 v54, v20  }
0x28a: {  	v57 =	vld [tilespmem:s11+$0x7410];
	v3 =	vadd.f32 v51, v3  }
0x28b: {  	v58 =	vmul.f32 v53, v53;
	v20 =	vadd.f32 v56, v20  }
0x28c: {  	v59 =	vld [tilespmem:s11+$0x7420];
	v3 =	vadd.f32 v53, v3  }
0x28d: {  	v60 =	vmul.f32 v55, v55;
	v20 =	vadd.f32 v58, v20  }
0x28e: {  	v61 =	vld [tilespmem:s11+$0x7430];
	v3 =	vadd.f32 v55, v3  }
0x28f: {  	v62 =	vmul.f32 v57, v57;
	v20 =	vadd.f32 v60, v20  }
0x290: {  	v63 =	vld [tilespmem:s11+$0x7440];
	v3 =	vadd.f32 v57, v3  }
0x291: {  	v28 =	vmul.f32 v59, v59;
	v20 =	vadd.f32 v62, v20  }
0x292: {  	v29 =	vld [tilespmem:s11+$0x7450];
	v3 =	vadd.f32 v59, v3  }
0x293: {  	v30 =	vmul.f32 v61, v61;
	v20 =	vadd.f32 v28, v20  }
0x294: {  	v31 =	vld [tilespmem:s11+$0x7460];
	v3 =	vadd.f32 v61, v3  }
0x295: {  	v32 =	vmul.f32 v63, v63;
	v20 =	vadd.f32 v30, v20  }
0x296: {  	v33 =	vld [tilespmem:s11+$0x7470];
	v3 =	vadd.f32 v63, v3  }
0x297: {  	v34 =	vmul.f32 v29, v29;
	v20 =	vadd.f32 v32, v20  }
0x298: {  	v35 =	vld [tilespmem:s11+$0x7800];
	v3 =	vadd.f32 v29, v3  }
0x299: {  	v36 =	vmul.f32 v31, v31;
	v20 =	vadd.f32 v34, v20  }
0x29a: {  	v37 =	vld [tilespmem:s11+$0x7810];
	v3 =	vadd.f32 v31, v3  }
0x29b: {  	v38 =	vmul.f32 v33, v33;
	v20 =	vadd.f32 v36, v20  }
0x29c: {  	v39 =	vld [tilespmem:s11+$0x7820];
	v3 =	vadd.f32 v33, v3  }
0x29d: {  	v40 =	vmul.f32 v35, v35;
	v20 =	vadd.f32 v38, v20  }
0x29e: {  	v41 =	vld [tilespmem:s11+$0x7830];
	v3 =	vadd.f32 v35, v3  }
0x29f: {  	v42 =	vmul.f32 v37, v37;
	v20 =	vadd.f32 v40, v20  }
0x2a0: {  	v43 =	vld [tilespmem:s11+$0x7840];
	v3 =	vadd.f32 v37, v3  }
0x2a1: {  	v44 =	vmul.f32 v39, v39;
	v20 =	vadd.f32 v42, v20  }
0x2a2: {  	v45 =	vld [tilespmem:s11+$0x7850];
	v3 =	vadd.f32 v39, v3  }
0x2a3: {  	v46 =	vmul.f32 v41, v41;
	v20 =	vadd.f32 v44, v20  }
0x2a4: {  	v47 =	vld [tilespmem:s11+$0x7860];
	v3 =	vadd.f32 v41, v3  }
0x2a5: {  	v48 =	vmul.f32 v43, v43;
	v20 =	vadd.f32 v46, v20  }
0x2a6: {  	v49 =	vld [tilespmem:s11+$0x7870];
	v3 =	vadd.f32 v43, v3  }
0x2a7: {  	v50 =	vmul.f32 v45, v45;
	v20 =	vadd.f32 v48, v20  }
0x2a8: {  	v3 =	vadd.f32 v45, v3  }
0x2a9: {  	v51 =	vmul.f32 v47, v47;
	v20 =	vadd.f32 v50, v20  }
0x2aa: {  	v3 =	vadd.f32 v47, v3  }
0x2ab: {  	v52 =	vmul.f32 v49, v49;
	v20 =	vadd.f32 v51, v20  }
0x2ac: {  	v3 =	vadd.f32 v49, v3  }
0x2ad: {  	v20 =	vadd.f32 v52, v20  }
0x2ae: {  	(xrf2) =	vadd.scan.msk.f32 $0xffff, v3  }
0x2af: {  	(xrf2) =	vadd.scan.msk.f32 $0xffff, v20;
	_ =	sdelay $0x8  }
0x2b0: {  	v3, _, _ =	vpop (xrf2)  }
0x2b1: {  	(v2sf) =	vpush v3, $0xF;
	v3, _, _ =	vpop (xrf2)  }
0x2b2: {  	(v2sf) =	vpush v3, $0xF;
	_ =	sdelay $0xd  }
0x2b3: {  	s26 =	spop (v2sf)  }
0x2b4: {  	s21 =	spop (v2sf);
	s12 =	smul.f32 $1.302083370e-03, s26  }
0x2b5: {  	s21 =	smul.f32 $1.302083370e-03, s21  }
0x2b6: {  	s22 =	smul.f32 s12, s12;
	_ =	sdelay $0x1  }
0x2b7: {  	s21 =	ssub.f32 s21, s22;
	_ =	sdelay $0x1  }
0x2b8: {  	s21 =	sadd.f32 $9.999999740e-06, s21;
	_ =	sdelay $0x1  }
0x2b9: {  	s29 =	sshrl.u32 s21, $0x1;
	s21 =	smul.f32 $5.000000000e-01, s21  }
0x2ba: {  	s22 =	ssub.s32 $0x5F3759DF, s29  }
0x2bb: {  	s26 =	smul.f32 s22, s21;
	_ =	sdelay $0x1  }
0x2bc: {  	s26 =	smul.f32 s22, s26;
	_ =	sdelay $0x1  }
0x2bd: {  	s26 =	ssub.f32 $1.500000000e+00, s26;
	_ =	sdelay $0x1  }
0x2be: {  	s22 =	smul.f32 s22, s26;
	_ =	sdelay $0x1  }
0x2bf: {  	s26 =	smul.f32 s22, s21;
	_ =	sdelay $0x1  }
0x2c0: {  	s26 =	smul.f32 s26, s22;
	_ =	sdelay $0x1  }
0x2c1: {  	s26 =	ssub.f32 $1.500000000e+00, s26;
	_ =	sdelay $0x1  }
0x2c2: {  	s22 =	smul.f32 s26, s22;
	_ =	sdelay $0x1  }
0x2c3: {  	s21 =	smul.f32 s22, s21;
	_ =	sdelay $0x1  }
0x2c4: {  	s21 =	smul.f32 s21, s22  }
0x2c5: {  	v53 =	vld [tilespmem:$0xC400]  }
0x2c6: {  	s21 =	ssub.f32 $1.500000000e+00, s21;
	_ =	sdelay $0x1  }
0x2c7: {  	s21 =	smul.f32 s21, s22  }
0x2c8: {  	v54 =	vld [tilespmem:$0xC700];
	v3 =	vmov s12  }
0x2c9: {  	v19 =	vsub.f32 v19, v3;
	v20 =	vmul.f32 s21, v53;
	_ =	sdelay $0x1  }
0x2ca: {  	v19 =	vmul.f32 v20, v19;
	_ =	sdelay $0x1  }
0x2cb: {  	v19 =	vadd.f32 v19, v54;
	_ =	sdelay $0x1  }
0x2cc: {  	[tilespmem:s11+$0x6400] =	vst v19  }
0x2cd: {  	v19 =	vld [tilespmem:$0xC410];
	_ =	sdelay $0x3  }
0x2ce: {  	v55 =	vld [tilespmem:$0xC710]  }
0x2cf: {  	v18 =	vsub.f32 v18, v3;
	v19 =	vmul.f32 s21, v19;
	_ =	sdelay $0x1  }
0x2d0: {  	v18 =	vmul.f32 v19, v18;
	_ =	sdelay $0x1  }
0x2d1: {  	v18 =	vadd.f32 v18, v55;
	_ =	sdelay $0x1  }
0x2d2: {  	[tilespmem:s11+$0x6410] =	vst v18  }
0x2d3: {  	v18 =	vld [tilespmem:$0xC420];
	_ =	sdelay $0x3  }
0x2d4: {  	v56 =	vld [tilespmem:$0xC720]  }
0x2d5: {  	v17 =	vsub.f32 v17, v3;
	v18 =	vmul.f32 s21, v18;
	_ =	sdelay $0x1  }
0x2d6: {  	v17 =	vmul.f32 v18, v17;
	_ =	sdelay $0x1  }
0x2d7: {  	v17 =	vadd.f32 v17, v56;
	_ =	sdelay $0x1  }
0x2d8: {  	[tilespmem:s11+$0x6420] =	vst v17  }
0x2d9: {  	v17 =	vld [tilespmem:$0xC430];
	_ =	sdelay $0x3  }
0x2da: {  	v57 =	vld [tilespmem:$0xC730]  }
0x2db: {  	v16 =	vsub.f32 v16, v3;
	v17 =	vmul.f32 s21, v17;
	_ =	sdelay $0x1  }
0x2dc: {  	v16 =	vmul.f32 v17, v16;
	_ =	sdelay $0x1  }
0x2dd: {  	v16 =	vadd.f32 v16, v57;
	_ =	sdelay $0x1  }
0x2de: {  	[tilespmem:s11+$0x6430] =	vst v16  }
0x2df: {  	v16 =	vld [tilespmem:$0xC440];
	_ =	sdelay $0x3  }
0x2e0: {  	v58 =	vld [tilespmem:$0xC740]  }
0x2e1: {  	v15 =	vsub.f32 v15, v3;
	v16 =	vmul.f32 s21, v16;
	_ =	sdelay $0x1  }
0x2e2: {  	v15 =	vmul.f32 v16, v15;
	_ =	sdelay $0x1  }
0x2e3: {  	v15 =	vadd.f32 v15, v58;
	_ =	sdelay $0x1  }
0x2e4: {  	[tilespmem:s11+$0x6440] =	vst v15  }
0x2e5: {  	v15 =	vld [tilespmem:$0xC450];
	_ =	sdelay $0x3  }
0x2e6: {  	v59 =	vld [tilespmem:$0xC750]  }
0x2e7: {  	v14 =	vsub.f32 v14, v3;
	v15 =	vmul.f32 s21, v15;
	_ =	sdelay $0x1  }
0x2e8: {  	v14 =	vmul.f32 v15, v14;
	_ =	sdelay $0x1  }
0x2e9: {  	v14 =	vadd.f32 v14, v59;
	_ =	sdelay $0x1  }
0x2ea: {  	[tilespmem:s11+$0x6450] =	vst v14  }
0x2eb: {  	v14 =	vld [tilespmem:$0xC460];
	_ =	sdelay $0x3  }
0x2ec: {  	v60 =	vld [tilespmem:$0xC760]  }
0x2ed: {  	v13 =	vsub.f32 v13, v3;
	v14 =	vmul.f32 s21, v14;
	_ =	sdelay $0x1  }
0x2ee: {  	v13 =	vmul.f32 v14, v13;
	_ =	sdelay $0x1  }
0x2ef: {  	v13 =	vadd.f32 v13, v60;
	_ =	sdelay $0x1  }
0x2f0: {  	[tilespmem:s11+$0x6460] =	vst v13  }
0x2f1: {  	v13 =	vld [tilespmem:$0xC470];
	_ =	sdelay $0x3  }
0x2f2: {  	v61 =	vld [tilespmem:$0xC770]  }
0x2f3: {  	v12 =	vsub.f32 v12, v3;
	v13 =	vmul.f32 s21, v13;
	_ =	sdelay $0x1  }
0x2f4: {  	v12 =	vmul.f32 v13, v12;
	_ =	sdelay $0x1  }
0x2f5: {  	v12 =	vadd.f32 v12, v61;
	_ =	sdelay $0x1  }
0x2f6: {  	[tilespmem:s11+$0x6470] =	vst v12  }
0x2f7: {  	v12 =	vld [tilespmem:$0xC480];
	_ =	sdelay $0x3  }
0x2f8: {  	v62 =	vld [tilespmem:$0xC780]  }
0x2f9: {  	v11 =	vsub.f32 v11, v3;
	v12 =	vmul.f32 s21, v12;
	_ =	sdelay $0x1  }
0x2fa: {  	v11 =	vmul.f32 v12, v11;
	_ =	sdelay $0x1  }
0x2fb: {  	v11 =	vadd.f32 v11, v62;
	_ =	sdelay $0x1  }
0x2fc: {  	[tilespmem:s11+$0x6800] =	vst v11  }
0x2fd: {  	v11 =	vld [tilespmem:$0xC490];
	_ =	sdelay $0x3  }
0x2fe: {  	v63 =	vld [tilespmem:$0xC790]  }
0x2ff: {  	v10 =	vsub.f32 v10, v3;
	v11 =	vmul.f32 s21, v11;
	_ =	sdelay $0x1  }
0x300: {  	v10 =	vmul.f32 v11, v10;
	_ =	sdelay $0x1  }
0x301: {  	v10 =	vadd.f32 v10, v63;
	_ =	sdelay $0x1  }
0x302: {  	[tilespmem:s11+$0x6810] =	vst v10  }
0x303: {  	v10 =	vld [tilespmem:$0xC4A0];
	_ =	sdelay $0x3  }
0x304: {  	v16 =	vld [tilespmem:$0xC7A0]  }
0x305: {  	v9 =	vsub.f32 v9, v3;
	v10 =	vmul.f32 s21, v10;
	_ =	sdelay $0x1  }
0x306: {  	v9 =	vmul.f32 v10, v9;
	_ =	sdelay $0x1  }
0x307: {  	v9 =	vadd.f32 v9, v16;
	_ =	sdelay $0x1  }
0x308: {  	[tilespmem:s11+$0x6820] =	vst v9  }
0x309: {  	v9 =	vld [tilespmem:$0xC4B0];
	_ =	sdelay $0x3  }
0x30a: {  	v17 =	vld [tilespmem:$0xC7B0]  }
0x30b: {  	v8 =	vsub.f32 v8, v3;
	v9 =	vmul.f32 s21, v9;
	_ =	sdelay $0x1  }
0x30c: {  	v8 =	vmul.f32 v9, v8;
	_ =	sdelay $0x1  }
0x30d: {  	v8 =	vadd.f32 v8, v17;
	_ =	sdelay $0x1  }
0x30e: {  	[tilespmem:s11+$0x6830] =	vst v8  }
0x30f: {  	v8 =	vld [tilespmem:$0xC4C0];
	_ =	sdelay $0x3  }
0x310: {  	v18 =	vld [tilespmem:$0xC7C0]  }
0x311: {  	v7 =	vsub.f32 v7, v3;
	v8 =	vmul.f32 s21, v8;
	_ =	sdelay $0x1  }
0x312: {  	v7 =	vmul.f32 v8, v7;
	_ =	sdelay $0x1  }
0x313: {  	v7 =	vadd.f32 v7, v18;
	_ =	sdelay $0x1  }
0x314: {  	[tilespmem:s11+$0x6840] =	vst v7  }
0x315: {  	v7 =	vld [tilespmem:$0xC4D0];
	_ =	sdelay $0x3  }
0x316: {  	v19 =	vld [tilespmem:$0xC7D0]  }
0x317: {  	v6 =	vsub.f32 v6, v3;
	v7 =	vmul.f32 s21, v7;
	_ =	sdelay $0x1  }
0x318: {  	v6 =	vmul.f32 v7, v6;
	_ =	sdelay $0x1  }
0x319: {  	v6 =	vadd.f32 v6, v19;
	_ =	sdelay $0x1  }
0x31a: {  	[tilespmem:s11+$0x6850] =	vst v6  }
0x31b: {  	v6 =	vld [tilespmem:$0xC4E0];
	_ =	sdelay $0x3  }
0x31c: {  	v20 =	vld [tilespmem:$0xC7E0]  }
0x31d: {  	v5 =	vsub.f32 v5, v3;
	v6 =	vmul.f32 s21, v6;
	_ =	sdelay $0x1  }
0x31e: {  	v5 =	vmul.f32 v6, v5;
	_ =	sdelay $0x1  }
0x31f: {  	v5 =	vadd.f32 v5, v20;
	_ =	sdelay $0x1  }
0x320: {  	[tilespmem:s11+$0x6860] =	vst v5  }
0x321: {  	v5 =	vld [tilespmem:$0xC4F0];
	_ =	sdelay $0x3  }
0x322: {  	v21 =	vld [tilespmem:$0xC7F0]  }
0x323: {  	v4 =	vsub.f32 v4, v3;
	v5 =	vmul.f32 s21, v5;
	_ =	sdelay $0x1  }
0x324: {  	v4 =	vmul.f32 v5, v4;
	_ =	sdelay $0x1  }
0x325: {  	v4 =	vadd.f32 v4, v21;
	_ =	sdelay $0x1  }
0x326: {  	v22 =	vld [tilespmem:s11+$0x6C00];
	[tilespmem:s11+$0x6870] =	vst v4  }
0x327: {  	v23 =	vld [tilespmem:$0xC500];
	_ =	sdelay $0x3  }
0x328: {  	v24 =	vld [tilespmem:$0xC800]  }
0x329: {  	v4 =	vsub.f32 v22, v3;
	v5 =	vmul.f32 s21, v23;
	_ =	sdelay $0x1  }
0x32a: {  	v4 =	vmul.f32 v5, v4;
	_ =	sdelay $0x1  }
0x32b: {  	v4 =	vadd.f32 v4, v24;
	_ =	sdelay $0x1  }
0x32c: {  	v25 =	vld [tilespmem:s11+$0x6C10];
	[tilespmem:s11+$0x6C00] =	vst v4  }
0x32d: {  	v26 =	vld [tilespmem:$0xC510];
	_ =	sdelay $0x3  }
0x32e: {  	v27 =	vld [tilespmem:$0xC810]  }
0x32f: {  	v4 =	vsub.f32 v25, v3;
	v5 =	vmul.f32 s21, v26;
	_ =	sdelay $0x1  }
0x330: {  	v4 =	vmul.f32 v5, v4;
	_ =	sdelay $0x1  }
0x331: {  	v4 =	vadd.f32 v4, v27;
	_ =	sdelay $0x1  }
0x332: {  	v28 =	vld [tilespmem:s11+$0x6C20];
	[tilespmem:s11+$0x6C10] =	vst v4  }
0x333: {  	v29 =	vld [tilespmem:$0xC520];
	_ =	sdelay $0x3  }
0x334: {  	v30 =	vld [tilespmem:$0xC820]  }
0x335: {  	v4 =	vsub.f32 v28, v3;
	v5 =	vmul.f32 s21, v29;
	_ =	sdelay $0x1  }
0x336: {  	v4 =	vmul.f32 v5, v4;
	_ =	sdelay $0x1  }
0x337: {  	v4 =	vadd.f32 v4, v30;
	_ =	sdelay $0x1  }
0x338: {  	v31 =	vld [tilespmem:s11+$0x6C30];
	[tilespmem:s11+$0x6C20] =	vst v4  }
0x339: {  	v32 =	vld [tilespmem:$0xC530];
	_ =	sdelay $0x3  }
0x33a: {  	v33 =	vld [tilespmem:$0xC830]  }
0x33b: {  	v4 =	vsub.f32 v31, v3;
	v5 =	vmul.f32 s21, v32;
	_ =	sdelay $0x1  }
0x33c: {  	v4 =	vmul.f32 v5, v4;
	_ =	sdelay $0x1  }
0x33d: {  	v4 =	vadd.f32 v4, v33;
	_ =	sdelay $0x1  }
0x33e: {  	v34 =	vld [tilespmem:s11+$0x6C40];
	[tilespmem:s11+$0x6C30] =	vst v4  }
0x33f: {  	v35 =	vld [tilespmem:$0xC540];
	_ =	sdelay $0x3  }
0x340: {  	v36 =	vld [tilespmem:$0xC840]  }
0x341: {  	v4 =	vsub.f32 v34, v3;
	v5 =	vmul.f32 s21, v35;
	_ =	sdelay $0x1  }
0x342: {  	v4 =	vmul.f32 v5, v4;
	_ =	sdelay $0x1  }
0x343: {  	v4 =	vadd.f32 v4, v36;
	_ =	sdelay $0x1  }
0x344: {  	v37 =	vld [tilespmem:s11+$0x6C50];
	[tilespmem:s11+$0x6C40] =	vst v4  }
0x345: {  	v38 =	vld [tilespmem:$0xC550];
	_ =	sdelay $0x3  }
0x346: {  	v39 =	vld [tilespmem:$0xC850]  }
0x347: {  	v4 =	vsub.f32 v37, v3;
	v5 =	vmul.f32 s21, v38;
	_ =	sdelay $0x1  }
0x348: {  	v4 =	vmul.f32 v5, v4;
	_ =	sdelay $0x1  }
0x349: {  	v4 =	vadd.f32 v4, v39;
	_ =	sdelay $0x1  }
0x34a: {  	v40 =	vld [tilespmem:s11+$0x6C60];
	[tilespmem:s11+$0x6C50] =	vst v4  }
0x34b: {  	v41 =	vld [tilespmem:$0xC560];
	_ =	sdelay $0x3  }
0x34c: {  	v42 =	vld [tilespmem:$0xC860]  }
0x34d: {  	v4 =	vsub.f32 v40, v3;
	v5 =	vmul.f32 s21, v41;
	_ =	sdelay $0x1  }
0x34e: {  	v4 =	vmul.f32 v5, v4;
	_ =	sdelay $0x1  }
0x34f: {  	v4 =	vadd.f32 v4, v42;
	_ =	sdelay $0x1  }
0x350: {  	v43 =	vld [tilespmem:s11+$0x6C70];
	[tilespmem:s11+$0x6C60] =	vst v4  }
0x351: {  	v44 =	vld [tilespmem:$0xC570];
	_ =	sdelay $0x3  }
0x352: {  	v45 =	vld [tilespmem:$0xC870]  }
0x353: {  	v4 =	vsub.f32 v43, v3;
	v5 =	vmul.f32 s21, v44;
	_ =	sdelay $0x1  }
0x354: {  	v4 =	vmul.f32 v5, v4;
	_ =	sdelay $0x1  }
0x355: {  	v4 =	vadd.f32 v4, v45;
	_ =	sdelay $0x1  }
0x356: {  	v46 =	vld [tilespmem:s11+$0x7000];
	[tilespmem:s11+$0x6C70] =	vst v4  }
0x357: {  	v47 =	vld [tilespmem:$0xC580];
	_ =	sdelay $0x3  }
0x358: {  	v48 =	vld [tilespmem:$0xC880]  }
0x359: {  	v4 =	vsub.f32 v46, v3;
	v5 =	vmul.f32 s21, v47;
	_ =	sdelay $0x1  }
0x35a: {  	v4 =	vmul.f32 v5, v4;
	_ =	sdelay $0x1  }
0x35b: {  	v4 =	vadd.f32 v4, v48;
	_ =	sdelay $0x1  }
0x35c: {  	v49 =	vld [tilespmem:s11+$0x7010];
	[tilespmem:s11+$0x7000] =	vst v4  }
0x35d: {  	v50 =	vld [tilespmem:$0xC590];
	_ =	sdelay $0x3  }
0x35e: {  	v51 =	vld [tilespmem:$0xC890]  }
0x35f: {  	v4 =	vsub.f32 v49, v3;
	v5 =	vmul.f32 s21, v50;
	_ =	sdelay $0x1  }
0x360: {  	v4 =	vmul.f32 v5, v4;
	_ =	sdelay $0x1  }
0x361: {  	v4 =	vadd.f32 v4, v51;
	_ =	sdelay $0x1  }
0x362: {  	v52 =	vld [tilespmem:s11+$0x7020];
	[tilespmem:s11+$0x7010] =	vst v4  }
0x363: {  	v53 =	vld [tilespmem:$0xC5A0];
	_ =	sdelay $0x3  }
0x364: {  	v54 =	vld [tilespmem:$0xC8A0]  }
0x365: {  	v4 =	vsub.f32 v52, v3;
	v5 =	vmul.f32 s21, v53;
	_ =	sdelay $0x1  }
0x366: {  	v4 =	vmul.f32 v5, v4;
	_ =	sdelay $0x1  }
0x367: {  	v4 =	vadd.f32 v4, v54;
	_ =	sdelay $0x1  }
0x368: {  	v55 =	vld [tilespmem:s11+$0x7030];
	[tilespmem:s11+$0x7020] =	vst v4  }
0x369: {  	v56 =	vld [tilespmem:$0xC5B0];
	_ =	sdelay $0x3  }
0x36a: {  	v57 =	vld [tilespmem:$0xC8B0]  }
0x36b: {  	v4 =	vsub.f32 v55, v3;
	v5 =	vmul.f32 s21, v56;
	_ =	sdelay $0x1  }
0x36c: {  	v4 =	vmul.f32 v5, v4;
	_ =	sdelay $0x1  }
0x36d: {  	v4 =	vadd.f32 v4, v57;
	_ =	sdelay $0x1  }
0x36e: {  	v58 =	vld [tilespmem:s11+$0x7040];
	[tilespmem:s11+$0x7030] =	vst v4  }
0x36f: {  	v59 =	vld [tilespmem:$0xC5C0];
	_ =	sdelay $0x3  }
0x370: {  	v60 =	vld [tilespmem:$0xC8C0]  }
0x371: {  	v4 =	vsub.f32 v58, v3;
	v5 =	vmul.f32 s21, v59;
	_ =	sdelay $0x1  }
0x372: {  	v4 =	vmul.f32 v5, v4;
	_ =	sdelay $0x1  }
0x373: {  	v4 =	vadd.f32 v4, v60;
	_ =	sdelay $0x1  }
0x374: {  	v61 =	vld [tilespmem:s11+$0x7050];
	[tilespmem:s11+$0x7040] =	vst v4  }
0x375: {  	v62 =	vld [tilespmem:$0xC5D0];
	_ =	sdelay $0x3  }
0x376: {  	v63 =	vld [tilespmem:$0xC8D0]  }
0x377: {  	v4 =	vsub.f32 v61, v3;
	v5 =	vmul.f32 s21, v62;
	_ =	sdelay $0x1  }
0x378: {  	v4 =	vmul.f32 v5, v4;
	_ =	sdelay $0x1  }
0x379: {  	v4 =	vadd.f32 v4, v63;
	_ =	sdelay $0x1  }
0x37a: {  	v9 =	vld [tilespmem:s11+$0x7060];
	[tilespmem:s11+$0x7050] =	vst v4  }
0x37b: {  	v10 =	vld [tilespmem:$0xC5E0];
	_ =	sdelay $0x3  }
0x37c: {  	v11 =	vld [tilespmem:$0xC8E0]  }
0x37d: {  	v4 =	vsub.f32 v9, v3;
	v5 =	vmul.f32 s21, v10;
	_ =	sdelay $0x1  }
0x37e: {  	v4 =	vmul.f32 v5, v4;
	_ =	sdelay $0x1  }
0x37f: {  	v4 =	vadd.f32 v4, v11;
	_ =	sdelay $0x1  }
0x380: {  	v12 =	vld [tilespmem:s11+$0x7070];
	[tilespmem:s11+$0x7060] =	vst v4  }
0x381: {  	v13 =	vld [tilespmem:$0xC5F0];
	_ =	sdelay $0x3  }
0x382: {  	v14 =	vld [tilespmem:$0xC8F0]  }
0x383: {  	v4 =	vsub.f32 v12, v3;
	v5 =	vmul.f32 s21, v13;
	_ =	sdelay $0x1  }
0x384: {  	v4 =	vmul.f32 v5, v4;
	_ =	sdelay $0x1  }
0x385: {  	v4 =	vadd.f32 v4, v14;
	_ =	sdelay $0x1  }
0x386: {  	v15 =	vld [tilespmem:s11+$0x7400];
	[tilespmem:s11+$0x7070] =	vst v4  }
0x387: {  	v16 =	vld [tilespmem:$0xC600];
	_ =	sdelay $0x3  }
0x388: {  	v17 =	vld [tilespmem:$0xC900]  }
0x389: {  	v4 =	vsub.f32 v15, v3;
	v5 =	vmul.f32 s21, v16;
	_ =	sdelay $0x1  }
0x38a: {  	v4 =	vmul.f32 v5, v4;
	_ =	sdelay $0x1  }
0x38b: {  	v4 =	vadd.f32 v4, v17;
	_ =	sdelay $0x1  }
0x38c: {  	v18 =	vld [tilespmem:s11+$0x7410];
	[tilespmem:s11+$0x7400] =	vst v4  }
0x38d: {  	v19 =	vld [tilespmem:$0xC610];
	_ =	sdelay $0x3  }
0x38e: {  	v20 =	vld [tilespmem:$0xC910]  }
0x38f: {  	v4 =	vsub.f32 v18, v3;
	v5 =	vmul.f32 s21, v19;
	_ =	sdelay $0x1  }
0x390: {  	v4 =	vmul.f32 v5, v4;
	_ =	sdelay $0x1  }
0x391: {  	v4 =	vadd.f32 v4, v20;
	_ =	sdelay $0x1  }
0x392: {  	v21 =	vld [tilespmem:s11+$0x7420];
	[tilespmem:s11+$0x7410] =	vst v4  }
0x393: {  	v22 =	vld [tilespmem:$0xC620];
	_ =	sdelay $0x3  }
0x394: {  	v23 =	vld [tilespmem:$0xC920]  }
0x395: {  	v4 =	vsub.f32 v21, v3;
	v5 =	vmul.f32 s21, v22;
	_ =	sdelay $0x1  }
0x396: {  	v4 =	vmul.f32 v5, v4;
	_ =	sdelay $0x1  }
0x397: {  	v4 =	vadd.f32 v4, v23;
	_ =	sdelay $0x1  }
0x398: {  	v24 =	vld [tilespmem:s11+$0x7430];
	[tilespmem:s11+$0x7420] =	vst v4  }
0x399: {  	v25 =	vld [tilespmem:$0xC630];
	_ =	sdelay $0x3  }
0x39a: {  	v26 =	vld [tilespmem:$0xC930]  }
0x39b: {  	v4 =	vsub.f32 v24, v3;
	v5 =	vmul.f32 s21, v25;
	_ =	sdelay $0x1  }
0x39c: {  	v4 =	vmul.f32 v5, v4;
	_ =	sdelay $0x1  }
0x39d: {  	v4 =	vadd.f32 v4, v26;
	_ =	sdelay $0x1  }
0x39e: {  	v27 =	vld [tilespmem:s11+$0x7440];
	[tilespmem:s11+$0x7430] =	vst v4  }
0x39f: {  	v28 =	vld [tilespmem:$0xC640];
	_ =	sdelay $0x3  }
0x3a0: {  	v29 =	vld [tilespmem:$0xC940]  }
0x3a1: {  	v4 =	vsub.f32 v27, v3;
	v5 =	vmul.f32 s21, v28;
	_ =	sdelay $0x1  }
0x3a2: {  	v4 =	vmul.f32 v5, v4;
	_ =	sdelay $0x1  }
0x3a3: {  	v4 =	vadd.f32 v4, v29;
	_ =	sdelay $0x1  }
0x3a4: {  	v30 =	vld [tilespmem:s11+$0x7450];
	[tilespmem:s11+$0x7440] =	vst v4  }
0x3a5: {  	v31 =	vld [tilespmem:$0xC650];
	_ =	sdelay $0x3  }
0x3a6: {  	v32 =	vld [tilespmem:$0xC950]  }
0x3a7: {  	v4 =	vsub.f32 v30, v3;
	v5 =	vmul.f32 s21, v31;
	_ =	sdelay $0x1  }
0x3a8: {  	v4 =	vmul.f32 v5, v4;
	_ =	sdelay $0x1  }
0x3a9: {  	v4 =	vadd.f32 v4, v32;
	_ =	sdelay $0x1  }
0x3aa: {  	v33 =	vld [tilespmem:s11+$0x7460];
	[tilespmem:s11+$0x7450] =	vst v4  }
0x3ab: {  	v34 =	vld [tilespmem:$0xC660];
	_ =	sdelay $0x3  }
0x3ac: {  	v35 =	vld [tilespmem:$0xC960]  }
0x3ad: {  	v4 =	vsub.f32 v33, v3;
	v5 =	vmul.f32 s21, v34;
	_ =	sdelay $0x1  }
0x3ae: {  	v4 =	vmul.f32 v5, v4;
	_ =	sdelay $0x1  }
0x3af: {  	v4 =	vadd.f32 v4, v35;
	_ =	sdelay $0x1  }
0x3b0: {  	v36 =	vld [tilespmem:s11+$0x7470];
	[tilespmem:s11+$0x7460] =	vst v4  }
0x3b1: {  	v37 =	vld [tilespmem:$0xC670];
	_ =	sdelay $0x3  }
0x3b2: {  	v38 =	vld [tilespmem:$0xC970]  }
0x3b3: {  	v4 =	vsub.f32 v36, v3;
	v5 =	vmul.f32 s21, v37;
	_ =	sdelay $0x1  }
0x3b4: {  	v4 =	vmul.f32 v5, v4;
	_ =	sdelay $0x1  }
0x3b5: {  	v4 =	vadd.f32 v4, v38;
	_ =	sdelay $0x1  }
0x3b6: {  	v39 =	vld [tilespmem:s11+$0x7800];
	[tilespmem:s11+$0x7470] =	vst v4  }
0x3b7: {  	v40 =	vld [tilespmem:$0xC680];
	_ =	sdelay $0x3  }
0x3b8: {  	v41 =	vld [tilespmem:$0xC980]  }
0x3b9: {  	v4 =	vsub.f32 v39, v3;
	v5 =	vmul.f32 s21, v40;
	_ =	sdelay $0x1  }
0x3ba: {  	v4 =	vmul.f32 v5, v4;
	_ =	sdelay $0x1  }
0x3bb: {  	v4 =	vadd.f32 v4, v41;
	_ =	sdelay $0x1  }
0x3bc: {  	v42 =	vld [tilespmem:s11+$0x7810];
	[tilespmem:s11+$0x7800] =	vst v4  }
0x3bd: {  	v43 =	vld [tilespmem:$0xC690];
	_ =	sdelay $0x3  }
0x3be: {  	v44 =	vld [tilespmem:$0xC990]  }
0x3bf: {  	v4 =	vsub.f32 v42, v3;
	v5 =	vmul.f32 s21, v43;
	_ =	sdelay $0x1  }
0x3c0: {  	v4 =	vmul.f32 v5, v4;
	_ =	sdelay $0x1  }
0x3c1: {  	v4 =	vadd.f32 v4, v44;
	_ =	sdelay $0x1  }
0x3c2: {  	v45 =	vld [tilespmem:s11+$0x7820];
	[tilespmem:s11+$0x7810] =	vst v4  }
0x3c3: {  	v46 =	vld [tilespmem:$0xC6A0];
	_ =	sdelay $0x3  }
0x3c4: {  	v47 =	vld [tilespmem:$0xC9A0]  }
0x3c5: {  	v4 =	vsub.f32 v45, v3;
	v5 =	vmul.f32 s21, v46;
	_ =	sdelay $0x1  }
0x3c6: {  	v4 =	vmul.f32 v5, v4;
	_ =	sdelay $0x1  }
0x3c7: {  	v4 =	vadd.f32 v4, v47;
	_ =	sdelay $0x1  }
0x3c8: {  	v48 =	vld [tilespmem:s11+$0x7830];
	[tilespmem:s11+$0x7820] =	vst v4  }
0x3c9: {  	v49 =	vld [tilespmem:$0xC6B0];
	_ =	sdelay $0x3  }
0x3ca: {  	v50 =	vld [tilespmem:$0xC9B0]  }
0x3cb: {  	v4 =	vsub.f32 v48, v3;
	v5 =	vmul.f32 s21, v49;
	_ =	sdelay $0x1  }
0x3cc: {  	v4 =	vmul.f32 v5, v4;
	_ =	sdelay $0x1  }
0x3cd: {  	v4 =	vadd.f32 v4, v50;
	_ =	sdelay $0x1  }
0x3ce: {  	v51 =	vld [tilespmem:s11+$0x7840];
	[tilespmem:s11+$0x7830] =	vst v4  }
0x3cf: {  	v52 =	vld [tilespmem:$0xC6C0];
	_ =	sdelay $0x3  }
0x3d0: {  	v53 =	vld [tilespmem:$0xC9C0]  }
0x3d1: {  	v4 =	vsub.f32 v51, v3;
	v5 =	vmul.f32 s21, v52;
	_ =	sdelay $0x1  }
0x3d2: {  	v4 =	vmul.f32 v5, v4;
	_ =	sdelay $0x1  }
0x3d3: {  	v4 =	vadd.f32 v4, v53;
	_ =	sdelay $0x1  }
0x3d4: {  	v54 =	vld [tilespmem:s11+$0x7850];
	[tilespmem:s11+$0x7840] =	vst v4  }
0x3d5: {  	v55 =	vld [tilespmem:$0xC6D0];
	_ =	sdelay $0x3  }
0x3d6: {  	v56 =	vld [tilespmem:$0xC9D0]  }
0x3d7: {  	v4 =	vsub.f32 v54, v3;
	v5 =	vmul.f32 s21, v55;
	_ =	sdelay $0x1  }
0x3d8: {  	v4 =	vmul.f32 v5, v4;
	_ =	sdelay $0x1  }
0x3d9: {  	v4 =	vadd.f32 v4, v56;
	_ =	sdelay $0x1  }
0x3da: {  	v57 =	vld [tilespmem:s11+$0x7860];
	[tilespmem:s11+$0x7850] =	vst v4  }
0x3db: {  	v58 =	vld [tilespmem:$0xC6E0];
	_ =	sdelay $0x3  }
0x3dc: {  	v59 =	vld [tilespmem:$0xC9E0]  }
0x3dd: {  	v4 =	vsub.f32 v57, v3;
	v5 =	vmul.f32 s21, v58;
	_ =	sdelay $0x1  }
0x3de: {  	v4 =	vmul.f32 v5, v4;
	_ =	sdelay $0x1  }
0x3df: {  	v4 =	vadd.f32 v4, v59;
	_ =	sdelay $0x1  }
0x3e0: {  	v60 =	vld [tilespmem:s11+$0x7870];
	[tilespmem:s11+$0x7860] =	vst v4  }
0x3e1: {  	v61 =	vld [tilespmem:$0xC6F0];
	_ =	sdelay $0x3  }
0x3e2: {  	v62 =	vld [tilespmem:$0xC9F0]  }
0x3e3: {  	v3 =	vsub.f32 v60, v3;
	v63 =	vmul.f32 s21, v61  }
0x3e4: {  	p0 =	sne.s32 s8, $0x1F  }
.Ltmp1:
0x3e5: {  	v3 =	vmul.f32 v63, v3;
	(pc) =	sbr.rel @p0 .LBB2_5-.Ltmp1, $3  }
0x3e6: {  	_ = 	snop  }
0x3e7: {  	v3 =	vadd.f32 v3, v62;
	_ =	sdelay $0x1  }
0x3e8: {  	s25 =	sadd.s32 $0x80, s25;
	s8 =	sadd.s32 $0x1, s8;
	[tilespmem:s11+$0x7870] =	vst v3  }
0x3e9: {  	s23 =	sadd.s32 $0x1, s23  }
0x3ea: {  	s8 =	sor.u32 s7, s24;
	p0 =	sne.s32 s23, $0x10  }
.Ltmp2:
0x3eb: {  	s8 =	sshrl.u32 s8, $0x3;
	(pc) =	sbr.rel @p0 .LBB2_2-.Ltmp2, $3  }
0x3ec: {  	s8 =	smul.u32 $0x300, s8;
	_ =	sdelay $0x1  }
0x3ed: {  	s8 =	sadd.s32 s5, s8  }
0x3ee: {  	[hbm4b:s8+s6] =	stream.linear.scatter [tilespmem:s28], [sflag:$0x4], $0x6000, $0x38;
	[tilespmem:$0xCA00] =	vst v63  }
0x3ef: {  	s11 =	simm.s32 $0x4  }
0x3f0: {  	_ =	swait.ge [sflag:s11], $0x6000  }
0x3f1: {  	s12 =	rddreg [dreg:$0x8]  }
0x3f2: {  	s8 =	rddreg [dreg:$0x7];
	s12 =	sadd.s32 $0x1, s12  }
0x3f3: {  	p0 =	sne.s32 s12, s8  }
.Ltmp3:
0x3f4: {  	_ = 	snop;
	(pc) =	sbr.rel @p0 .LBB2_1-.Ltmp3, $3  }
0x3f5: {  	_ =	sdelay $0x1  }
0x3f6: {  	[sflag:s11] =	ssyncset.done $0x0  }
0x3f7: {  	[sflag:s11] =	ssyncadd.s32 $0xFFFFA000  }
0x3f8: {  	_ =	sfence.sel $0x180000  }
0x3f9: {  	[bflag:$0x0] =	sbarrier.arrive $0xFFFF  }
0x3fa: {  	_ =	strace $0x90000047  }
0x3fb: {  	s0 =	stileid.u32;
	[bflag:$0x2] =	sbarrier.arrive $0xFFFF  }
0x3fc: {  	p0 =	sne.s32 s0, $0x0;
	s0 =	rddreg [dreg:$0x5]  }
0x3fd: {  	s0 =	sadd.s32 @!p0 $0x100000, s0  }
0x3fe: {  	[sflag:s0] =	ssyncadd.tile.s32 @!p0 $0x1;
	_ =	shalt  }
.Lfunc_end2:
_tile_overlayer_lowered:
.L_overlay_start_2:
0x3ff: {  	(tag) =	ssettag $0x2  }
0x400: {  	s0 =	rddreg [dreg:$0x0];
	s2 =	stileid.u32  }
0x401: {  	s1 =	rddreg [dreg:$0x1];
	p0 =	sne.s32 s2, $0x0  }
0x402: {  	s3 =	rddreg [dreg:$0x2];
	[bflag:$0x3] =	sbarrier.arrive $0xFFFF;
	s2 =	simm.s32 @!p0 $0x1C05  }
0x403: {  	[timem:s3], [sflag:s2] =	dma.local @!p0 [hbm:s0], s1  }
0x404: {  	s0 =	simm.s32 @!p0 $0x5  }
0x405: {  	_ =	swait.ge @!p0 [sflag:s0], s1  }
0x406: {  	s1 =	ssub.s32 @!p0 $0x0, s1;
	[sflag:s0] =	ssyncset.done @!p0 $0x0  }
0x407: {  	[sflag:s0] =	ssyncadd.s32 @!p0 s1  }
0x408: {  	[bflag:$0x3] =	sbarrier.arrive $0xFFFF  }
0x409: {  	_ =	shalt  }

</sc_bundles>
